<compile_context>
chip_gen: v7x
topology: tpu7x:2x2x1
jax: 0.10.2.dev20260603
libtpu: 0.0.44.dev20260713+nightly
codegen_flags: <defaults>
</compile_context>

<pallas_src>
import functools

import jax
import jax.numpy as jnp
from jax import lax
from jax.experimental import pallas as pl
from jax.experimental.pallas import tpu as pltpu
from jax.experimental.pallas import tpu_sc as plsc



def _make_sc_gather(t_blk, n_b, emb):
  info = plsc.get_sparse_core_info()
  nc, ns = info.num_cores, info.num_subcores
  nw = nc * ns
  n_rows = t_blk * n_b
  b_per_w = n_rows // nw
  ch = 128
  n_ch = b_per_w // ch
  fire = max(f for f in range(1, min(16, n_ch) + 1) if n_ch % f == 0)
  w_per_t = nw // t_blk
  n_j = n_b // 4
  mesh = plsc.VectorSubcoreMesh(core_axis_name="c", subcore_axis_name="s")

  @functools.partial(
      pl.kernel, mesh=mesh,
      out_type=jax.ShapeDtypeStruct((t_blk, n_j, 4 * emb), jnp.float32),
      compiler_params=pltpu.CompilerParams(use_tc_tiling_on_sc=False),
      scratch_types=[
          pltpu.VMEM((n_ch, ch), jnp.int32),
          pltpu.VMEM((fire * ch, emb), jnp.float32),
          pltpu.SemaphoreType.DMA,
      ],
  )
  def gather(table_hbm, idx_hbm, out_hbm, idx_v, rows_v, sem):
    wid = lax.axis_index("s") * nc + lax.axis_index("c")
    t = wid // w_per_t
    m = wid % w_per_t
    b0 = m * b_per_w
    r = b0 // n_j
    j00 = b0 % n_j
    pltpu.sync_copy(idx_hbm.at[wid], idx_v)

    def round_(rd):
      for k in range(fire):
        pltpu.async_copy(table_hbm.at[idx_v.at[rd * fire + k]],
                         rows_v.at[pl.ds(k * ch, ch)], sem)
      for k in range(fire):
        pltpu.make_async_copy(table_hbm.at[idx_v.at[0]],
                              rows_v.at[pl.ds(k * ch, ch)], sem).wait()
      pltpu.sync_copy(
          rows_v,
          out_hbm.at[t, pl.ds(j00 + rd * fire * ch, fire * ch),
                     pl.ds(r * emb, emb)])

    pl.loop(0, n_ch // fire)(round_)

  return gather, nw, n_ch, ch



def _lm_head(xp, poswb, wt, b_blk, t_total, t_off, prev=None):
  t_blk, n_j, _ = xp.shape
  vocab, emb = wt.shape
  grid = (n_j // b_blk, 4)

  def body(*refs):
    x_ref, w_ref, pw_ref = refs[-4:-1]
    o_ref = refs[-1]
    r = pl.program_id(1)
    for rr in range(4):
      @pl.when(r == rr)
      def _():
        for t in range(t_blk):
          p = x_ref[t][:, rr * emb:(rr + 1) * emb]
          o_ref[t] = (
              jax.lax.dot_general(
                  w_ref[...], p, (((1,), (1,)), ((), ())),
                  preferred_element_type=jnp.float32)
              + pw_ref[t][:, None]
          )

  in_specs = [
      pl.BlockSpec((t_blk, b_blk, 4 * emb), lambda j, r: (0, j, 0)),
      pl.BlockSpec((vocab, emb), lambda j, r: (0, 0)),
      pl.BlockSpec((t_blk, vocab), lambda j, r: (0, 0)),
  ]
  args = [xp, wt, poswb]
  aliases = {}
  if prev is not None:
    in_specs = [pl.BlockSpec(memory_space=pl.ANY)] + in_specs
    args = [prev] + args
    aliases = {0: 0}

  n_jb = n_j // b_blk
  return pl.pallas_call(
      body,
      grid=grid,
      in_specs=in_specs,
      out_specs=pl.BlockSpec((t_blk, vocab, b_blk),
                             lambda j, r: (t_off, 0, r * n_jb + j)),
      out_shape=jax.ShapeDtypeStruct((t_total, vocab, 4 * n_j), jnp.float32),
      input_output_aliases=aliases,
      compiler_params=pltpu.CompilerParams(
          dimension_semantics=("arbitrary", "arbitrary"),
      ),
  )(*args)



def kernel(idx, tok_table, pos_table, W, b):
  B, T = idx.shape
  vocab, emb = tok_table.shape
  b_blk = 512
  t_blk = T // 2

  idxT = idx.T
  wt = W.T
  poswb = pos_table @ W + b[None, :]
  out = None
  for k in range(2):
    sc_gather, nw, n_ch, ch = _make_sc_gather(t_blk, B, emb)
    idx_c = idxT[k * t_blk:(k + 1) * t_blk].reshape(nw, n_ch, ch)
    xp = sc_gather(tok_table, idx_c)
    out = _lm_head(xp, poswb[k * t_blk:(k + 1) * t_blk], wt,
                   b_blk, T, k, prev=out)
  return out.transpose(2, 0, 1)

# --- scband reference (transcript-rebuilt; emitter-appended) ---
"""Pipeline reference for scband-bigram-language-model-49864570307207 (READ-ONLY COPY).

The authoritative reference and input builder live on the scoring server;
editing this copy changes nothing except your own understanding.
"""

import jax, jax.numpy as jnp
import numpy as np

VOCAB_SIZE = 1000
N_EMBED = 32
BLOCK_SIZE = 8
BATCH = 16384


def setup_inputs(seed: int = 0) -> dict:
    key = jax.random.key(seed)
    k1, k2, k3, k4 = jax.random.split(key, 4)
    idx = jax.random.randint(k1, (BATCH, BLOCK_SIZE), 0, VOCAB_SIZE, dtype=jnp.int32)
    tok_table = jax.random.normal(k2, (VOCAB_SIZE, N_EMBED), dtype=jnp.float32) * 0.02
    pos_table = jax.random.normal(k3, (BLOCK_SIZE, N_EMBED), dtype=jnp.float32) * 0.02
    W = jax.random.normal(k4, (N_EMBED, VOCAB_SIZE), dtype=jnp.float32) * (1.0 / np.sqrt(N_EMBED))
    b = jnp.zeros((VOCAB_SIZE,), dtype=jnp.float32)
    return {"idx": idx, "tok_table": tok_table, "pos_table": pos_table, "W": W, "b": b}


def reference(idx, tok_table, pos_table, W, b):
    B, T = idx.shape
    # token embedding lookup: gather rows of tok_table
    tok_emb = jnp.take(tok_table, idx, axis=0)            # [B, T, n_embed]
    # position embedding lookup
    pos_emb = jnp.take(pos_table, jnp.arange(T), axis=0)  # [T, n_embed]
    x = tok_emb + pos_emb[None, :, :]                     # [B, T, n_embed]
    # lm_head linear projection
    logits = jnp.einsum('btc,cv->btv', x, W) + b          # [B, T, vocab]
    return logits

if __name__ == "__main__":
    import jax
    _d = setup_inputs()
    print(jax.jit(kernel)(*tuple(_d.values())))

</pallas_src>

<mosaic_0001>
#map = affine_map<(d0, d1) -> (0, 0)>
#map1 = affine_map<(d0, d1) -> (0, 0, 0)>
module attributes {stable_mosaic.version = 14 : i64} {
  func.func @gather(%arg0: i32, %arg1: i32, %arg2: memref<1000x32xf32, #tpu.memory_space<hbm>>, %arg3: memref<32x16x128xi32, #tpu.memory_space<hbm>>, %arg4: memref<4x4096x128xf32, #tpu.memory_space<hbm>>, %arg5: memref<16x128xi32, #tpu.memory_space<vmem>>, %arg6: memref<2048x32xf32, #tpu.memory_space<vmem>>, %arg7: memref<!tpu.dma_semaphore, #tpu.memory_space<semaphore_mem>>) attributes {dimension_semantics = [#tpu.dimension_semantics<core_parallel>, #tpu.dimension_semantics<subcore_parallel>], iteration_bounds = array<i64: 2, 16>, scalar_prefetch = 0 : i64, scratch_operands = 3 : i64, tpu.core_type = #tpu.core_type<sc_vector_subcore>, window_params = [{transform_indices = #map}, {transform_indices = #map1}, {transform_indices = #map1}]} {
    %mul3A = arith.constant 2 : i32
    %mul3A_0 = arith.muli %arg1, %mul3A : i32
    %add3A = arith.addi %mul3A_0, %arg0 : i32
    %jit3A = arith.constant 8 : i32
    %div3A = arith.divsi %add3A, %jit3A : i32
    %sign3A = arith.constant 0 : i32
    %sign3A_1 = arith.cmpi sgt, %add3A, %sign3A : i32
    %sign3A_2 = arith.extui %sign3A_1 : i1 to i32
    %sign3A_3 = arith.constant 0 : i32
    %sign3A_4 = arith.cmpi slt, %add3A, %sign3A_3 : i32
    %sign3A_5 = arith.extui %sign3A_4 : i1 to i32
    %sign3A_6 = arith.subi %sign3A_2, %sign3A_5 : i32
    %sign3A_7 = arith.constant 0 : i32
    %sign3A_8 = arith.cmpi sgt, %jit3A, %sign3A_7 : i32
    %sign3A_9 = arith.extui %sign3A_8 : i1 to i32
    %sign3A_10 = arith.constant 0 : i32
    %sign3A_11 = arith.cmpi slt, %jit3A, %sign3A_10 : i32
    %sign3A_12 = arith.extui %sign3A_11 : i1 to i32
    %sign3A_13 = arith.subi %sign3A_9, %sign3A_12 : i32
    %ne3A = arith.cmpi ne, %sign3A_6, %sign3A_13 : i32
    %rem3A = arith.remsi %add3A, %jit3A : i32
    %ne3A_14 = arith.constant 0 : i32
    %ne3A_15 = arith.cmpi ne, %rem3A, %ne3A_14 : i32
    %and3A = arith.andi %ne3A, %ne3A_15 : i1
    %sub3A = arith.constant 1 : i32
    %sub3A_16 = arith.subi %div3A, %sub3A : i32
    %select_n3A = arith.select %and3A, %sub3A_16, %div3A : i32
    %jit3A_17 = arith.constant 8 : i32
    %eq3A = arith.constant 0 : i32
    %eq3A_18 = arith.cmpi eq, %jit3A_17, %eq3A : i32
    %jit3A_19 = arith.constant 1 : i32
    %select_n3A_20 = arith.select %eq3A_18, %jit3A_19, %jit3A_17 : i32
    %rem3A_21 = arith.remsi %add3A, %select_n3A_20 : i32
    %ne3A_22 = arith.constant 0 : i32
    %ne3A_23 = arith.cmpi ne, %rem3A_21, %ne3A_22 : i32
    %lt3A = arith.constant 0 : i32
    %lt3A_24 = arith.cmpi slt, %rem3A_21, %lt3A : i32
    %lt3A_25 = arith.constant 0 : i32
    %lt3A_26 = arith.cmpi slt, %select_n3A_20, %lt3A_25 : i32
    %ne3A_27 = arith.xori %lt3A_24, %lt3A_26 : i1
    %and3A_28 = arith.andi %ne3A_27, %ne3A_23 : i1
    %add3A_29 = arith.addi %rem3A_21, %select_n3A_20 : i32
    %select_n3A_30 = arith.select %and3A_28, %add3A_29, %rem3A_21 : i32
    %mul3A_31 = arith.constant 2048 : i32
    %mul3A_32 = arith.muli %select_n3A_30, %mul3A_31 : i32
    %jit3A_33 = arith.constant 4096 : i32
    %div3A_34 = arith.divsi %mul3A_32, %jit3A_33 : i32
    %sign3A_35 = arith.constant 0 : i32
    %sign3A_36 = arith.cmpi sgt, %mul3A_32, %sign3A_35 : i32
    %sign3A_37 = arith.extui %sign3A_36 : i1 to i32
    %sign3A_38 = arith.constant 0 : i32
    %sign3A_39 = arith.cmpi slt, %mul3A_32, %sign3A_38 : i32
    %sign3A_40 = arith.extui %sign3A_39 : i1 to i32
    %sign3A_41 = arith.subi %sign3A_37, %sign3A_40 : i32
    %sign3A_42 = arith.constant 0 : i32
    %sign3A_43 = arith.cmpi sgt, %jit3A_33, %sign3A_42 : i32
    %sign3A_44 = arith.extui %sign3A_43 : i1 to i32
    %sign3A_45 = arith.constant 0 : i32
    %sign3A_46 = arith.cmpi slt, %jit3A_33, %sign3A_45 : i32
    %sign3A_47 = arith.extui %sign3A_46 : i1 to i32
    %sign3A_48 = arith.subi %sign3A_44, %sign3A_47 : i32
    %ne3A_49 = arith.cmpi ne, %sign3A_41, %sign3A_48 : i32
    %rem3A_50 = arith.remsi %mul3A_32, %jit3A_33 : i32
    %ne3A_51 = arith.constant 0 : i32
    %ne3A_52 = arith.cmpi ne, %rem3A_50, %ne3A_51 : i32
    %and3A_53 = arith.andi %ne3A_49, %ne3A_52 : i1
    %sub3A_54 = arith.constant 1 : i32
    %sub3A_55 = arith.subi %div3A_34, %sub3A_54 : i32
    %select_n3A_56 = arith.select %and3A_53, %sub3A_55, %div3A_34 : i32
    %jit3A_57 = arith.constant 4096 : i32
    %eq3A_58 = arith.constant 0 : i32
    %eq3A_59 = arith.cmpi eq, %jit3A_57, %eq3A_58 : i32
    %jit3A_60 = arith.constant 1 : i32
    %select_n3A_61 = arith.select %eq3A_59, %jit3A_60, %jit3A_57 : i32
    %rem3A_62 = arith.remsi %mul3A_32, %select_n3A_61 : i32
    %ne3A_63 = arith.constant 0 : i32
    %ne3A_64 = arith.cmpi ne, %rem3A_62, %ne3A_63 : i32
    %lt3A_65 = arith.constant 0 : i32
    %lt3A_66 = arith.cmpi slt, %rem3A_62, %lt3A_65 : i32
    %lt3A_67 = arith.constant 0 : i32
    %lt3A_68 = arith.cmpi slt, %select_n3A_61, %lt3A_67 : i32
    %ne3A_69 = arith.xori %lt3A_66, %lt3A_68 : i1
    %and3A_70 = arith.andi %ne3A_69, %ne3A_64 : i1
    %add3A_71 = arith.addi %rem3A_62, %select_n3A_61 : i32
    %select_n3A_72 = arith.select %and3A_70, %add3A_71, %rem3A_62 : i32
    "tpu.region"() ({
      %run_scoped3A = tpu.sem_alloc : memref<!tpu.dma_semaphore, #tpu.memory_space<semaphore_mem>>
      %dma_start3A_451 = arith.constant 0 : i32
      %dma_start3A_452 = arith.constant 0 : i32
      %dma_start3A_453 = tpu.memref_slice %arg3[%add3A, %dma_start3A_451, %dma_start3A_452] : memref<32x16x128xi32, #tpu.memory_space<hbm>> -> memref<1x16x128xi32, #tpu.memory_space<hbm>>
      %dma_start3A_454 = tpu.memref_squeeze %dma_start3A_453 : memref<1x16x128xi32, #tpu.memory_space<hbm>> -> memref<16x128xi32, #tpu.memory_space<hbm>>
      %dma_start3A_455 = arith.constant 0 : i32
      %dma_start3A_456 = arith.constant 0 : i32
      %dma_start3A_457 = tpu.memref_slice %arg3[%add3A, %dma_start3A_455, %dma_start3A_456] : memref<32x16x128xi32, #tpu.memory_space<hbm>> -> memref<1x16x128xi32, #tpu.memory_space<hbm>>
      %dma_start3A_458 = tpu.memref_squeeze %dma_start3A_457 : memref<1x16x128xi32, #tpu.memory_space<hbm>> -> memref<16x128xi32, #tpu.memory_space<hbm>>
      tpu.enqueue_dma source(%dma_start3A_458 : memref<16x128xi32, #tpu.memory_space<hbm>>) target(%arg5 : memref<16x128xi32, #tpu.memory_space<vmem>>) target_semaphore(%run_scoped3A : memref<!tpu.dma_semaphore, #tpu.memory_space<semaphore_mem>>)
      %dma_wait3A_459 = arith.constant 0 : i32
      %dma_wait3A_460 = arith.constant 0 : i32
      %dma_wait3A_461 = tpu.memref_slice %arg3[%add3A, %dma_wait3A_459, %dma_wait3A_460] : memref<32x16x128xi32, #tpu.memory_space<hbm>> -> memref<1x16x128xi32, #tpu.memory_space<hbm>>
      %dma_wait3A_462 = tpu.memref_squeeze %dma_wait3A_461 : memref<1x16x128xi32, #tpu.memory_space<hbm>> -> memref<16x128xi32, #tpu.memory_space<hbm>>
      %dma_wait3A_463 = arith.constant 0 : i32
      %dma_wait3A_464 = arith.constant 0 : i32
      %dma_wait3A_465 = tpu.memref_slice %arg3[%add3A, %dma_wait3A_463, %dma_wait3A_464] : memref<32x16x128xi32, #tpu.memory_space<hbm>> -> memref<1x16x128xi32, #tpu.memory_space<hbm>>
      %dma_wait3A_466 = tpu.memref_squeeze %dma_wait3A_465 : memref<1x16x128xi32, #tpu.memory_space<hbm>> -> memref<16x128xi32, #tpu.memory_space<hbm>>
      tpu.wait_dma2 semaphore(%run_scoped3A : memref<!tpu.dma_semaphore, #tpu.memory_space<semaphore_mem>>) src(%dma_wait3A_466 : memref<16x128xi32, #tpu.memory_space<hbm>>) dst(%arg5 : memref<16x128xi32, #tpu.memory_space<vmem>>)
      tpu.yield
    }) : () -> ()
    %scan3A = arith.constant 0 : i32
    %mul3A_73 = arith.constant 1 : i32
    %mul3A_74 = arith.muli %scan3A, %mul3A_73 : i32
    %add3A_75 = arith.constant 0 : i32
    %add3A_76 = arith.addi %add3A_75, %mul3A_74 : i32
    %mul3A_77 = arith.constant 16 : i32
    %mul3A_78 = arith.muli %add3A_76, %mul3A_77 : i32
    %add3A_79 = arith.constant 0 : i32
    %add3A_80 = arith.addi %mul3A_78, %add3A_79 : i32
    %dma_start3A = arith.constant 0 : i32
    %dma_start3A_81 = arith.constant 0 : i32
    %dma_start3A_82 = tpu.memref_slice %arg6[%dma_start3A, %dma_start3A_81] : memref<2048x32xf32, #tpu.memory_space<vmem>> -> memref<128x32xf32, #tpu.memory_space<vmem>>
    %dma_start3A_83 = arith.constant 0 : i32
    %dma_start3A_84 = tpu.memref_slice %arg5[%add3A_80, %dma_start3A_83] : memref<16x128xi32, #tpu.memory_space<vmem>> -> memref<1x128xi32, #tpu.memory_space<vmem>>
    %dma_start3A_85 = tpu.memref_squeeze %dma_start3A_84 : memref<1x128xi32, #tpu.memory_space<vmem>> -> memref<128xi32, #tpu.memory_space<vmem>>
    %dma_start3A_86 = arith.constant 0 : i32
    %dma_start3A_87 = arith.constant 0 : i32
    %dma_start3A_88 = tpu.memref_slice %arg2[%dma_start3A_86, %dma_start3A_87] : memref<1000x32xf32, #tpu.memory_space<hbm>> -> memref<1000x32xf32, #tpu.memory_space<hbm>>
    tpu.enqueue_indirect_dma source(%dma_start3A_88 : memref<1000x32xf32, #tpu.memory_space<hbm>>) target(%dma_start3A_82 : memref<128x32xf32, #tpu.memory_space<vmem>>) offsets(%dma_start3A_85 : memref<128xi32, #tpu.memory_space<vmem>>) semaphore(%arg7 : memref<!tpu.dma_semaphore, #tpu.memory_space<semaphore_mem>>)
    %mul3A_89 = arith.constant 16 : i32
    %mul3A_90 = arith.muli %add3A_76, %mul3A_89 : i32
    %add3A_91 = arith.constant 1 : i32
    %add3A_92 = arith.addi %mul3A_90, %add3A_91 : i32
    %dma_start3A_93 = arith.constant 128 : i32
    %dma_start3A_94 = arith.constant 0 : i32
    %dma_start3A_95 = tpu.memref_slice %arg6[%dma_start3A_93, %dma_start3A_94] : memref<2048x32xf32, #tpu.memory_space<vmem>> -> memref<128x32xf32, #tpu.memory_space<vmem>>
    %dma_start3A_96 = arith.constant 0 : i32
    %dma_start3A_97 = tpu.memref_slice %arg5[%add3A_92, %dma_start3A_96] : memref<16x128xi32, #tpu.memory_space<vmem>> -> memref<1x128xi32, #tpu.memory_space<vmem>>
    %dma_start3A_98 = tpu.memref_squeeze %dma_start3A_97 : memref<1x128xi32, #tpu.memory_space<vmem>> -> memref<128xi32, #tpu.memory_space<vmem>>
    %dma_start3A_99 = arith.constant 0 : i32
    %dma_start3A_100 = arith.constant 0 : i32
    %dma_start3A_101 = tpu.memref_slice %arg2[%dma_start3A_99, %dma_start3A_100] : memref<1000x32xf32, #tpu.memory_space<hbm>> -> memref<1000x32xf32, #tpu.memory_space<hbm>>
    tpu.enqueue_indirect_dma source(%dma_start3A_101 : memref<1000x32xf32, #tpu.memory_space<hbm>>) target(%dma_start3A_95 : memref<128x32xf32, #tpu.memory_space<vmem>>) offsets(%dma_start3A_98 : memref<128xi32, #tpu.memory_space<vmem>>) semaphore(%arg7 : memref<!tpu.dma_semaphore, #tpu.memory_space<semaphore_mem>>)
    %mul3A_102 = arith.constant 16 : i32
    %mul3A_103 = arith.muli %add3A_76, %mul3A_102 : i32
    %add3A_104 = arith.constant 2 : i32
    %add3A_105 = arith.addi %mul3A_103, %add3A_104 : i32
    %dma_start3A_106 = arith.constant 256 : i32
    %dma_start3A_107 = arith.constant 0 : i32
    %dma_start3A_108 = tpu.memref_slice %arg6[%dma_start3A_106, %dma_start3A_107] : memref<2048x32xf32, #tpu.memory_space<vmem>> -> memref<128x32xf32, #tpu.memory_space<vmem>>
    %dma_start3A_109 = arith.constant 0 : i32
    %dma_start3A_110 = tpu.memref_slice %arg5[%add3A_105, %dma_start3A_109] : memref<16x128xi32, #tpu.memory_space<vmem>> -> memref<1x128xi32, #tpu.memory_space<vmem>>
    %dma_start3A_111 = tpu.memref_squeeze %dma_start3A_110 : memref<1x128xi32, #tpu.memory_space<vmem>> -> memref<128xi32, #tpu.memory_space<vmem>>
    %dma_start3A_112 = arith.constant 0 : i32
    %dma_start3A_113 = arith.constant 0 : i32
    %dma_start3A_114 = tpu.memref_slice %arg2[%dma_start3A_112, %dma_start3A_113] : memref<1000x32xf32, #tpu.memory_space<hbm>> -> memref<1000x32xf32, #tpu.memory_space<hbm>>
    tpu.enqueue_indirect_dma source(%dma_start3A_114 : memref<1000x32xf32, #tpu.memory_space<hbm>>) target(%dma_start3A_108 : memref<128x32xf32, #tpu.memory_space<vmem>>) offsets(%dma_start3A_111 : memref<128xi32, #tpu.memory_space<vmem>>) semaphore(%arg7 : memref<!tpu.dma_semaphore, #tpu.memory_space<semaphore_mem>>)
    %mul3A_115 = arith.constant 16 : i32
    %mul3A_116 = arith.muli %add3A_76, %mul3A_115 : i32
    %add3A_117 = arith.constant 3 : i32
    %add3A_118 = arith.addi %mul3A_116, %add3A_117 : i32
    %dma_start3A_119 = arith.constant 384 : i32
    %dma_start3A_120 = arith.constant 0 : i32
    %dma_start3A_121 = tpu.memref_slice %arg6[%dma_start3A_119, %dma_start3A_120] : memref<2048x32xf32, #tpu.memory_space<vmem>> -> memref<128x32xf32, #tpu.memory_space<vmem>>
    %dma_start3A_122 = arith.constant 0 : i32
    %dma_start3A_123 = tpu.memref_slice %arg5[%add3A_118, %dma_start3A_122] : memref<16x128xi32, #tpu.memory_space<vmem>> -> memref<1x128xi32, #tpu.memory_space<vmem>>
    %dma_start3A_124 = tpu.memref_squeeze %dma_start3A_123 : memref<1x128xi32, #tpu.memory_space<vmem>> -> memref<128xi32, #tpu.memory_space<vmem>>
    %dma_start3A_125 = arith.constant 0 : i32
    %dma_start3A_126 = arith.constant 0 : i32
    %dma_start3A_127 = tpu.memref_slice %arg2[%dma_start3A_125, %dma_start3A_126] : memref<1000x32xf32, #tpu.memory_space<hbm>> -> memref<1000x32xf32, #tpu.memory_space<hbm>>
    tpu.enqueue_indirect_dma source(%dma_start3A_127 : memref<1000x32xf32, #tpu.memory_space<hbm>>) target(%dma_start3A_121 : memref<128x32xf32, #tpu.memory_space<vmem>>) offsets(%dma_start3A_124 : memref<128xi32, #tpu.memory_space<vmem>>) semaphore(%arg7 : memref<!tpu.dma_semaphore, #tpu.memory_space<semaphore_mem>>)
    %mul3A_128 = arith.constant 16 : i32
    %mul3A_129 = arith.muli %add3A_76, %mul3A_128 : i32
    %add3A_130 = arith.constant 4 : i32
    %add3A_131 = arith.addi %mul3A_129, %add3A_130 : i32
    %dma_start3A_132 = arith.constant 512 : i32
    %dma_start3A_133 = arith.constant 0 : i32
    %dma_start3A_134 = tpu.memref_slice %arg6[%dma_start3A_132, %dma_start3A_133] : memref<2048x32xf32, #tpu.memory_space<vmem>> -> memref<128x32xf32, #tpu.memory_space<vmem>>
    %dma_start3A_135 = arith.constant 0 : i32
    %dma_start3A_136 = tpu.memref_slice %arg5[%add3A_131, %dma_start3A_135] : memref<16x128xi32, #tpu.memory_space<vmem>> -> memref<1x128xi32, #tpu.memory_space<vmem>>
    %dma_start3A_137 = tpu.memref_squeeze %dma_start3A_136 : memref<1x128xi32, #tpu.memory_space<vmem>> -> memref<128xi32, #tpu.memory_space<vmem>>
    %dma_start3A_138 = arith.constant 0 : i32
    %dma_start3A_139 = arith.constant 0 : i32
    %dma_start3A_140 = tpu.memref_slice %arg2[%dma_start3A_138, %dma_start3A_139] : memref<1000x32xf32, #tpu.memory_space<hbm>> -> memref<1000x32xf32, #tpu.memory_space<hbm>>
    tpu.enqueue_indirect_dma source(%dma_start3A_140 : memref<1000x32xf32, #tpu.memory_space<hbm>>) target(%dma_start3A_134 : memref<128x32xf32, #tpu.memory_space<vmem>>) offsets(%dma_start3A_137 : memref<128xi32, #tpu.memory_space<vmem>>) semaphore(%arg7 : memref<!tpu.dma_semaphore, #tpu.memory_space<semaphore_mem>>)
    %mul3A_141 = arith.constant 16 : i32
    %mul3A_142 = arith.muli %add3A_76, %mul3A_141 : i32
    %add3A_143 = arith.constant 5 : i32
    %add3A_144 = arith.addi %mul3A_142, %add3A_143 : i32
    %dma_start3A_145 = arith.constant 640 : i32
    %dma_start3A_146 = arith.constant 0 : i32
    %dma_start3A_147 = tpu.memref_slice %arg6[%dma_start3A_145, %dma_start3A_146] : memref<2048x32xf32, #tpu.memory_space<vmem>> -> memref<128x32xf32, #tpu.memory_space<vmem>>
    %dma_start3A_148 = arith.constant 0 : i32
    %dma_start3A_149 = tpu.memref_slice %arg5[%add3A_144, %dma_start3A_148] : memref<16x128xi32, #tpu.memory_space<vmem>> -> memref<1x128xi32, #tpu.memory_space<vmem>>
    %dma_start3A_150 = tpu.memref_squeeze %dma_start3A_149 : memref<1x128xi32, #tpu.memory_space<vmem>> -> memref<128xi32, #tpu.memory_space<vmem>>
    %dma_start3A_151 = arith.constant 0 : i32
    %dma_start3A_152 = arith.constant 0 : i32
    %dma_start3A_153 = tpu.memref_slice %arg2[%dma_start3A_151, %dma_start3A_152] : memref<1000x32xf32, #tpu.memory_space<hbm>> -> memref<1000x32xf32, #tpu.memory_space<hbm>>
    tpu.enqueue_indirect_dma source(%dma_start3A_153 : memref<1000x32xf32, #tpu.memory_space<hbm>>) target(%dma_start3A_147 : memref<128x32xf32, #tpu.memory_space<vmem>>) offsets(%dma_start3A_150 : memref<128xi32, #tpu.memory_space<vmem>>) semaphore(%arg7 : memref<!tpu.dma_semaphore, #tpu.memory_space<semaphore_mem>>)
    %mul3A_154 = arith.constant 16 : i32
    %mul3A_155 = arith.muli %add3A_76, %mul3A_154 : i32
    %add3A_156 = arith.constant 6 : i32
    %add3A_157 = arith.addi %mul3A_155, %add3A_156 : i32
    %dma_start3A_158 = arith.constant 768 : i32
    %dma_start3A_159 = arith.constant 0 : i32
    %dma_start3A_160 = tpu.memref_slice %arg6[%dma_start3A_158, %dma_start3A_159] : memref<2048x32xf32, #tpu.memory_space<vmem>> -> memref<128x32xf32, #tpu.memory_space<vmem>>
    %dma_start3A_161 = arith.constant 0 : i32
    %dma_start3A_162 = tpu.memref_slice %arg5[%add3A_157, %dma_start3A_161] : memref<16x128xi32, #tpu.memory_space<vmem>> -> memref<1x128xi32, #tpu.memory_space<vmem>>
    %dma_start3A_163 = tpu.memref_squeeze %dma_start3A_162 : memref<1x128xi32, #tpu.memory_space<vmem>> -> memref<128xi32, #tpu.memory_space<vmem>>
    %dma_start3A_164 = arith.constant 0 : i32
    %dma_start3A_165 = arith.constant 0 : i32
    %dma_start3A_166 = tpu.memref_slice %arg2[%dma_start3A_164, %dma_start3A_165] : memref<1000x32xf32, #tpu.memory_space<hbm>> -> memref<1000x32xf32, #tpu.memory_space<hbm>>
    tpu.enqueue_indirect_dma source(%dma_start3A_166 : memref<1000x32xf32, #tpu.memory_space<hbm>>) target(%dma_start3A_160 : memref<128x32xf32, #tpu.memory_space<vmem>>) offsets(%dma_start3A_163 : memref<128xi32, #tpu.memory_space<vmem>>) semaphore(%arg7 : memref<!tpu.dma_semaphore, #tpu.memory_space<semaphore_mem>>)
    %mul3A_167 = arith.constant 16 : i32
    %mul3A_168 = arith.muli %add3A_76, %mul3A_167 : i32
    %add3A_169 = arith.constant 7 : i32
    %add3A_170 = arith.addi %mul3A_168, %add3A_169 : i32
    %dma_start3A_171 = arith.constant 896 : i32
    %dma_start3A_172 = arith.constant 0 : i32
    %dma_start3A_173 = tpu.memref_slice %arg6[%dma_start3A_171, %dma_start3A_172] : memref<2048x32xf32, #tpu.memory_space<vmem>> -> memref<128x32xf32, #tpu.memory_space<vmem>>
    %dma_start3A_174 = arith.constant 0 : i32
    %dma_start3A_175 = tpu.memref_slice %arg5[%add3A_170, %dma_start3A_174] : memref<16x128xi32, #tpu.memory_space<vmem>> -> memref<1x128xi32, #tpu.memory_space<vmem>>
    %dma_start3A_176 = tpu.memref_squeeze %dma_start3A_175 : memref<1x128xi32, #tpu.memory_space<vmem>> -> memref<128xi32, #tpu.memory_space<vmem>>
    %dma_start3A_177 = arith.constant 0 : i32
    %dma_start3A_178 = arith.constant 0 : i32
    %dma_start3A_179 = tpu.memref_slice %arg2[%dma_start3A_177, %dma_start3A_178] : memref<1000x32xf32, #tpu.memory_space<hbm>> -> memref<1000x32xf32, #tpu.memory_space<hbm>>
    tpu.enqueue_indirect_dma source(%dma_start3A_179 : memref<1000x32xf32, #tpu.memory_space<hbm>>) target(%dma_start3A_173 : memref<128x32xf32, #tpu.memory_space<vmem>>) offsets(%dma_start3A_176 : memref<128xi32, #tpu.memory_space<vmem>>) semaphore(%arg7 : memref<!tpu.dma_semaphore, #tpu.memory_space<semaphore_mem>>)
    %mul3A_180 = arith.constant 16 : i32
    %mul3A_181 = arith.muli %add3A_76, %mul3A_180 : i32
    %add3A_182 = arith.constant 8 : i32
    %add3A_183 = arith.addi %mul3A_181, %add3A_182 : i32
    %dma_start3A_184 = arith.constant 1024 : i32
    %dma_start3A_185 = arith.constant 0 : i32
    %dma_start3A_186 = tpu.memref_slice %arg6[%dma_start3A_184, %dma_start3A_185] : memref<2048x32xf32, #tpu.memory_space<vmem>> -> memref<128x32xf32, #tpu.memory_space<vmem>>
    %dma_start3A_187 = arith.constant 0 : i32
    %dma_start3A_188 = tpu.memref_slice %arg5[%add3A_183, %dma_start3A_187] : memref<16x128xi32, #tpu.memory_space<vmem>> -> memref<1x128xi32, #tpu.memory_space<vmem>>
    %dma_start3A_189 = tpu.memref_squeeze %dma_start3A_188 : memref<1x128xi32, #tpu.memory_space<vmem>> -> memref<128xi32, #tpu.memory_space<vmem>>
    %dma_start3A_190 = arith.constant 0 : i32
    %dma_start3A_191 = arith.constant 0 : i32
    %dma_start3A_192 = tpu.memref_slice %arg2[%dma_start3A_190, %dma_start3A_191] : memref<1000x32xf32, #tpu.memory_space<hbm>> -> memref<1000x32xf32, #tpu.memory_space<hbm>>
    tpu.enqueue_indirect_dma source(%dma_start3A_192 : memref<1000x32xf32, #tpu.memory_space<hbm>>) target(%dma_start3A_186 : memref<128x32xf32, #tpu.memory_space<vmem>>) offsets(%dma_start3A_189 : memref<128xi32, #tpu.memory_space<vmem>>) semaphore(%arg7 : memref<!tpu.dma_semaphore, #tpu.memory_space<semaphore_mem>>)
    %mul3A_193 = arith.constant 16 : i32
    %mul3A_194 = arith.muli %add3A_76, %mul3A_193 : i32
    %add3A_195 = arith.constant 9 : i32
    %add3A_196 = arith.addi %mul3A_194, %add3A_195 : i32
    %dma_start3A_197 = arith.constant 1152 : i32
    %dma_start3A_198 = arith.constant 0 : i32
    %dma_start3A_199 = tpu.memref_slice %arg6[%dma_start3A_197, %dma_start3A_198] : memref<2048x32xf32, #tpu.memory_space<vmem>> -> memref<128x32xf32, #tpu.memory_space<vmem>>
    %dma_start3A_200 = arith.constant 0 : i32
    %dma_start3A_201 = tpu.memref_slice %arg5[%add3A_196, %dma_start3A_200] : memref<16x128xi32, #tpu.memory_space<vmem>> -> memref<1x128xi32, #tpu.memory_space<vmem>>
    %dma_start3A_202 = tpu.memref_squeeze %dma_start3A_201 : memref<1x128xi32, #tpu.memory_space<vmem>> -> memref<128xi32, #tpu.memory_space<vmem>>
    %dma_start3A_203 = arith.constant 0 : i32
    %dma_start3A_204 = arith.constant 0 : i32
    %dma_start3A_205 = tpu.memref_slice %arg2[%dma_start3A_203, %dma_start3A_204] : memref<1000x32xf32, #tpu.memory_space<hbm>> -> memref<1000x32xf32, #tpu.memory_space<hbm>>
    tpu.enqueue_indirect_dma source(%dma_start3A_205 : memref<1000x32xf32, #tpu.memory_space<hbm>>) target(%dma_start3A_199 : memref<128x32xf32, #tpu.memory_space<vmem>>) offsets(%dma_start3A_202 : memref<128xi32, #tpu.memory_space<vmem>>) semaphore(%arg7 : memref<!tpu.dma_semaphore, #tpu.memory_space<semaphore_mem>>)
    %mul3A_206 = arith.constant 16 : i32
    %mul3A_207 = arith.muli %add3A_76, %mul3A_206 : i32
    %add3A_208 = arith.constant 10 : i32
    %add3A_209 = arith.addi %mul3A_207, %add3A_208 : i32
    %dma_start3A_210 = arith.constant 1280 : i32
    %dma_start3A_211 = arith.constant 0 : i32
    %dma_start3A_212 = tpu.memref_slice %arg6[%dma_start3A_210, %dma_start3A_211] : memref<2048x32xf32, #tpu.memory_space<vmem>> -> memref<128x32xf32, #tpu.memory_space<vmem>>
    %dma_start3A_213 = arith.constant 0 : i32
    %dma_start3A_214 = tpu.memref_slice %arg5[%add3A_209, %dma_start3A_213] : memref<16x128xi32, #tpu.memory_space<vmem>> -> memref<1x128xi32, #tpu.memory_space<vmem>>
    %dma_start3A_215 = tpu.memref_squeeze %dma_start3A_214 : memref<1x128xi32, #tpu.memory_space<vmem>> -> memref<128xi32, #tpu.memory_space<vmem>>
    %dma_start3A_216 = arith.constant 0 : i32
    %dma_start3A_217 = arith.constant 0 : i32
    %dma_start3A_218 = tpu.memref_slice %arg2[%dma_start3A_216, %dma_start3A_217] : memref<1000x32xf32, #tpu.memory_space<hbm>> -> memref<1000x32xf32, #tpu.memory_space<hbm>>
    tpu.enqueue_indirect_dma source(%dma_start3A_218 : memref<1000x32xf32, #tpu.memory_space<hbm>>) target(%dma_start3A_212 : memref<128x32xf32, #tpu.memory_space<vmem>>) offsets(%dma_start3A_215 : memref<128xi32, #tpu.memory_space<vmem>>) semaphore(%arg7 : memref<!tpu.dma_semaphore, #tpu.memory_space<semaphore_mem>>)
    %mul3A_219 = arith.constant 16 : i32
    %mul3A_220 = arith.muli %add3A_76, %mul3A_219 : i32
    %add3A_221 = arith.constant 11 : i32
    %add3A_222 = arith.addi %mul3A_220, %add3A_221 : i32
    %dma_start3A_223 = arith.constant 1408 : i32
    %dma_start3A_224 = arith.constant 0 : i32
    %dma_start3A_225 = tpu.memref_slice %arg6[%dma_start3A_223, %dma_start3A_224] : memref<2048x32xf32, #tpu.memory_space<vmem>> -> memref<128x32xf32, #tpu.memory_space<vmem>>
    %dma_start3A_226 = arith.constant 0 : i32
    %dma_start3A_227 = tpu.memref_slice %arg5[%add3A_222, %dma_start3A_226] : memref<16x128xi32, #tpu.memory_space<vmem>> -> memref<1x128xi32, #tpu.memory_space<vmem>>
    %dma_start3A_228 = tpu.memref_squeeze %dma_start3A_227 : memref<1x128xi32, #tpu.memory_space<vmem>> -> memref<128xi32, #tpu.memory_space<vmem>>
    %dma_start3A_229 = arith.constant 0 : i32
    %dma_start3A_230 = arith.constant 0 : i32
    %dma_start3A_231 = tpu.memref_slice %arg2[%dma_start3A_229, %dma_start3A_230] : memref<1000x32xf32, #tpu.memory_space<hbm>> -> memref<1000x32xf32, #tpu.memory_space<hbm>>
    tpu.enqueue_indirect_dma source(%dma_start3A_231 : memref<1000x32xf32, #tpu.memory_space<hbm>>) target(%dma_start3A_225 : memref<128x32xf32, #tpu.memory_space<vmem>>) offsets(%dma_start3A_228 : memref<128xi32, #tpu.memory_space<vmem>>) semaphore(%arg7 : memref<!tpu.dma_semaphore, #tpu.memory_space<semaphore_mem>>)
    %mul3A_232 = arith.constant 16 : i32
    %mul3A_233 = arith.muli %add3A_76, %mul3A_232 : i32
    %add3A_234 = arith.constant 12 : i32
    %add3A_235 = arith.addi %mul3A_233, %add3A_234 : i32
    %dma_start3A_236 = arith.constant 1536 : i32
    %dma_start3A_237 = arith.constant 0 : i32
    %dma_start3A_238 = tpu.memref_slice %arg6[%dma_start3A_236, %dma_start3A_237] : memref<2048x32xf32, #tpu.memory_space<vmem>> -> memref<128x32xf32, #tpu.memory_space<vmem>>
    %dma_start3A_239 = arith.constant 0 : i32
    %dma_start3A_240 = tpu.memref_slice %arg5[%add3A_235, %dma_start3A_239] : memref<16x128xi32, #tpu.memory_space<vmem>> -> memref<1x128xi32, #tpu.memory_space<vmem>>
    %dma_start3A_241 = tpu.memref_squeeze %dma_start3A_240 : memref<1x128xi32, #tpu.memory_space<vmem>> -> memref<128xi32, #tpu.memory_space<vmem>>
    %dma_start3A_242 = arith.constant 0 : i32
    %dma_start3A_243 = arith.constant 0 : i32
    %dma_start3A_244 = tpu.memref_slice %arg2[%dma_start3A_242, %dma_start3A_243] : memref<1000x32xf32, #tpu.memory_space<hbm>> -> memref<1000x32xf32, #tpu.memory_space<hbm>>
    tpu.enqueue_indirect_dma source(%dma_start3A_244 : memref<1000x32xf32, #tpu.memory_space<hbm>>) target(%dma_start3A_238 : memref<128x32xf32, #tpu.memory_space<vmem>>) offsets(%dma_start3A_241 : memref<128xi32, #tpu.memory_space<vmem>>) semaphore(%arg7 : memref<!tpu.dma_semaphore, #tpu.memory_space<semaphore_mem>>)
    %mul3A_245 = arith.constant 16 : i32
    %mul3A_246 = arith.muli %add3A_76, %mul3A_245 : i32
    %add3A_247 = arith.constant 13 : i32
    %add3A_248 = arith.addi %mul3A_246, %add3A_247 : i32
    %dma_start3A_249 = arith.constant 1664 : i32
    %dma_start3A_250 = arith.constant 0 : i32
    %dma_start3A_251 = tpu.memref_slice %arg6[%dma_start3A_249, %dma_start3A_250] : memref<2048x32xf32, #tpu.memory_space<vmem>> -> memref<128x32xf32, #tpu.memory_space<vmem>>
    %dma_start3A_252 = arith.constant 0 : i32
    %dma_start3A_253 = tpu.memref_slice %arg5[%add3A_248, %dma_start3A_252] : memref<16x128xi32, #tpu.memory_space<vmem>> -> memref<1x128xi32, #tpu.memory_space<vmem>>
    %dma_start3A_254 = tpu.memref_squeeze %dma_start3A_253 : memref<1x128xi32, #tpu.memory_space<vmem>> -> memref<128xi32, #tpu.memory_space<vmem>>
    %dma_start3A_255 = arith.constant 0 : i32
    %dma_start3A_256 = arith.constant 0 : i32
    %dma_start3A_257 = tpu.memref_slice %arg2[%dma_start3A_255, %dma_start3A_256] : memref<1000x32xf32, #tpu.memory_space<hbm>> -> memref<1000x32xf32, #tpu.memory_space<hbm>>
    tpu.enqueue_indirect_dma source(%dma_start3A_257 : memref<1000x32xf32, #tpu.memory_space<hbm>>) target(%dma_start3A_251 : memref<128x32xf32, #tpu.memory_space<vmem>>) offsets(%dma_start3A_254 : memref<128xi32, #tpu.memory_space<vmem>>) semaphore(%arg7 : memref<!tpu.dma_semaphore, #tpu.memory_space<semaphore_mem>>)
    %mul3A_258 = arith.constant 16 : i32
    %mul3A_259 = arith.muli %add3A_76, %mul3A_258 : i32
    %add3A_260 = arith.constant 14 : i32
    %add3A_261 = arith.addi %mul3A_259, %add3A_260 : i32
    %dma_start3A_262 = arith.constant 1792 : i32
    %dma_start3A_263 = arith.constant 0 : i32
    %dma_start3A_264 = tpu.memref_slice %arg6[%dma_start3A_262, %dma_start3A_263] : memref<2048x32xf32, #tpu.memory_space<vmem>> -> memref<128x32xf32, #tpu.memory_space<vmem>>
    %dma_start3A_265 = arith.constant 0 : i32
    %dma_start3A_266 = tpu.memref_slice %arg5[%add3A_261, %dma_start3A_265] : memref<16x128xi32, #tpu.memory_space<vmem>> -> memref<1x128xi32, #tpu.memory_space<vmem>>
    %dma_start3A_267 = tpu.memref_squeeze %dma_start3A_266 : memref<1x128xi32, #tpu.memory_space<vmem>> -> memref<128xi32, #tpu.memory_space<vmem>>
    %dma_start3A_268 = arith.constant 0 : i32
    %dma_start3A_269 = arith.constant 0 : i32
    %dma_start3A_270 = tpu.memref_slice %arg2[%dma_start3A_268, %dma_start3A_269] : memref<1000x32xf32, #tpu.memory_space<hbm>> -> memref<1000x32xf32, #tpu.memory_space<hbm>>
    tpu.enqueue_indirect_dma source(%dma_start3A_270 : memref<1000x32xf32, #tpu.memory_space<hbm>>) target(%dma_start3A_264 : memref<128x32xf32, #tpu.memory_space<vmem>>) offsets(%dma_start3A_267 : memref<128xi32, #tpu.memory_space<vmem>>) semaphore(%arg7 : memref<!tpu.dma_semaphore, #tpu.memory_space<semaphore_mem>>)
    %mul3A_271 = arith.constant 16 : i32
    %mul3A_272 = arith.muli %add3A_76, %mul3A_271 : i32
    %add3A_273 = arith.constant 15 : i32
    %add3A_274 = arith.addi %mul3A_272, %add3A_273 : i32
    %dma_start3A_275 = arith.constant 1920 : i32
    %dma_start3A_276 = arith.constant 0 : i32
    %dma_start3A_277 = tpu.memref_slice %arg6[%dma_start3A_275, %dma_start3A_276] : memref<2048x32xf32, #tpu.memory_space<vmem>> -> memref<128x32xf32, #tpu.memory_space<vmem>>
    %dma_start3A_278 = arith.constant 0 : i32
    %dma_start3A_279 = tpu.memref_slice %arg5[%add3A_274, %dma_start3A_278] : memref<16x128xi32, #tpu.memory_space<vmem>> -> memref<1x128xi32, #tpu.memory_space<vmem>>
    %dma_start3A_280 = tpu.memref_squeeze %dma_start3A_279 : memref<1x128xi32, #tpu.memory_space<vmem>> -> memref<128xi32, #tpu.memory_space<vmem>>
    %dma_start3A_281 = arith.constant 0 : i32
    %dma_start3A_282 = arith.constant 0 : i32
    %dma_start3A_283 = tpu.memref_slice %arg2[%dma_start3A_281, %dma_start3A_282] : memref<1000x32xf32, #tpu.memory_space<hbm>> -> memref<1000x32xf32, #tpu.memory_space<hbm>>
    tpu.enqueue_indirect_dma source(%dma_start3A_283 : memref<1000x32xf32, #tpu.memory_space<hbm>>) target(%dma_start3A_277 : memref<128x32xf32, #tpu.memory_space<vmem>>) offsets(%dma_start3A_280 : memref<128xi32, #tpu.memory_space<vmem>>) semaphore(%arg7 : memref<!tpu.dma_semaphore, #tpu.memory_space<semaphore_mem>>)
    %dma_wait3A = arith.constant 0 : i32
    %dma_wait3A_284 = arith.constant 0 : i32
    %dma_wait3A_285 = arith.constant 0 : i32
    %dma_wait3A_286 = tpu.memref_slice %arg6[%dma_wait3A_284, %dma_wait3A_285] : memref<2048x32xf32, #tpu.memory_space<vmem>> -> memref<128x32xf32, #tpu.memory_space<vmem>>
    %dma_wait3A_287 = arith.constant 0 : i32
    %dma_wait3A_288 = tpu.memref_slice %arg5[%dma_wait3A, %dma_wait3A_287] : memref<16x128xi32, #tpu.memory_space<vmem>> -> memref<1x128xi32, #tpu.memory_space<vmem>>
    %dma_wait3A_289 = tpu.memref_squeeze %dma_wait3A_288 : memref<1x128xi32, #tpu.memory_space<vmem>> -> memref<128xi32, #tpu.memory_space<vmem>>
    %dma_wait3A_290 = arith.constant 0 : i32
    %dma_wait3A_291 = arith.constant 0 : i32
    %dma_wait3A_292 = tpu.memref_slice %arg2[%dma_wait3A_290, %dma_wait3A_291] : memref<1000x32xf32, #tpu.memory_space<hbm>> -> memref<1000x32xf32, #tpu.memory_space<hbm>>
    tpu.wait_indirect_dma semaphore(%arg7 : memref<!tpu.dma_semaphore, #tpu.memory_space<semaphore_mem>>) src(%dma_wait3A_292 : memref<1000x32xf32, #tpu.memory_space<hbm>>) dst(%dma_wait3A_286 : memref<128x32xf32, #tpu.memory_space<vmem>>)
    %dma_wait3A_293 = arith.constant 0 : i32
    %dma_wait3A_294 = arith.constant 128 : i32
    %dma_wait3A_295 = arith.constant 0 : i32
    %dma_wait3A_296 = tpu.memref_slice %arg6[%dma_wait3A_294, %dma_wait3A_295] : memref<2048x32xf32, #tpu.memory_space<vmem>> -> memref<128x32xf32, #tpu.memory_space<vmem>>
    %dma_wait3A_297 = arith.constant 0 : i32
    %dma_wait3A_298 = tpu.memref_slice %arg5[%dma_wait3A_293, %dma_wait3A_297] : memref<16x128xi32, #tpu.memory_space<vmem>> -> memref<1x128xi32, #tpu.memory_space<vmem>>
    %dma_wait3A_299 = tpu.memref_squeeze %dma_wait3A_298 : memref<1x128xi32, #tpu.memory_space<vmem>> -> memref<128xi32, #tpu.memory_space<vmem>>
    %dma_wait3A_300 = arith.constant 0 : i32
    %dma_wait3A_301 = arith.constant 0 : i32
    %dma_wait3A_302 = tpu.memref_slice %arg2[%dma_wait3A_300, %dma_wait3A_301] : memref<1000x32xf32, #tpu.memory_space<hbm>> -> memref<1000x32xf32, #tpu.memory_space<hbm>>
    tpu.wait_indirect_dma semaphore(%arg7 : memref<!tpu.dma_semaphore, #tpu.memory_space<semaphore_mem>>) src(%dma_wait3A_302 : memref<1000x32xf32, #tpu.memory_space<hbm>>) dst(%dma_wait3A_296 : memref<128x32xf32, #tpu.memory_space<vmem>>)
    %dma_wait3A_303 = arith.constant 0 : i32
    %dma_wait3A_304 = arith.constant 256 : i32
    %dma_wait3A_305 = arith.constant 0 : i32
    %dma_wait3A_306 = tpu.memref_slice %arg6[%dma_wait3A_304, %dma_wait3A_305] : memref<2048x32xf32, #tpu.memory_space<vmem>> -> memref<128x32xf32, #tpu.memory_space<vmem>>
    %dma_wait3A_307 = arith.constant 0 : i32
    %dma_wait3A_308 = tpu.memref_slice %arg5[%dma_wait3A_303, %dma_wait3A_307] : memref<16x128xi32, #tpu.memory_space<vmem>> -> memref<1x128xi32, #tpu.memory_space<vmem>>
    %dma_wait3A_309 = tpu.memref_squeeze %dma_wait3A_308 : memref<1x128xi32, #tpu.memory_space<vmem>> -> memref<128xi32, #tpu.memory_space<vmem>>
    %dma_wait3A_310 = arith.constant 0 : i32
    %dma_wait3A_311 = arith.constant 0 : i32
    %dma_wait3A_312 = tpu.memref_slice %arg2[%dma_wait3A_310, %dma_wait3A_311] : memref<1000x32xf32, #tpu.memory_space<hbm>> -> memref<1000x32xf32, #tpu.memory_space<hbm>>
    tpu.wait_indirect_dma semaphore(%arg7 : memref<!tpu.dma_semaphore, #tpu.memory_space<semaphore_mem>>) src(%dma_wait3A_312 : memref<1000x32xf32, #tpu.memory_space<hbm>>) dst(%dma_wait3A_306 : memref<128x32xf32, #tpu.memory_space<vmem>>)
    %dma_wait3A_313 = arith.constant 0 : i32
    %dma_wait3A_314 = arith.constant 384 : i32
    %dma_wait3A_315 = arith.constant 0 : i32
    %dma_wait3A_316 = tpu.memref_slice %arg6[%dma_wait3A_314, %dma_wait3A_315] : memref<2048x32xf32, #tpu.memory_space<vmem>> -> memref<128x32xf32, #tpu.memory_space<vmem>>
    %dma_wait3A_317 = arith.constant 0 : i32
    %dma_wait3A_318 = tpu.memref_slice %arg5[%dma_wait3A_313, %dma_wait3A_317] : memref<16x128xi32, #tpu.memory_space<vmem>> -> memref<1x128xi32, #tpu.memory_space<vmem>>
    %dma_wait3A_319 = tpu.memref_squeeze %dma_wait3A_318 : memref<1x128xi32, #tpu.memory_space<vmem>> -> memref<128xi32, #tpu.memory_space<vmem>>
    %dma_wait3A_320 = arith.constant 0 : i32
    %dma_wait3A_321 = arith.constant 0 : i32
    %dma_wait3A_322 = tpu.memref_slice %arg2[%dma_wait3A_320, %dma_wait3A_321] : memref<1000x32xf32, #tpu.memory_space<hbm>> -> memref<1000x32xf32, #tpu.memory_space<hbm>>
    tpu.wait_indirect_dma semaphore(%arg7 : memref<!tpu.dma_semaphore, #tpu.memory_space<semaphore_mem>>) src(%dma_wait3A_322 : memref<1000x32xf32, #tpu.memory_space<hbm>>) dst(%dma_wait3A_316 : memref<128x32xf32, #tpu.memory_space<vmem>>)
    %dma_wait3A_323 = arith.constant 0 : i32
    %dma_wait3A_324 = arith.constant 512 : i32
    %dma_wait3A_325 = arith.constant 0 : i32
    %dma_wait3A_326 = tpu.memref_slice %arg6[%dma_wait3A_324, %dma_wait3A_325] : memref<2048x32xf32, #tpu.memory_space<vmem>> -> memref<128x32xf32, #tpu.memory_space<vmem>>
    %dma_wait3A_327 = arith.constant 0 : i32
    %dma_wait3A_328 = tpu.memref_slice %arg5[%dma_wait3A_323, %dma_wait3A_327] : memref<16x128xi32, #tpu.memory_space<vmem>> -> memref<1x128xi32, #tpu.memory_space<vmem>>
    %dma_wait3A_329 = tpu.memref_squeeze %dma_wait3A_328 : memref<1x128xi32, #tpu.memory_space<vmem>> -> memref<128xi32, #tpu.memory_space<vmem>>
    %dma_wait3A_330 = arith.constant 0 : i32
    %dma_wait3A_331 = arith.constant 0 : i32
    %dma_wait3A_332 = tpu.memref_slice %arg2[%dma_wait3A_330, %dma_wait3A_331] : memref<1000x32xf32, #tpu.memory_space<hbm>> -> memref<1000x32xf32, #tpu.memory_space<hbm>>
    tpu.wait_indirect_dma semaphore(%arg7 : memref<!tpu.dma_semaphore, #tpu.memory_space<semaphore_mem>>) src(%dma_wait3A_332 : memref<1000x32xf32, #tpu.memory_space<hbm>>) dst(%dma_wait3A_326 : memref<128x32xf32, #tpu.memory_space<vmem>>)
    %dma_wait3A_333 = arith.constant 0 : i32
    %dma_wait3A_334 = arith.constant 640 : i32
    %dma_wait3A_335 = arith.constant 0 : i32
    %dma_wait3A_336 = tpu.memref_slice %arg6[%dma_wait3A_334, %dma_wait3A_335] : memref<2048x32xf32, #tpu.memory_space<vmem>> -> memref<128x32xf32, #tpu.memory_space<vmem>>
    %dma_wait3A_337 = arith.constant 0 : i32
    %dma_wait3A_338 = tpu.memref_slice %arg5[%dma_wait3A_333, %dma_wait3A_337] : memref<16x128xi32, #tpu.memory_space<vmem>> -> memref<1x128xi32, #tpu.memory_space<vmem>>
    %dma_wait3A_339 = tpu.memref_squeeze %dma_wait3A_338 : memref<1x128xi32, #tpu.memory_space<vmem>> -> memref<128xi32, #tpu.memory_space<vmem>>
    %dma_wait3A_340 = arith.constant 0 : i32
    %dma_wait3A_341 = arith.constant 0 : i32
    %dma_wait3A_342 = tpu.memref_slice %arg2[%dma_wait3A_340, %dma_wait3A_341] : memref<1000x32xf32, #tpu.memory_space<hbm>> -> memref<1000x32xf32, #tpu.memory_space<hbm>>
    tpu.wait_indirect_dma semaphore(%arg7 : memref<!tpu.dma_semaphore, #tpu.memory_space<semaphore_mem>>) src(%dma_wait3A_342 : memref<1000x32xf32, #tpu.memory_space<hbm>>) dst(%dma_wait3A_336 : memref<128x32xf32, #tpu.memory_space<vmem>>)
    %dma_wait3A_343 = arith.constant 0 : i32
    %dma_wait3A_344 = arith.constant 768 : i32
    %dma_wait3A_345 = arith.constant 0 : i32
    %dma_wait3A_346 = tpu.memref_slice %arg6[%dma_wait3A_344, %dma_wait3A_345] : memref<2048x32xf32, #tpu.memory_space<vmem>> -> memref<128x32xf32, #tpu.memory_space<vmem>>
    %dma_wait3A_347 = arith.constant 0 : i32
    %dma_wait3A_348 = tpu.memref_slice %arg5[%dma_wait3A_343, %dma_wait3A_347] : memref<16x128xi32, #tpu.memory_space<vmem>> -> memref<1x128xi32, #tpu.memory_space<vmem>>
    %dma_wait3A_349 = tpu.memref_squeeze %dma_wait3A_348 : memref<1x128xi32, #tpu.memory_space<vmem>> -> memref<128xi32, #tpu.memory_space<vmem>>
    %dma_wait3A_350 = arith.constant 0 : i32
    %dma_wait3A_351 = arith.constant 0 : i32
    %dma_wait3A_352 = tpu.memref_slice %arg2[%dma_wait3A_350, %dma_wait3A_351] : memref<1000x32xf32, #tpu.memory_space<hbm>> -> memref<1000x32xf32, #tpu.memory_space<hbm>>
    tpu.wait_indirect_dma semaphore(%arg7 : memref<!tpu.dma_semaphore, #tpu.memory_space<semaphore_mem>>) src(%dma_wait3A_352 : memref<1000x32xf32, #tpu.memory_space<hbm>>) dst(%dma_wait3A_346 : memref<128x32xf32, #tpu.memory_space<vmem>>)
    %dma_wait3A_353 = arith.constant 0 : i32
    %dma_wait3A_354 = arith.constant 896 : i32
    %dma_wait3A_355 = arith.constant 0 : i32
    %dma_wait3A_356 = tpu.memref_slice %arg6[%dma_wait3A_354, %dma_wait3A_355] : memref<2048x32xf32, #tpu.memory_space<vmem>> -> memref<128x32xf32, #tpu.memory_space<vmem>>
    %dma_wait3A_357 = arith.constant 0 : i32
    %dma_wait3A_358 = tpu.memref_slice %arg5[%dma_wait3A_353, %dma_wait3A_357] : memref<16x128xi32, #tpu.memory_space<vmem>> -> memref<1x128xi32, #tpu.memory_space<vmem>>
    %dma_wait3A_359 = tpu.memref_squeeze %dma_wait3A_358 : memref<1x128xi32, #tpu.memory_space<vmem>> -> memref<128xi32, #tpu.memory_space<vmem>>
    %dma_wait3A_360 = arith.constant 0 : i32
    %dma_wait3A_361 = arith.constant 0 : i32
    %dma_wait3A_362 = tpu.memref_slice %arg2[%dma_wait3A_360, %dma_wait3A_361] : memref<1000x32xf32, #tpu.memory_space<hbm>> -> memref<1000x32xf32, #tpu.memory_space<hbm>>
    tpu.wait_indirect_dma semaphore(%arg7 : memref<!tpu.dma_semaphore, #tpu.memory_space<semaphore_mem>>) src(%dma_wait3A_362 : memref<1000x32xf32, #tpu.memory_space<hbm>>) dst(%dma_wait3A_356 : memref<128x32xf32, #tpu.memory_space<vmem>>)
    %dma_wait3A_363 = arith.constant 0 : i32
    %dma_wait3A_364 = arith.constant 1024 : i32
    %dma_wait3A_365 = arith.constant 0 : i32
    %dma_wait3A_366 = tpu.memref_slice %arg6[%dma_wait3A_364, %dma_wait3A_365] : memref<2048x32xf32, #tpu.memory_space<vmem>> -> memref<128x32xf32, #tpu.memory_space<vmem>>
    %dma_wait3A_367 = arith.constant 0 : i32
    %dma_wait3A_368 = tpu.memref_slice %arg5[%dma_wait3A_363, %dma_wait3A_367] : memref<16x128xi32, #tpu.memory_space<vmem>> -> memref<1x128xi32, #tpu.memory_space<vmem>>
    %dma_wait3A_369 = tpu.memref_squeeze %dma_wait3A_368 : memref<1x128xi32, #tpu.memory_space<vmem>> -> memref<128xi32, #tpu.memory_space<vmem>>
    %dma_wait3A_370 = arith.constant 0 : i32
    %dma_wait3A_371 = arith.constant 0 : i32
    %dma_wait3A_372 = tpu.memref_slice %arg2[%dma_wait3A_370, %dma_wait3A_371] : memref<1000x32xf32, #tpu.memory_space<hbm>> -> memref<1000x32xf32, #tpu.memory_space<hbm>>
    tpu.wait_indirect_dma semaphore(%arg7 : memref<!tpu.dma_semaphore, #tpu.memory_space<semaphore_mem>>) src(%dma_wait3A_372 : memref<1000x32xf32, #tpu.memory_space<hbm>>) dst(%dma_wait3A_366 : memref<128x32xf32, #tpu.memory_space<vmem>>)
    %dma_wait3A_373 = arith.constant 0 : i32
    %dma_wait3A_374 = arith.constant 1152 : i32
    %dma_wait3A_375 = arith.constant 0 : i32
    %dma_wait3A_376 = tpu.memref_slice %arg6[%dma_wait3A_374, %dma_wait3A_375] : memref<2048x32xf32, #tpu.memory_space<vmem>> -> memref<128x32xf32, #tpu.memory_space<vmem>>
    %dma_wait3A_377 = arith.constant 0 : i32
    %dma_wait3A_378 = tpu.memref_slice %arg5[%dma_wait3A_373, %dma_wait3A_377] : memref<16x128xi32, #tpu.memory_space<vmem>> -> memref<1x128xi32, #tpu.memory_space<vmem>>
    %dma_wait3A_379 = tpu.memref_squeeze %dma_wait3A_378 : memref<1x128xi32, #tpu.memory_space<vmem>> -> memref<128xi32, #tpu.memory_space<vmem>>
    %dma_wait3A_380 = arith.constant 0 : i32
    %dma_wait3A_381 = arith.constant 0 : i32
    %dma_wait3A_382 = tpu.memref_slice %arg2[%dma_wait3A_380, %dma_wait3A_381] : memref<1000x32xf32, #tpu.memory_space<hbm>> -> memref<1000x32xf32, #tpu.memory_space<hbm>>
    tpu.wait_indirect_dma semaphore(%arg7 : memref<!tpu.dma_semaphore, #tpu.memory_space<semaphore_mem>>) src(%dma_wait3A_382 : memref<1000x32xf32, #tpu.memory_space<hbm>>) dst(%dma_wait3A_376 : memref<128x32xf32, #tpu.memory_space<vmem>>)
    %dma_wait3A_383 = arith.constant 0 : i32
    %dma_wait3A_384 = arith.constant 1280 : i32
    %dma_wait3A_385 = arith.constant 0 : i32
    %dma_wait3A_386 = tpu.memref_slice %arg6[%dma_wait3A_384, %dma_wait3A_385] : memref<2048x32xf32, #tpu.memory_space<vmem>> -> memref<128x32xf32, #tpu.memory_space<vmem>>
    %dma_wait3A_387 = arith.constant 0 : i32
    %dma_wait3A_388 = tpu.memref_slice %arg5[%dma_wait3A_383, %dma_wait3A_387] : memref<16x128xi32, #tpu.memory_space<vmem>> -> memref<1x128xi32, #tpu.memory_space<vmem>>
    %dma_wait3A_389 = tpu.memref_squeeze %dma_wait3A_388 : memref<1x128xi32, #tpu.memory_space<vmem>> -> memref<128xi32, #tpu.memory_space<vmem>>
    %dma_wait3A_390 = arith.constant 0 : i32
    %dma_wait3A_391 = arith.constant 0 : i32
    %dma_wait3A_392 = tpu.memref_slice %arg2[%dma_wait3A_390, %dma_wait3A_391] : memref<1000x32xf32, #tpu.memory_space<hbm>> -> memref<1000x32xf32, #tpu.memory_space<hbm>>
    tpu.wait_indirect_dma semaphore(%arg7 : memref<!tpu.dma_semaphore, #tpu.memory_space<semaphore_mem>>) src(%dma_wait3A_392 : memref<1000x32xf32, #tpu.memory_space<hbm>>) dst(%dma_wait3A_386 : memref<128x32xf32, #tpu.memory_space<vmem>>)
    %dma_wait3A_393 = arith.constant 0 : i32
    %dma_wait3A_394 = arith.constant 1408 : i32
    %dma_wait3A_395 = arith.constant 0 : i32
    %dma_wait3A_396 = tpu.memref_slice %arg6[%dma_wait3A_394, %dma_wait3A_395] : memref<2048x32xf32, #tpu.memory_space<vmem>> -> memref<128x32xf32, #tpu.memory_space<vmem>>
    %dma_wait3A_397 = arith.constant 0 : i32
    %dma_wait3A_398 = tpu.memref_slice %arg5[%dma_wait3A_393, %dma_wait3A_397] : memref<16x128xi32, #tpu.memory_space<vmem>> -> memref<1x128xi32, #tpu.memory_space<vmem>>
    %dma_wait3A_399 = tpu.memref_squeeze %dma_wait3A_398 : memref<1x128xi32, #tpu.memory_space<vmem>> -> memref<128xi32, #tpu.memory_space<vmem>>
    %dma_wait3A_400 = arith.constant 0 : i32
    %dma_wait3A_401 = arith.constant 0 : i32
    %dma_wait3A_402 = tpu.memref_slice %arg2[%dma_wait3A_400, %dma_wait3A_401] : memref<1000x32xf32, #tpu.memory_space<hbm>> -> memref<1000x32xf32, #tpu.memory_space<hbm>>
    tpu.wait_indirect_dma semaphore(%arg7 : memref<!tpu.dma_semaphore, #tpu.memory_space<semaphore_mem>>) src(%dma_wait3A_402 : memref<1000x32xf32, #tpu.memory_space<hbm>>) dst(%dma_wait3A_396 : memref<128x32xf32, #tpu.memory_space<vmem>>)
    %dma_wait3A_403 = arith.constant 0 : i32
    %dma_wait3A_404 = arith.constant 1536 : i32
    %dma_wait3A_405 = arith.constant 0 : i32
    %dma_wait3A_406 = tpu.memref_slice %arg6[%dma_wait3A_404, %dma_wait3A_405] : memref<2048x32xf32, #tpu.memory_space<vmem>> -> memref<128x32xf32, #tpu.memory_space<vmem>>
    %dma_wait3A_407 = arith.constant 0 : i32
    %dma_wait3A_408 = tpu.memref_slice %arg5[%dma_wait3A_403, %dma_wait3A_407] : memref<16x128xi32, #tpu.memory_space<vmem>> -> memref<1x128xi32, #tpu.memory_space<vmem>>
    %dma_wait3A_409 = tpu.memref_squeeze %dma_wait3A_408 : memref<1x128xi32, #tpu.memory_space<vmem>> -> memref<128xi32, #tpu.memory_space<vmem>>
    %dma_wait3A_410 = arith.constant 0 : i32
    %dma_wait3A_411 = arith.constant 0 : i32
    %dma_wait3A_412 = tpu.memref_slice %arg2[%dma_wait3A_410, %dma_wait3A_411] : memref<1000x32xf32, #tpu.memory_space<hbm>> -> memref<1000x32xf32, #tpu.memory_space<hbm>>
    tpu.wait_indirect_dma semaphore(%arg7 : memref<!tpu.dma_semaphore, #tpu.memory_space<semaphore_mem>>) src(%dma_wait3A_412 : memref<1000x32xf32, #tpu.memory_space<hbm>>) dst(%dma_wait3A_406 : memref<128x32xf32, #tpu.memory_space<vmem>>)
    %dma_wait3A_413 = arith.constant 0 : i32
    %dma_wait3A_414 = arith.constant 1664 : i32
    %dma_wait3A_415 = arith.constant 0 : i32
    %dma_wait3A_416 = tpu.memref_slice %arg6[%dma_wait3A_414, %dma_wait3A_415] : memref<2048x32xf32, #tpu.memory_space<vmem>> -> memref<128x32xf32, #tpu.memory_space<vmem>>
    %dma_wait3A_417 = arith.constant 0 : i32
    %dma_wait3A_418 = tpu.memref_slice %arg5[%dma_wait3A_413, %dma_wait3A_417] : memref<16x128xi32, #tpu.memory_space<vmem>> -> memref<1x128xi32, #tpu.memory_space<vmem>>
    %dma_wait3A_419 = tpu.memref_squeeze %dma_wait3A_418 : memref<1x128xi32, #tpu.memory_space<vmem>> -> memref<128xi32, #tpu.memory_space<vmem>>
    %dma_wait3A_420 = arith.constant 0 : i32
    %dma_wait3A_421 = arith.constant 0 : i32
    %dma_wait3A_422 = tpu.memref_slice %arg2[%dma_wait3A_420, %dma_wait3A_421] : memref<1000x32xf32, #tpu.memory_space<hbm>> -> memref<1000x32xf32, #tpu.memory_space<hbm>>
    tpu.wait_indirect_dma semaphore(%arg7 : memref<!tpu.dma_semaphore, #tpu.memory_space<semaphore_mem>>) src(%dma_wait3A_422 : memref<1000x32xf32, #tpu.memory_space<hbm>>) dst(%dma_wait3A_416 : memref<128x32xf32, #tpu.memory_space<vmem>>)
    %dma_wait3A_423 = arith.constant 0 : i32
    %dma_wait3A_424 = arith.constant 1792 : i32
    %dma_wait3A_425 = arith.constant 0 : i32
    %dma_wait3A_426 = tpu.memref_slice %arg6[%dma_wait3A_424, %dma_wait3A_425] : memref<2048x32xf32, #tpu.memory_space<vmem>> -> memref<128x32xf32, #tpu.memory_space<vmem>>
    %dma_wait3A_427 = arith.constant 0 : i32
    %dma_wait3A_428 = tpu.memref_slice %arg5[%dma_wait3A_423, %dma_wait3A_427] : memref<16x128xi32, #tpu.memory_space<vmem>> -> memref<1x128xi32, #tpu.memory_space<vmem>>
    %dma_wait3A_429 = tpu.memref_squeeze %dma_wait3A_428 : memref<1x128xi32, #tpu.memory_space<vmem>> -> memref<128xi32, #tpu.memory_space<vmem>>
    %dma_wait3A_430 = arith.constant 0 : i32
    %dma_wait3A_431 = arith.constant 0 : i32
    %dma_wait3A_432 = tpu.memref_slice %arg2[%dma_wait3A_430, %dma_wait3A_431] : memref<1000x32xf32, #tpu.memory_space<hbm>> -> memref<1000x32xf32, #tpu.memory_space<hbm>>
    tpu.wait_indirect_dma semaphore(%arg7 : memref<!tpu.dma_semaphore, #tpu.memory_space<semaphore_mem>>) src(%dma_wait3A_432 : memref<1000x32xf32, #tpu.memory_space<hbm>>) dst(%dma_wait3A_426 : memref<128x32xf32, #tpu.memory_space<vmem>>)
    %dma_wait3A_433 = arith.constant 0 : i32
    %dma_wait3A_434 = arith.constant 1920 : i32
    %dma_wait3A_435 = arith.constant 0 : i32
    %dma_wait3A_436 = tpu.memref_slice %arg6[%dma_wait3A_434, %dma_wait3A_435] : memref<2048x32xf32, #tpu.memory_space<vmem>> -> memref<128x32xf32, #tpu.memory_space<vmem>>
    %dma_wait3A_437 = arith.constant 0 : i32
    %dma_wait3A_438 = tpu.memref_slice %arg5[%dma_wait3A_433, %dma_wait3A_437] : memref<16x128xi32, #tpu.memory_space<vmem>> -> memref<1x128xi32, #tpu.memory_space<vmem>>
    %dma_wait3A_439 = tpu.memref_squeeze %dma_wait3A_438 : memref<1x128xi32, #tpu.memory_space<vmem>> -> memref<128xi32, #tpu.memory_space<vmem>>
    %dma_wait3A_440 = arith.constant 0 : i32
    %dma_wait3A_441 = arith.constant 0 : i32
    %dma_wait3A_442 = tpu.memref_slice %arg2[%dma_wait3A_440, %dma_wait3A_441] : memref<1000x32xf32, #tpu.memory_space<hbm>> -> memref<1000x32xf32, #tpu.memory_space<hbm>>
    tpu.wait_indirect_dma semaphore(%arg7 : memref<!tpu.dma_semaphore, #tpu.memory_space<semaphore_mem>>) src(%dma_wait3A_442 : memref<1000x32xf32, #tpu.memory_space<hbm>>) dst(%dma_wait3A_436 : memref<128x32xf32, #tpu.memory_space<vmem>>)
    %mul3A_443 = arith.constant 16 : i32
    %mul3A_444 = arith.muli %add3A_76, %mul3A_443 : i32
    %mul3A_445 = arith.constant 128 : i32
    %mul3A_446 = arith.muli %mul3A_444, %mul3A_445 : i32
    %add3A_447 = arith.addi %select_n3A_72, %mul3A_446 : i32
    %mul3A_448 = arith.constant 32 : i32
    %mul3A_449 = arith.muli %select_n3A_56, %mul3A_448 : i32
    "tpu.region"() ({
      %run_scoped3A = tpu.sem_alloc : memref<!tpu.dma_semaphore, #tpu.memory_space<semaphore_mem>>
      %dma_start3A_451 = tpu.memref_slice %arg4[%select_n3A, %add3A_447, %mul3A_449] : memref<4x4096x128xf32, #tpu.memory_space<hbm>> -> memref<1x2048x32xf32, #tpu.memory_space<hbm>>
      %dma_start3A_452 = tpu.memref_squeeze %dma_start3A_451 : memref<1x2048x32xf32, #tpu.memory_space<hbm>> -> memref<2048x32xf32, #tpu.memory_space<hbm>>
      %dma_start3A_453 = tpu.memref_slice %arg4[%select_n3A, %add3A_447, %mul3A_449] : memref<4x4096x128xf32, #tpu.memory_space<hbm>> -> memref<1x2048x32xf32, #tpu.memory_space<hbm>>
      %dma_start3A_454 = tpu.memref_squeeze %dma_start3A_453 : memref<1x2048x32xf32, #tpu.memory_space<hbm>> -> memref<2048x32xf32, #tpu.memory_space<hbm>>
      tpu.enqueue_dma source(%arg6 : memref<2048x32xf32, #tpu.memory_space<vmem>>) target(%dma_start3A_454 : memref<2048x32xf32, #tpu.memory_space<hbm>>) target_semaphore(%run_scoped3A : memref<!tpu.dma_semaphore, #tpu.memory_space<semaphore_mem>>)
      %dma_wait3A_455 = tpu.memref_slice %arg4[%select_n3A, %add3A_447, %mul3A_449] : memref<4x4096x128xf32, #tpu.memory_space<hbm>> -> memref<1x2048x32xf32, #tpu.memory_space<hbm>>
      %dma_wait3A_456 = tpu.memref_squeeze %dma_wait3A_455 : memref<1x2048x32xf32, #tpu.memory_space<hbm>> -> memref<2048x32xf32, #tpu.memory_space<hbm>>
      %dma_wait3A_457 = tpu.memref_slice %arg4[%select_n3A, %add3A_447, %mul3A_449] : memref<4x4096x128xf32, #tpu.memory_space<hbm>> -> memref<1x2048x32xf32, #tpu.memory_space<hbm>>
      %dma_wait3A_458 = tpu.memref_squeeze %dma_wait3A_457 : memref<1x2048x32xf32, #tpu.memory_space<hbm>> -> memref<2048x32xf32, #tpu.memory_space<hbm>>
      tpu.wait_dma2 semaphore(%run_scoped3A : memref<!tpu.dma_semaphore, #tpu.memory_space<semaphore_mem>>) src(%arg6 : memref<2048x32xf32, #tpu.memory_space<vmem>>) dst(%dma_wait3A_458 : memref<2048x32xf32, #tpu.memory_space<hbm>>)
      tpu.yield
    }) : () -> ()
    %scan3A_450 = arith.constant 1 : i32
    return
  }
}

#map = affine_map<(d0, d1) -> (0, 0)>
#map1 = affine_map<(d0, d1) -> (0, 0, 0)>
module attributes {stable_mosaic.version = 14 : i64} {
  func.func @gather(%arg0: i32, %arg1: i32, %arg2: memref<1000x32xf32, #tpu.memory_space<hbm>>, %arg3: memref<32x16x128xi32, #tpu.memory_space<hbm>>, %arg4: memref<4x4096x128xf32, #tpu.memory_space<hbm>>, %arg5: memref<16x128xi32, #tpu.memory_space<vmem>>, %arg6: memref<2048x32xf32, #tpu.memory_space<vmem>>, %arg7: memref<!tpu.dma_semaphore, #tpu.memory_space<semaphore_mem>>) attributes {dimension_semantics = [#tpu.dimension_semantics<core_parallel>, #tpu.dimension_semantics<subcore_parallel>], iteration_bounds = array<i64: 2, 16>, scalar_prefetch = 0 : i64, scratch_operands = 3 : i64, tpu.core_type = #tpu.core_type<sc_vector_subcore>, window_params = [{transform_indices = #map}, {transform_indices = #map1}, {transform_indices = #map1}]} {
    %mul3A = arith.constant 2 : i32
    %mul3A_0 = arith.muli %arg1, %mul3A : i32
    %add3A = arith.addi %mul3A_0, %arg0 : i32
    %jit3A = arith.constant 8 : i32
    %div3A = arith.divsi %add3A, %jit3A : i32
    %sign3A = arith.constant 0 : i32
    %sign3A_1 = arith.cmpi sgt, %add3A, %sign3A : i32
    %sign3A_2 = arith.extui %sign3A_1 : i1 to i32
    %sign3A_3 = arith.constant 0 : i32
    %sign3A_4 = arith.cmpi slt, %add3A, %sign3A_3 : i32
    %sign3A_5 = arith.extui %sign3A_4 : i1 to i32
    %sign3A_6 = arith.subi %sign3A_2, %sign3A_5 : i32
    %sign3A_7 = arith.constant 0 : i32
    %sign3A_8 = arith.cmpi sgt, %jit3A, %sign3A_7 : i32
    %sign3A_9 = arith.extui %sign3A_8 : i1 to i32
    %sign3A_10 = arith.constant 0 : i32
    %sign3A_11 = arith.cmpi slt, %jit3A, %sign3A_10 : i32
    %sign3A_12 = arith.extui %sign3A_11 : i1 to i32
    %sign3A_13 = arith.subi %sign3A_9, %sign3A_12 : i32
    %ne3A = arith.cmpi ne, %sign3A_6, %sign3A_13 : i32
    %rem3A = arith.remsi %add3A, %jit3A : i32
    %ne3A_14 = arith.constant 0 : i32
    %ne3A_15 = arith.cmpi ne, %rem3A, %ne3A_14 : i32
    %and3A = arith.andi %ne3A, %ne3A_15 : i1
    %sub3A = arith.constant 1 : i32
    %sub3A_16 = arith.subi %div3A, %sub3A : i32
    %select_n3A = arith.select %and3A, %sub3A_16, %div3A : i32
    %jit3A_17 = arith.constant 8 : i32
    %eq3A = arith.constant 0 : i32
    %eq3A_18 = arith.cmpi eq, %jit3A_17, %eq3A : i32
    %jit3A_19 = arith.constant 1 : i32
    %select_n3A_20 = arith.select %eq3A_18, %jit3A_19, %jit3A_17 : i32
    %rem3A_21 = arith.remsi %add3A, %select_n3A_20 : i32
    %ne3A_22 = arith.constant 0 : i32
    %ne3A_23 = arith.cmpi ne, %rem3A_21, %ne3A_22 : i32
    %lt3A = arith.constant 0 : i32
    %lt3A_24 = arith.cmpi slt, %rem3A_21, %lt3A : i32
    %lt3A_25 = arith.constant 0 : i32
    %lt3A_26 = arith.cmpi slt, %select_n3A_20, %lt3A_25 : i32
    %ne3A_27 = arith.xori %lt3A_24, %lt3A_26 : i1
    %and3A_28 = arith.andi %ne3A_27, %ne3A_23 : i1
    %add3A_29 = arith.addi %rem3A_21, %select_n3A_20 : i32
    %select_n3A_30 = arith.select %and3A_28, %add3A_29, %rem3A_21 : i32
    %mul3A_31 = arith.constant 2048 : i32
    %mul3A_32 = arith.muli %select_n3A_30, %mul3A_31 : i32
    %jit3A_33 = arith.constant 4096 : i32
    %div3A_34 = arith.divsi %mul3A_32, %jit3A_33 : i32
    %sign3A_35 = arith.constant 0 : i32
    %sign3A_36 = arith.cmpi sgt, %mul3A_32, %sign3A_35 : i32
    %sign3A_37 = arith.extui %sign3A_36 : i1 to i32
    %sign3A_38 = arith.constant 0 : i32
    %sign3A_39 = arith.cmpi slt, %mul3A_32, %sign3A_38 : i32
    %sign3A_40 = arith.extui %sign3A_39 : i1 to i32
    %sign3A_41 = arith.subi %sign3A_37, %sign3A_40 : i32
    %sign3A_42 = arith.constant 0 : i32
    %sign3A_43 = arith.cmpi sgt, %jit3A_33, %sign3A_42 : i32
    %sign3A_44 = arith.extui %sign3A_43 : i1 to i32
    %sign3A_45 = arith.constant 0 : i32
    %sign3A_46 = arith.cmpi slt, %jit3A_33, %sign3A_45 : i32
    %sign3A_47 = arith.extui %sign3A_46 : i1 to i32
    %sign3A_48 = arith.subi %sign3A_44, %sign3A_47 : i32
    %ne3A_49 = arith.cmpi ne, %sign3A_41, %sign3A_48 : i32
    %rem3A_50 = arith.remsi %mul3A_32, %jit3A_33 : i32
    %ne3A_51 = arith.constant 0 : i32
    %ne3A_52 = arith.cmpi ne, %rem3A_50, %ne3A_51 : i32
    %and3A_53 = arith.andi %ne3A_49, %ne3A_52 : i1
    %sub3A_54 = arith.constant 1 : i32
    %sub3A_55 = arith.subi %div3A_34, %sub3A_54 : i32
    %select_n3A_56 = arith.select %and3A_53, %sub3A_55, %div3A_34 : i32
    %jit3A_57 = arith.constant 4096 : i32
    %eq3A_58 = arith.constant 0 : i32
    %eq3A_59 = arith.cmpi eq, %jit3A_57, %eq3A_58 : i32
    %jit3A_60 = arith.constant 1 : i32
    %select_n3A_61 = arith.select %eq3A_59, %jit3A_60, %jit3A_57 : i32
    %rem3A_62 = arith.remsi %mul3A_32, %select_n3A_61 : i32
    %ne3A_63 = arith.constant 0 : i32
    %ne3A_64 = arith.cmpi ne, %rem3A_62, %ne3A_63 : i32
    %lt3A_65 = arith.constant 0 : i32
    %lt3A_66 = arith.cmpi slt, %rem3A_62, %lt3A_65 : i32
    %lt3A_67 = arith.constant 0 : i32
    %lt3A_68 = arith.cmpi slt, %select_n3A_61, %lt3A_67 : i32
    %ne3A_69 = arith.xori %lt3A_66, %lt3A_68 : i1
    %and3A_70 = arith.andi %ne3A_69, %ne3A_64 : i1
    %add3A_71 = arith.addi %rem3A_62, %select_n3A_61 : i32
    %select_n3A_72 = arith.select %and3A_70, %add3A_71, %rem3A_62 : i32
    "tpu.region"() ({
      %run_scoped3A = tpu.sem_alloc : memref<!tpu.dma_semaphore, #tpu.memory_space<semaphore_mem>>
      %dma_start3A_451 = arith.constant 0 : i32
      %dma_start3A_452 = arith.constant 0 : i32
      %dma_start3A_453 = tpu.memref_slice %arg3[%add3A, %dma_start3A_451, %dma_start3A_452] : memref<32x16x128xi32, #tpu.memory_space<hbm>> -> memref<1x16x128xi32, #tpu.memory_space<hbm>>
      %dma_start3A_454 = tpu.memref_squeeze %dma_start3A_453 : memref<1x16x128xi32, #tpu.memory_space<hbm>> -> memref<16x128xi32, #tpu.memory_space<hbm>>
      %dma_start3A_455 = arith.constant 0 : i32
      %dma_start3A_456 = arith.constant 0 : i32
      %dma_start3A_457 = tpu.memref_slice %arg3[%add3A, %dma_start3A_455, %dma_start3A_456] : memref<32x16x128xi32, #tpu.memory_space<hbm>> -> memref<1x16x128xi32, #tpu.memory_space<hbm>>
      %dma_start3A_458 = tpu.memref_squeeze %dma_start3A_457 : memref<1x16x128xi32, #tpu.memory_space<hbm>> -> memref<16x128xi32, #tpu.memory_space<hbm>>
      tpu.enqueue_dma source(%dma_start3A_458 : memref<16x128xi32, #tpu.memory_space<hbm>>) target(%arg5 : memref<16x128xi32, #tpu.memory_space<vmem>>) target_semaphore(%run_scoped3A : memref<!tpu.dma_semaphore, #tpu.memory_space<semaphore_mem>>)
      %dma_wait3A_459 = arith.constant 0 : i32
      %dma_wait3A_460 = arith.constant 0 : i32
      %dma_wait3A_461 = tpu.memref_slice %arg3[%add3A, %dma_wait3A_459, %dma_wait3A_460] : memref<32x16x128xi32, #tpu.memory_space<hbm>> -> memref<1x16x128xi32, #tpu.memory_space<hbm>>
      %dma_wait3A_462 = tpu.memref_squeeze %dma_wait3A_461 : memref<1x16x128xi32, #tpu.memory_space<hbm>> -> memref<16x128xi32, #tpu.memory_space<hbm>>
      %dma_wait3A_463 = arith.constant 0 : i32
      %dma_wait3A_464 = arith.constant 0 : i32
      %dma_wait3A_465 = tpu.memref_slice %arg3[%add3A, %dma_wait3A_463, %dma_wait3A_464] : memref<32x16x128xi32, #tpu.memory_space<hbm>> -> memref<1x16x128xi32, #tpu.memory_space<hbm>>
      %dma_wait3A_466 = tpu.memref_squeeze %dma_wait3A_465 : memref<1x16x128xi32, #tpu.memory_space<hbm>> -> memref<16x128xi32, #tpu.memory_space<hbm>>
      tpu.wait_dma2 semaphore(%run_scoped3A : memref<!tpu.dma_semaphore, #tpu.memory_space<semaphore_mem>>) src(%dma_wait3A_466 : memref<16x128xi32, #tpu.memory_space<hbm>>) dst(%arg5 : memref<16x128xi32, #tpu.memory_space<vmem>>)
      tpu.yield
    }) : () -> ()
    %scan3A = arith.constant 0 : i32
    %mul3A_73 = arith.constant 1 : i32
    %mul3A_74 = arith.muli %scan3A, %mul3A_73 : i32
    %add3A_75 = arith.constant 0 : i32
    %add3A_76 = arith.addi %add3A_75, %mul3A_74 : i32
    %mul3A_77 = arith.constant 16 : i32
    %mul3A_78 = arith.muli %add3A_76, %mul3A_77 : i32
    %add3A_79 = arith.constant 0 : i32
    %add3A_80 = arith.addi %mul3A_78, %add3A_79 : i32
    %dma_start3A = arith.constant 0 : i32
    %dma_start3A_81 = arith.constant 0 : i32
    %dma_start3A_82 = tpu.memref_slice %arg6[%dma_start3A, %dma_start3A_81] : memref<2048x32xf32, #tpu.memory_space<vmem>> -> memref<128x32xf32, #tpu.memory_space<vmem>>
    %dma_start3A_83 = arith.constant 0 : i32
    %dma_start3A_84 = tpu.memref_slice %arg5[%add3A_80, %dma_start3A_83] : memref<16x128xi32, #tpu.memory_space<vmem>> -> memref<1x128xi32, #tpu.memory_space<vmem>>
    %dma_start3A_85 = tpu.memref_squeeze %dma_start3A_84 : memref<1x128xi32, #tpu.memory_space<vmem>> -> memref<128xi32, #tpu.memory_space<vmem>>
    %dma_start3A_86 = arith.constant 0 : i32
    %dma_start3A_87 = arith.constant 0 : i32
    %dma_start3A_88 = tpu.memref_slice %arg2[%dma_start3A_86, %dma_start3A_87] : memref<1000x32xf32, #tpu.memory_space<hbm>> -> memref<1000x32xf32, #tpu.memory_space<hbm>>
    tpu.enqueue_indirect_dma source(%dma_start3A_88 : memref<1000x32xf32, #tpu.memory_space<hbm>>) target(%dma_start3A_82 : memref<128x32xf32, #tpu.memory_space<vmem>>) offsets(%dma_start3A_85 : memref<128xi32, #tpu.memory_space<vmem>>) semaphore(%arg7 : memref<!tpu.dma_semaphore, #tpu.memory_space<semaphore_mem>>)
    %mul3A_89 = arith.constant 16 : i32
    %mul3A_90 = arith.muli %add3A_76, %mul3A_89 : i32
    %add3A_91 = arith.constant 1 : i32
    %add3A_92 = arith.addi %mul3A_90, %add3A_91 : i32
    %dma_start3A_93 = arith.constant 128 : i32
    %dma_start3A_94 = arith.constant 0 : i32
    %dma_start3A_95 = tpu.memref_slice %arg6[%dma_start3A_93, %dma_start3A_94] : memref<2048x32xf32, #tpu.memory_space<vmem>> -> memref<128x32xf32, #tpu.memory_space<vmem>>
    %dma_start3A_96 = arith.constant 0 : i32
    %dma_start3A_97 = tpu.memref_slice %arg5[%add3A_92, %dma_start3A_96] : memref<16x128xi32, #tpu.memory_space<vmem>> -> memref<1x128xi32, #tpu.memory_space<vmem>>
    %dma_start3A_98 = tpu.memref_squeeze %dma_start3A_97 : memref<1x128xi32, #tpu.memory_space<vmem>> -> memref<128xi32, #tpu.memory_space<vmem>>
    %dma_start3A_99 = arith.constant 0 : i32
    %dma_start3A_100 = arith.constant 0 : i32
    %dma_start3A_101 = tpu.memref_slice %arg2[%dma_start3A_99, %dma_start3A_100] : memref<1000x32xf32, #tpu.memory_space<hbm>> -> memref<1000x32xf32, #tpu.memory_space<hbm>>
    tpu.enqueue_indirect_dma source(%dma_start3A_101 : memref<1000x32xf32, #tpu.memory_space<hbm>>) target(%dma_start3A_95 : memref<128x32xf32, #tpu.memory_space<vmem>>) offsets(%dma_start3A_98 : memref<128xi32, #tpu.memory_space<vmem>>) semaphore(%arg7 : memref<!tpu.dma_semaphore, #tpu.memory_space<semaphore_mem>>)
    %mul3A_102 = arith.constant 16 : i32
    %mul3A_103 = arith.muli %add3A_76, %mul3A_102 : i32
    %add3A_104 = arith.constant 2 : i32
    %add3A_105 = arith.addi %mul3A_103, %add3A_104 : i32
    %dma_start3A_106 = arith.constant 256 : i32
    %dma_start3A_107 = arith.constant 0 : i32
    %dma_start3A_108 = tpu.memref_slice %arg6[%dma_start3A_106, %dma_start3A_107] : memref<2048x32xf32, #tpu.memory_space<vmem>> -> memref<128x32xf32, #tpu.memory_space<vmem>>
    %dma_start3A_109 = arith.constant 0 : i32
    %dma_start3A_110 = tpu.memref_slice %arg5[%add3A_105, %dma_start3A_109] : memref<16x128xi32, #tpu.memory_space<vmem>> -> memref<1x128xi32, #tpu.memory_space<vmem>>
    %dma_start3A_111 = tpu.memref_squeeze %dma_start3A_110 : memref<1x128xi32, #tpu.memory_space<vmem>> -> memref<128xi32, #tpu.memory_space<vmem>>
    %dma_start3A_112 = arith.constant 0 : i32
    %dma_start3A_113 = arith.constant 0 : i32
    %dma_start3A_114 = tpu.memref_slice %arg2[%dma_start3A_112, %dma_start3A_113] : memref<1000x32xf32, #tpu.memory_space<hbm>> -> memref<1000x32xf32, #tpu.memory_space<hbm>>
    tpu.enqueue_indirect_dma source(%dma_start3A_114 : memref<1000x32xf32, #tpu.memory_space<hbm>>) target(%dma_start3A_108 : memref<128x32xf32, #tpu.memory_space<vmem>>) offsets(%dma_start3A_111 : memref<128xi32, #tpu.memory_space<vmem>>) semaphore(%arg7 : memref<!tpu.dma_semaphore, #tpu.memory_space<semaphore_mem>>)
    %mul3A_115 = arith.constant 16 : i32
    %mul3A_116 = arith.muli %add3A_76, %mul3A_115 : i32
    %add3A_117 = arith.constant 3 : i32
    %add3A_118 = arith.addi %mul3A_116, %add3A_117 : i32
    %dma_start3A_119 = arith.constant 384 : i32
    %dma_start3A_120 = arith.constant 0 : i32
    %dma_start3A_121 = tpu.memref_slice %arg6[%dma_start3A_119, %dma_start3A_120] : memref<2048x32xf32, #tpu.memory_space<vmem>> -> memref<128x32xf32, #tpu.memory_space<vmem>>
    %dma_start3A_122 = arith.constant 0 : i32
    %dma_start3A_123 = tpu.memref_slice %arg5[%add3A_118, %dma_start3A_122] : memref<16x128xi32, #tpu.memory_space<vmem>> -> memref<1x128xi32, #tpu.memory_space<vmem>>
    %dma_start3A_124 = tpu.memref_squeeze %dma_start3A_123 : memref<1x128xi32, #tpu.memory_space<vmem>> -> memref<128xi32, #tpu.memory_space<vmem>>
    %dma_start3A_125 = arith.constant 0 : i32
    %dma_start3A_126 = arith.constant 0 : i32
    %dma_start3A_127 = tpu.memref_slice %arg2[%dma_start3A_125, %dma_start3A_126] : memref<1000x32xf32, #tpu.memory_space<hbm>> -> memref<1000x32xf32, #tpu.memory_space<hbm>>
    tpu.enqueue_indirect_dma source(%dma_start3A_127 : memref<1000x32xf32, #tpu.memory_space<hbm>>) target(%dma_start3A_121 : memref<128x32xf32, #tpu.memory_space<vmem>>) offsets(%dma_start3A_124 : memref<128xi32, #tpu.memory_space<vmem>>) semaphore(%arg7 : memref<!tpu.dma_semaphore, #tpu.memory_space<semaphore_mem>>)
    %mul3A_128 = arith.constant 16 : i32
    %mul3A_129 = arith.muli %add3A_76, %mul3A_128 : i32
    %add3A_130 = arith.constant 4 : i32
    %add3A_131 = arith.addi %mul3A_129, %add3A_130 : i32
    %dma_start3A_132 = arith.constant 512 : i32
    %dma_start3A_133 = arith.constant 0 : i32
    %dma_start3A_134 = tpu.memref_slice %arg6[%dma_start3A_132, %dma_start3A_133] : memref<2048x32xf32, #tpu.memory_space<vmem>> -> memref<128x32xf32, #tpu.memory_space<vmem>>
    %dma_start3A_135 = arith.constant 0 : i32
    %dma_start3A_136 = tpu.memref_slice %arg5[%add3A_131, %dma_start3A_135] : memref<16x128xi32, #tpu.memory_space<vmem>> -> memref<1x128xi32, #tpu.memory_space<vmem>>
    %dma_start3A_137 = tpu.memref_squeeze %dma_start3A_136 : memref<1x128xi32, #tpu.memory_space<vmem>> -> memref<128xi32, #tpu.memory_space<vmem>>
    %dma_start3A_138 = arith.constant 0 : i32
    %dma_start3A_139 = arith.constant 0 : i32
    %dma_start3A_140 = tpu.memref_slice %arg2[%dma_start3A_138, %dma_start3A_139] : memref<1000x32xf32, #tpu.memory_space<hbm>> -> memref<1000x32xf32, #tpu.memory_space<hbm>>
    tpu.enqueue_indirect_dma source(%dma_start3A_140 : memref<1000x32xf32, #tpu.memory_space<hbm>>) target(%dma_start3A_134 : memref<128x32xf32, #tpu.memory_space<vmem>>) offsets(%dma_start3A_137 : memref<128xi32, #tpu.memory_space<vmem>>) semaphore(%arg7 : memref<!tpu.dma_semaphore, #tpu.memory_space<semaphore_mem>>)
    %mul3A_141 = arith.constant 16 : i32
    %mul3A_142 = arith.muli %add3A_76, %mul3A_141 : i32
    %add3A_143 = arith.constant 5 : i32
    %add3A_144 = arith.addi %mul3A_142, %add3A_143 : i32
    %dma_start3A_145 = arith.constant 640 : i32
    %dma_start3A_146 = arith.constant 0 : i32
    %dma_start3A_147 = tpu.memref_slice %arg6[%dma_start3A_145, %dma_start3A_146] : memref<2048x32xf32, #tpu.memory_space<vmem>> -> memref<128x32xf32, #tpu.memory_space<vmem>>
    %dma_start3A_148 = arith.constant 0 : i32
    %dma_start3A_149 = tpu.memref_slice %arg5[%add3A_144, %dma_start3A_148] : memref<16x128xi32, #tpu.memory_space<vmem>> -> memref<1x128xi32, #tpu.memory_space<vmem>>
    %dma_start3A_150 = tpu.memref_squeeze %dma_start3A_149 : memref<1x128xi32, #tpu.memory_space<vmem>> -> memref<128xi32, #tpu.memory_space<vmem>>
    %dma_start3A_151 = arith.constant 0 : i32
    %dma_start3A_152 = arith.constant 0 : i32
    %dma_start3A_153 = tpu.memref_slice %arg2[%dma_start3A_151, %dma_start3A_152] : memref<1000x32xf32, #tpu.memory_space<hbm>> -> memref<1000x32xf32, #tpu.memory_space<hbm>>
    tpu.enqueue_indirect_dma source(%dma_start3A_153 : memref<1000x32xf32, #tpu.memory_space<hbm>>) target(%dma_start3A_147 : memref<128x32xf32, #tpu.memory_space<vmem>>) offsets(%dma_start3A_150 : memref<128xi32, #tpu.memory_space<vmem>>) semaphore(%arg7 : memref<!tpu.dma_semaphore, #tpu.memory_space<semaphore_mem>>)
    %mul3A_154 = arith.constant 16 : i32
    %mul3A_155 = arith.muli %add3A_76, %mul3A_154 : i32
    %add3A_156 = arith.constant 6 : i32
    %add3A_157 = arith.addi %mul3A_155, %add3A_156 : i32
    %dma_start3A_158 = arith.constant 768 : i32
    %dma_start3A_159 = arith.constant 0 : i32
    %dma_start3A_160 = tpu.memref_slice %arg6[%dma_start3A_158, %dma_start3A_159] : memref<2048x32xf32, #tpu.memory_space<vmem>> -> memref<128x32xf32, #tpu.memory_space<vmem>>
    %dma_start3A_161 = arith.constant 0 : i32
    %dma_start3A_162 = tpu.memref_slice %arg5[%add3A_157, %dma_start3A_161] : memref<16x128xi32, #tpu.memory_space<vmem>> -> memref<1x128xi32, #tpu.memory_space<vmem>>
    %dma_start3A_163 = tpu.memref_squeeze %dma_start3A_162 : memref<1x128xi32, #tpu.memory_space<vmem>> -> memref<128xi32, #tpu.memory_space<vmem>>
    %dma_start3A_164 = arith.constant 0 : i32
    %dma_start3A_165 = arith.constant 0 : i32
    %dma_start3A_166 = tpu.memref_slice %arg2[%dma_start3A_164, %dma_start3A_165] : memref<1000x32xf32, #tpu.memory_space<hbm>> -> memref<1000x32xf32, #tpu.memory_space<hbm>>
    tpu.enqueue_indirect_dma source(%dma_start3A_166 : memref<1000x32xf32, #tpu.memory_space<hbm>>) target(%dma_start3A_160 : memref<128x32xf32, #tpu.memory_space<vmem>>) offsets(%dma_start3A_163 : memref<128xi32, #tpu.memory_space<vmem>>) semaphore(%arg7 : memref<!tpu.dma_semaphore, #tpu.memory_space<semaphore_mem>>)
    %mul3A_167 = arith.constant 16 : i32
    %mul3A_168 = arith.muli %add3A_76, %mul3A_167 : i32
    %add3A_169 = arith.constant 7 : i32
    %add3A_170 = arith.addi %mul3A_168, %add3A_169 : i32
    %dma_start3A_171 = arith.constant 896 : i32
    %dma_start3A_172 = arith.constant 0 : i32
    %dma_start3A_173 = tpu.memref_slice %arg6[%dma_start3A_171, %dma_start3A_172] : memref<2048x32xf32, #tpu.memory_space<vmem>> -> memref<128x32xf32, #tpu.memory_space<vmem>>
    %dma_start3A_174 = arith.constant 0 : i32
    %dma_start3A_175 = tpu.memref_slice %arg5[%add3A_170, %dma_start3A_174] : memref<16x128xi32, #tpu.memory_space<vmem>> -> memref<1x128xi32, #tpu.memory_space<vmem>>
    %dma_start3A_176 = tpu.memref_squeeze %dma_start3A_175 : memref<1x128xi32, #tpu.memory_space<vmem>> -> memref<128xi32, #tpu.memory_space<vmem>>
    %dma_start3A_177 = arith.constant 0 : i32
    %dma_start3A_178 = arith.constant 0 : i32
    %dma_start3A_179 = tpu.memref_slice %arg2[%dma_start3A_177, %dma_start3A_178] : memref<1000x32xf32, #tpu.memory_space<hbm>> -> memref<1000x32xf32, #tpu.memory_space<hbm>>
    tpu.enqueue_indirect_dma source(%dma_start3A_179 : memref<1000x32xf32, #tpu.memory_space<hbm>>) target(%dma_start3A_173 : memref<128x32xf32, #tpu.memory_space<vmem>>) offsets(%dma_start3A_176 : memref<128xi32, #tpu.memory_space<vmem>>) semaphore(%arg7 : memref<!tpu.dma_semaphore, #tpu.memory_space<semaphore_mem>>)
    %mul3A_180 = arith.constant 16 : i32
    %mul3A_181 = arith.muli %add3A_76, %mul3A_180 : i32
    %add3A_182 = arith.constant 8 : i32
    %add3A_183 = arith.addi %mul3A_181, %add3A_182 : i32
    %dma_start3A_184 = arith.constant 1024 : i32
    %dma_start3A_185 = arith.constant 0 : i32
    %dma_start3A_186 = tpu.memref_slice %arg6[%dma_start3A_184, %dma_start3A_185] : memref<2048x32xf32, #tpu.memory_space<vmem>> -> memref<128x32xf32, #tpu.memory_space<vmem>>
    %dma_start3A_187 = arith.constant 0 : i32
    %dma_start3A_188 = tpu.memref_slice %arg5[%add3A_183, %dma_start3A_187] : memref<16x128xi32, #tpu.memory_space<vmem>> -> memref<1x128xi32, #tpu.memory_space<vmem>>
    %dma_start3A_189 = tpu.memref_squeeze %dma_start3A_188 : memref<1x128xi32, #tpu.memory_space<vmem>> -> memref<128xi32, #tpu.memory_space<vmem>>
    %dma_start3A_190 = arith.constant 0 : i32
    %dma_start3A_191 = arith.constant 0 : i32
    %dma_start3A_192 = tpu.memref_slice %arg2[%dma_start3A_190, %dma_start3A_191] : memref<1000x32xf32, #tpu.memory_space<hbm>> -> memref<1000x32xf32, #tpu.memory_space<hbm>>
    tpu.enqueue_indirect_dma source(%dma_start3A_192 : memref<1000x32xf32, #tpu.memory_space<hbm>>) target(%dma_start3A_186 : memref<128x32xf32, #tpu.memory_space<vmem>>) offsets(%dma_start3A_189 : memref<128xi32, #tpu.memory_space<vmem>>) semaphore(%arg7 : memref<!tpu.dma_semaphore, #tpu.memory_space<semaphore_mem>>)
    %mul3A_193 = arith.constant 16 : i32
    %mul3A_194 = arith.muli %add3A_76, %mul3A_193 : i32
    %add3A_195 = arith.constant 9 : i32
    %add3A_196 = arith.addi %mul3A_194, %add3A_195 : i32
    %dma_start3A_197 = arith.constant 1152 : i32
    %dma_start3A_198 = arith.constant 0 : i32
    %dma_start3A_199 = tpu.memref_slice %arg6[%dma_start3A_197, %dma_start3A_198] : memref<2048x32xf32, #tpu.memory_space<vmem>> -> memref<128x32xf32, #tpu.memory_space<vmem>>
    %dma_start3A_200 = arith.constant 0 : i32
    %dma_start3A_201 = tpu.memref_slice %arg5[%add3A_196, %dma_start3A_200] : memref<16x128xi32, #tpu.memory_space<vmem>> -> memref<1x128xi32, #tpu.memory_space<vmem>>
    %dma_start3A_202 = tpu.memref_squeeze %dma_start3A_201 : memref<1x128xi32, #tpu.memory_space<vmem>> -> memref<128xi32, #tpu.memory_space<vmem>>
    %dma_start3A_203 = arith.constant 0 : i32
    %dma_start3A_204 = arith.constant 0 : i32
    %dma_start3A_205 = tpu.memref_slice %arg2[%dma_start3A_203, %dma_start3A_204] : memref<1000x32xf32, #tpu.memory_space<hbm>> -> memref<1000x32xf32, #tpu.memory_space<hbm>>
    tpu.enqueue_indirect_dma source(%dma_start3A_205 : memref<1000x32xf32, #tpu.memory_space<hbm>>) target(%dma_start3A_199 : memref<128x32xf32, #tpu.memory_space<vmem>>) offsets(%dma_start3A_202 : memref<128xi32, #tpu.memory_space<vmem>>) semaphore(%arg7 : memref<!tpu.dma_semaphore, #tpu.memory_space<semaphore_mem>>)
    %mul3A_206 = arith.constant 16 : i32
    %mul3A_207 = arith.muli %add3A_76, %mul3A_206 : i32
    %add3A_208 = arith.constant 10 : i32
    %add3A_209 = arith.addi %mul3A_207, %add3A_208 : i32
    %dma_start3A_210 = arith.constant 1280 : i32
    %dma_start3A_211 = arith.constant 0 : i32
    %dma_start3A_212 = tpu.memref_slice %arg6[%dma_start3A_210, %dma_start3A_211] : memref<2048x32xf32, #tpu.memory_space<vmem>> -> memref<128x32xf32, #tpu.memory_space<vmem>>
    %dma_start3A_213 = arith.constant 0 : i32
    %dma_start3A_214 = tpu.memref_slice %arg5[%add3A_209, %dma_start3A_213] : memref<16x128xi32, #tpu.memory_space<vmem>> -> memref<1x128xi32, #tpu.memory_space<vmem>>
    %dma_start3A_215 = tpu.memref_squeeze %dma_start3A_214 : memref<1x128xi32, #tpu.memory_space<vmem>> -> memref<128xi32, #tpu.memory_space<vmem>>
    %dma_start3A_216 = arith.constant 0 : i32
    %dma_start3A_217 = arith.constant 0 : i32
    %dma_start3A_218 = tpu.memref_slice %arg2[%dma_start3A_216, %dma_start3A_217] : memref<1000x32xf32, #tpu.memory_space<hbm>> -> memref<1000x32xf32, #tpu.memory_space<hbm>>
    tpu.enqueue_indirect_dma source(%dma_start3A_218 : memref<1000x32xf32, #tpu.memory_space<hbm>>) target(%dma_start3A_212 : memref<128x32xf32, #tpu.memory_space<vmem>>) offsets(%dma_start3A_215 : memref<128xi32, #tpu.memory_space<vmem>>) semaphore(%arg7 : memref<!tpu.dma_semaphore, #tpu.memory_space<semaphore_mem>>)
    %mul3A_219 = arith.constant 16 : i32
    %mul3A_220 = arith.muli %add3A_76, %mul3A_219 : i32
    %add3A_221 = arith.constant 11 : i32
    %add3A_222 = arith.addi %mul3A_220, %add3A_221 : i32
    %dma_start3A_223 = arith.constant 1408 : i32
    %dma_start3A_224 = arith.constant 0 : i32
    %dma_start3A_225 = tpu.memref_slice %arg6[%dma_start3A_223, %dma_start3A_224] : memref<2048x32xf32, #tpu.memory_space<vmem>> -> memref<128x32xf32, #tpu.memory_space<vmem>>
    %dma_start3A_226 = arith.constant 0 : i32
    %dma_start3A_227 = tpu.memref_slice %arg5[%add3A_222, %dma_start3A_226] : memref<16x128xi32, #tpu.memory_space<vmem>> -> memref<1x128xi32, #tpu.memory_space<vmem>>
    %dma_start3A_228 = tpu.memref_squeeze %dma_start3A_227 : memref<1x128xi32, #tpu.memory_space<vmem>> -> memref<128xi32, #tpu.memory_space<vmem>>
    %dma_start3A_229 = arith.constant 0 : i32
    %dma_start3A_230 = arith.constant 0 : i32
    %dma_start3A_231 = tpu.memref_slice %arg2[%dma_start3A_229, %dma_start3A_230] : memref<1000x32xf32, #tpu.memory_space<hbm>> -> memref<1000x32xf32, #tpu.memory_space<hbm>>
    tpu.enqueue_indirect_dma source(%dma_start3A_231 : memref<1000x32xf32, #tpu.memory_space<hbm>>) target(%dma_start3A_225 : memref<128x32xf32, #tpu.memory_space<vmem>>) offsets(%dma_start3A_228 : memref<128xi32, #tpu.memory_space<vmem>>) semaphore(%arg7 : memref<!tpu.dma_semaphore, #tpu.memory_space<semaphore_mem>>)
    %mul3A_232 = arith.constant 16 : i32
    %mul3A_233 = arith.muli %add3A_76, %mul3A_232 : i32
    %add3A_234 = arith.constant 12 : i32
    %add3A_235 = arith.addi %mul3A_233, %add3A_234 : i32
    %dma_start3A_236 = arith.constant 1536 : i32
    %dma_start3A_237 = arith.constant 0 : i32
    %dma_start3A_238 = tpu.memref_slice %arg6[%dma_start3A_236, %dma_start3A_237] : memref<2048x32xf32, #tpu.memory_space<vmem>> -> memref<128x32xf32, #tpu.memory_space<vmem>>
    %dma_start3A_239 = arith.constant 0 : i32
    %dma_start3A_240 = tpu.memref_slice %arg5[%add3A_235, %dma_start3A_239] : memref<16x128xi32, #tpu.memory_space<vmem>> -> memref<1x128xi32, #tpu.memory_space<vmem>>
    %dma_start3A_241 = tpu.memref_squeeze %dma_start3A_240 : memref<1x128xi32, #tpu.memory_space<vmem>> -> memref<128xi32, #tpu.memory_space<vmem>>
    %dma_start3A_242 = arith.constant 0 : i32
    %dma_start3A_243 = arith.constant 0 : i32
    %dma_start3A_244 = tpu.memref_slice %arg2[%dma_start3A_242, %dma_start3A_243] : memref<1000x32xf32, #tpu.memory_space<hbm>> -> memref<1000x32xf32, #tpu.memory_space<hbm>>
    tpu.enqueue_indirect_dma source(%dma_start3A_244 : memref<1000x32xf32, #tpu.memory_space<hbm>>) target(%dma_start3A_238 : memref<128x32xf32, #tpu.memory_space<vmem>>) offsets(%dma_start3A_241 : memref<128xi32, #tpu.memory_space<vmem>>) semaphore(%arg7 : memref<!tpu.dma_semaphore, #tpu.memory_space<semaphore_mem>>)
    %mul3A_245 = arith.constant 16 : i32
    %mul3A_246 = arith.muli %add3A_76, %mul3A_245 : i32
    %add3A_247 = arith.constant 13 : i32
    %add3A_248 = arith.addi %mul3A_246, %add3A_247 : i32
    %dma_start3A_249 = arith.constant 1664 : i32
    %dma_start3A_250 = arith.constant 0 : i32
    %dma_start3A_251 = tpu.memref_slice %arg6[%dma_start3A_249, %dma_start3A_250] : memref<2048x32xf32, #tpu.memory_space<vmem>> -> memref<128x32xf32, #tpu.memory_space<vmem>>
    %dma_start3A_252 = arith.constant 0 : i32
    %dma_start3A_253 = tpu.memref_slice %arg5[%add3A_248, %dma_start3A_252] : memref<16x128xi32, #tpu.memory_space<vmem>> -> memref<1x128xi32, #tpu.memory_space<vmem>>
    %dma_start3A_254 = tpu.memref_squeeze %dma_start3A_253 : memref<1x128xi32, #tpu.memory_space<vmem>> -> memref<128xi32, #tpu.memory_space<vmem>>
    %dma_start3A_255 = arith.constant 0 : i32
    %dma_start3A_256 = arith.constant 0 : i32
    %dma_start3A_257 = tpu.memref_slice %arg2[%dma_start3A_255, %dma_start3A_256] : memref<1000x32xf32, #tpu.memory_space<hbm>> -> memref<1000x32xf32, #tpu.memory_space<hbm>>
    tpu.enqueue_indirect_dma source(%dma_start3A_257 : memref<1000x32xf32, #tpu.memory_space<hbm>>) target(%dma_start3A_251 : memref<128x32xf32, #tpu.memory_space<vmem>>) offsets(%dma_start3A_254 : memref<128xi32, #tpu.memory_space<vmem>>) semaphore(%arg7 : memref<!tpu.dma_semaphore, #tpu.memory_space<semaphore_mem>>)
    %mul3A_258 = arith.constant 16 : i32
    %mul3A_259 = arith.muli %add3A_76, %mul3A_258 : i32
    %add3A_260 = arith.constant 14 : i32
    %add3A_261 = arith.addi %mul3A_259, %add3A_260 : i32
    %dma_start3A_262 = arith.constant 1792 : i32
    %dma_start3A_263 = arith.constant 0 : i32
    %dma_start3A_264 = tpu.memref_slice %arg6[%dma_start3A_262, %dma_start3A_263] : memref<2048x32xf32, #tpu.memory_space<vmem>> -> memref<128x32xf32, #tpu.memory_space<vmem>>
    %dma_start3A_265 = arith.constant 0 : i32
    %dma_start3A_266 = tpu.memref_slice %arg5[%add3A_261, %dma_start3A_265] : memref<16x128xi32, #tpu.memory_space<vmem>> -> memref<1x128xi32, #tpu.memory_space<vmem>>
    %dma_start3A_267 = tpu.memref_squeeze %dma_start3A_266 : memref<1x128xi32, #tpu.memory_space<vmem>> -> memref<128xi32, #tpu.memory_space<vmem>>
    %dma_start3A_268 = arith.constant 0 : i32
    %dma_start3A_269 = arith.constant 0 : i32
    %dma_start3A_270 = tpu.memref_slice %arg2[%dma_start3A_268, %dma_start3A_269] : memref<1000x32xf32, #tpu.memory_space<hbm>> -> memref<1000x32xf32, #tpu.memory_space<hbm>>
    tpu.enqueue_indirect_dma source(%dma_start3A_270 : memref<1000x32xf32, #tpu.memory_space<hbm>>) target(%dma_start3A_264 : memref<128x32xf32, #tpu.memory_space<vmem>>) offsets(%dma_start3A_267 : memref<128xi32, #tpu.memory_space<vmem>>) semaphore(%arg7 : memref<!tpu.dma_semaphore, #tpu.memory_space<semaphore_mem>>)
    %mul3A_271 = arith.constant 16 : i32
    %mul3A_272 = arith.muli %add3A_76, %mul3A_271 : i32
    %add3A_273 = arith.constant 15 : i32
    %add3A_274 = arith.addi %mul3A_272, %add3A_273 : i32
    %dma_start3A_275 = arith.constant 1920 : i32
    %dma_start3A_276 = arith.constant 0 : i32
    %dma_start3A_277 = tpu.memref_slice %arg6[%dma_start3A_275, %dma_start3A_276] : memref<2048x32xf32, #tpu.memory_space<vmem>> -> memref<128x32xf32, #tpu.memory_space<vmem>>
    %dma_start3A_278 = arith.constant 0 : i32
    %dma_start3A_279 = tpu.memref_slice %arg5[%add3A_274, %dma_start3A_278] : memref<16x128xi32, #tpu.memory_space<vmem>> -> memref<1x128xi32, #tpu.memory_space<vmem>>
    %dma_start3A_280 = tpu.memref_squeeze %dma_start3A_279 : memref<1x128xi32, #tpu.memory_space<vmem>> -> memref<128xi32, #tpu.memory_space<vmem>>
    %dma_start3A_281 = arith.constant 0 : i32
    %dma_start3A_282 = arith.constant 0 : i32
    %dma_start3A_283 = tpu.memref_slice %arg2[%dma_start3A_281, %dma_start3A_282] : memref<1000x32xf32, #tpu.memory_space<hbm>> -> memref<1000x32xf32, #tpu.memory_space<hbm>>
    tpu.enqueue_indirect_dma source(%dma_start3A_283 : memref<1000x32xf32, #tpu.memory_space<hbm>>) target(%dma_start3A_277 : memref<128x32xf32, #tpu.memory_space<vmem>>) offsets(%dma_start3A_280 : memref<128xi32, #tpu.memory_space<vmem>>) semaphore(%arg7 : memref<!tpu.dma_semaphore, #tpu.memory_space<semaphore_mem>>)
    %dma_wait3A = arith.constant 0 : i32
    %dma_wait3A_284 = arith.constant 0 : i32
    %dma_wait3A_285 = arith.constant 0 : i32
    %dma_wait3A_286 = tpu.memref_slice %arg6[%dma_wait3A_284, %dma_wait3A_285] : memref<2048x32xf32, #tpu.memory_space<vmem>> -> memref<128x32xf32, #tpu.memory_space<vmem>>
    %dma_wait3A_287 = arith.constant 0 : i32
    %dma_wait3A_288 = tpu.memref_slice %arg5[%dma_wait3A, %dma_wait3A_287] : memref<16x128xi32, #tpu.memory_space<vmem>> -> memref<1x128xi32, #tpu.memory_space<vmem>>
    %dma_wait3A_289 = tpu.memref_squeeze %dma_wait3A_288 : memref<1x128xi32, #tpu.memory_space<vmem>> -> memref<128xi32, #tpu.memory_space<vmem>>
    %dma_wait3A_290 = arith.constant 0 : i32
    %dma_wait3A_291 = arith.constant 0 : i32
    %dma_wait3A_292 = tpu.memref_slice %arg2[%dma_wait3A_290, %dma_wait3A_291] : memref<1000x32xf32, #tpu.memory_space<hbm>> -> memref<1000x32xf32, #tpu.memory_space<hbm>>
    tpu.wait_indirect_dma semaphore(%arg7 : memref<!tpu.dma_semaphore, #tpu.memory_space<semaphore_mem>>) src(%dma_wait3A_292 : memref<1000x32xf32, #tpu.memory_space<hbm>>) dst(%dma_wait3A_286 : memref<128x32xf32, #tpu.memory_space<vmem>>)
    %dma_wait3A_293 = arith.constant 0 : i32
    %dma_wait3A_294 = arith.constant 128 : i32
    %dma_wait3A_295 = arith.constant 0 : i32
    %dma_wait3A_296 = tpu.memref_slice %arg6[%dma_wait3A_294, %dma_wait3A_295] : memref<2048x32xf32, #tpu.memory_space<vmem>> -> memref<128x32xf32, #tpu.memory_space<vmem>>
    %dma_wait3A_297 = arith.constant 0 : i32
    %dma_wait3A_298 = tpu.memref_slice %arg5[%dma_wait3A_293, %dma_wait3A_297] : memref<16x128xi32, #tpu.memory_space<vmem>> -> memref<1x128xi32, #tpu.memory_space<vmem>>
    %dma_wait3A_299 = tpu.memref_squeeze %dma_wait3A_298 : memref<1x128xi32, #tpu.memory_space<vmem>> -> memref<128xi32, #tpu.memory_space<vmem>>
    %dma_wait3A_300 = arith.constant 0 : i32
    %dma_wait3A_301 = arith.constant 0 : i32
    %dma_wait3A_302 = tpu.memref_slice %arg2[%dma_wait3A_300, %dma_wait3A_301] : memref<1000x32xf32, #tpu.memory_space<hbm>> -> memref<1000x32xf32, #tpu.memory_space<hbm>>
    tpu.wait_indirect_dma semaphore(%arg7 : memref<!tpu.dma_semaphore, #tpu.memory_space<semaphore_mem>>) src(%dma_wait3A_302 : memref<1000x32xf32, #tpu.memory_space<hbm>>) dst(%dma_wait3A_296 : memref<128x32xf32, #tpu.memory_space<vmem>>)
    %dma_wait3A_303 = arith.constant 0 : i32
    %dma_wait3A_304 = arith.constant 256 : i32
    %dma_wait3A_305 = arith.constant 0 : i32
    %dma_wait3A_306 = tpu.memref_slice %arg6[%dma_wait3A_304, %dma_wait3A_305] : memref<2048x32xf32, #tpu.memory_space<vmem>> -> memref<128x32xf32, #tpu.memory_space<vmem>>
    %dma_wait3A_307 = arith.constant 0 : i32
    %dma_wait3A_308 = tpu.memref_slice %arg5[%dma_wait3A_303, %dma_wait3A_307] : memref<16x128xi32, #tpu.memory_space<vmem>> -> memref<1x128xi32, #tpu.memory_space<vmem>>
    %dma_wait3A_309 = tpu.memref_squeeze %dma_wait3A_308 : memref<1x128xi32, #tpu.memory_space<vmem>> -> memref<128xi32, #tpu.memory_space<vmem>>
    %dma_wait3A_310 = arith.constant 0 : i32
    %dma_wait3A_311 = arith.constant 0 : i32
    %dma_wait3A_312 = tpu.memref_slice %arg2[%dma_wait3A_310, %dma_wait3A_311] : memref<1000x32xf32, #tpu.memory_space<hbm>> -> memref<1000x32xf32, #tpu.memory_space<hbm>>
    tpu.wait_indirect_dma semaphore(%arg7 : memref<!tpu.dma_semaphore, #tpu.memory_space<semaphore_mem>>) src(%dma_wait3A_312 : memref<1000x32xf32, #tpu.memory_space<hbm>>) dst(%dma_wait3A_306 : memref<128x32xf32, #tpu.memory_space<vmem>>)
    %dma_wait3A_313 = arith.constant 0 : i32
    %dma_wait3A_314 = arith.constant 384 : i32
    %dma_wait3A_315 = arith.constant 0 : i32
    %dma_wait3A_316 = tpu.memref_slice %arg6[%dma_wait3A_314, %dma_wait3A_315] : memref<2048x32xf32, #tpu.memory_space<vmem>> -> memref<128x32xf32, #tpu.memory_space<vmem>>
    %dma_wait3A_317 = arith.constant 0 : i32
    %dma_wait3A_318 = tpu.memref_slice %arg5[%dma_wait3A_313, %dma_wait3A_317] : memref<16x128xi32, #tpu.memory_space<vmem>> -> memref<1x128xi32, #tpu.memory_space<vmem>>
    %dma_wait3A_319 = tpu.memref_squeeze %dma_wait3A_318 : memref<1x128xi32, #tpu.memory_space<vmem>> -> memref<128xi32, #tpu.memory_space<vmem>>
    %dma_wait3A_320 = arith.constant 0 : i32
    %dma_wait3A_321 = arith.constant 0 : i32
    %dma_wait3A_322 = tpu.memref_slice %arg2[%dma_wait3A_320, %dma_wait3A_321] : memref<1000x32xf32, #tpu.memory_space<hbm>> -> memref<1000x32xf32, #tpu.memory_space<hbm>>
    tpu.wait_indirect_dma semaphore(%arg7 : memref<!tpu.dma_semaphore, #tpu.memory_space<semaphore_mem>>) src(%dma_wait3A_322 : memref<1000x32xf32, #tpu.memory_space<hbm>>) dst(%dma_wait3A_316 : memref<128x32xf32, #tpu.memory_space<vmem>>)
    %dma_wait3A_323 = arith.constant 0 : i32
    %dma_wait3A_324 = arith.constant 512 : i32
    %dma_wait3A_325 = arith.constant 0 : i32
    %dma_wait3A_326 = tpu.memref_slice %arg6[%dma_wait3A_324, %dma_wait3A_325] : memref<2048x32xf32, #tpu.memory_space<vmem>> -> memref<128x32xf32, #tpu.memory_space<vmem>>
    %dma_wait3A_327 = arith.constant 0 : i32
    %dma_wait3A_328 = tpu.memref_slice %arg5[%dma_wait3A_323, %dma_wait3A_327] : memref<16x128xi32, #tpu.memory_space<vmem>> -> memref<1x128xi32, #tpu.memory_space<vmem>>
    %dma_wait3A_329 = tpu.memref_squeeze %dma_wait3A_328 : memref<1x128xi32, #tpu.memory_space<vmem>> -> memref<128xi32, #tpu.memory_space<vmem>>
    %dma_wait3A_330 = arith.constant 0 : i32
    %dma_wait3A_331 = arith.constant 0 : i32
    %dma_wait3A_332 = tpu.memref_slice %arg2[%dma_wait3A_330, %dma_wait3A_331] : memref<1000x32xf32, #tpu.memory_space<hbm>> -> memref<1000x32xf32, #tpu.memory_space<hbm>>
    tpu.wait_indirect_dma semaphore(%arg7 : memref<!tpu.dma_semaphore, #tpu.memory_space<semaphore_mem>>) src(%dma_wait3A_332 : memref<1000x32xf32, #tpu.memory_space<hbm>>) dst(%dma_wait3A_326 : memref<128x32xf32, #tpu.memory_space<vmem>>)
    %dma_wait3A_333 = arith.constant 0 : i32
    %dma_wait3A_334 = arith.constant 640 : i32
    %dma_wait3A_335 = arith.constant 0 : i32
    %dma_wait3A_336 = tpu.memref_slice %arg6[%dma_wait3A_334, %dma_wait3A_335] : memref<2048x32xf32, #tpu.memory_space<vmem>> -> memref<128x32xf32, #tpu.memory_space<vmem>>
    %dma_wait3A_337 = arith.constant 0 : i32
    %dma_wait3A_338 = tpu.memref_slice %arg5[%dma_wait3A_333, %dma_wait3A_337] : memref<16x128xi32, #tpu.memory_space<vmem>> -> memref<1x128xi32, #tpu.memory_space<vmem>>
    %dma_wait3A_339 = tpu.memref_squeeze %dma_wait3A_338 : memref<1x128xi32, #tpu.memory_space<vmem>> -> memref<128xi32, #tpu.memory_space<vmem>>
    %dma_wait3A_340 = arith.constant 0 : i32
    %dma_wait3A_341 = arith.constant 0 : i32
    %dma_wait3A_342 = tpu.memref_slice %arg2[%dma_wait3A_340, %dma_wait3A_341] : memref<1000x32xf32, #tpu.memory_space<hbm>> -> memref<1000x32xf32, #tpu.memory_space<hbm>>
    tpu.wait_indirect_dma semaphore(%arg7 : memref<!tpu.dma_semaphore, #tpu.memory_space<semaphore_mem>>) src(%dma_wait3A_342 : memref<1000x32xf32, #tpu.memory_space<hbm>>) dst(%dma_wait3A_336 : memref<128x32xf32, #tpu.memory_space<vmem>>)
    %dma_wait3A_343 = arith.constant 0 : i32
    %dma_wait3A_344 = arith.constant 768 : i32
    %dma_wait3A_345 = arith.constant 0 : i32
    %dma_wait3A_346 = tpu.memref_slice %arg6[%dma_wait3A_344, %dma_wait3A_345] : memref<2048x32xf32, #tpu.memory_space<vmem>> -> memref<128x32xf32, #tpu.memory_space<vmem>>
    %dma_wait3A_347 = arith.constant 0 : i32
    %dma_wait3A_348 = tpu.memref_slice %arg5[%dma_wait3A_343, %dma_wait3A_347] : memref<16x128xi32, #tpu.memory_space<vmem>> -> memref<1x128xi32, #tpu.memory_space<vmem>>
    %dma_wait3A_349 = tpu.memref_squeeze %dma_wait3A_348 : memref<1x128xi32, #tpu.memory_space<vmem>> -> memref<128xi32, #tpu.memory_space<vmem>>
    %dma_wait3A_350 = arith.constant 0 : i32
    %dma_wait3A_351 = arith.constant 0 : i32
    %dma_wait3A_352 = tpu.memref_slice %arg2[%dma_wait3A_350, %dma_wait3A_351] : memref<1000x32xf32, #tpu.memory_space<hbm>> -> memref<1000x32xf32, #tpu.memory_space<hbm>>
    tpu.wait_indirect_dma semaphore(%arg7 : memref<!tpu.dma_semaphore, #tpu.memory_space<semaphore_mem>>) src(%dma_wait3A_352 : memref<1000x32xf32, #tpu.memory_space<hbm>>) dst(%dma_wait3A_346 : memref<128x32xf32, #tpu.memory_space<vmem>>)
    %dma_wait3A_353 = arith.constant 0 : i32
    %dma_wait3A_354 = arith.constant 896 : i32
    %dma_wait3A_355 = arith.constant 0 : i32
    %dma_wait3A_356 = tpu.memref_slice %arg6[%dma_wait3A_354, %dma_wait3A_355] : memref<2048x32xf32, #tpu.memory_space<vmem>> -> memref<128x32xf32, #tpu.memory_space<vmem>>
    %dma_wait3A_357 = arith.constant 0 : i32
    %dma_wait3A_358 = tpu.memref_slice %arg5[%dma_wait3A_353, %dma_wait3A_357] : memref<16x128xi32, #tpu.memory_space<vmem>> -> memref<1x128xi32, #tpu.memory_space<vmem>>
    %dma_wait3A_359 = tpu.memref_squeeze %dma_wait3A_358 : memref<1x128xi32, #tpu.memory_space<vmem>> -> memref<128xi32, #tpu.memory_space<vmem>>
    %dma_wait3A_360 = arith.constant 0 : i32
    %dma_wait3A_361 = arith.constant 0 : i32
    %dma_wait3A_362 = tpu.memref_slice %arg2[%dma_wait3A_360, %dma_wait3A_361] : memref<1000x32xf32, #tpu.memory_space<hbm>> -> memref<1000x32xf32, #tpu.memory_space<hbm>>
    tpu.wait_indirect_dma semaphore(%arg7 : memref<!tpu.dma_semaphore, #tpu.memory_space<semaphore_mem>>) src(%dma_wait3A_362 : memref<1000x32xf32, #tpu.memory_space<hbm>>) dst(%dma_wait3A_356 : memref<128x32xf32, #tpu.memory_space<vmem>>)
    %dma_wait3A_363 = arith.constant 0 : i32
    %dma_wait3A_364 = arith.constant 1024 : i32
    %dma_wait3A_365 = arith.constant 0 : i32
    %dma_wait3A_366 = tpu.memref_slice %arg6[%dma_wait3A_364, %dma_wait3A_365] : memref<2048x32xf32, #tpu.memory_space<vmem>> -> memref<128x32xf32, #tpu.memory_space<vmem>>
    %dma_wait3A_367 = arith.constant 0 : i32
    %dma_wait3A_368 = tpu.memref_slice %arg5[%dma_wait3A_363, %dma_wait3A_367] : memref<16x128xi32, #tpu.memory_space<vmem>> -> memref<1x128xi32, #tpu.memory_space<vmem>>
    %dma_wait3A_369 = tpu.memref_squeeze %dma_wait3A_368 : memref<1x128xi32, #tpu.memory_space<vmem>> -> memref<128xi32, #tpu.memory_space<vmem>>
    %dma_wait3A_370 = arith.constant 0 : i32
    %dma_wait3A_371 = arith.constant 0 : i32
    %dma_wait3A_372 = tpu.memref_slice %arg2[%dma_wait3A_370, %dma_wait3A_371] : memref<1000x32xf32, #tpu.memory_space<hbm>> -> memref<1000x32xf32, #tpu.memory_space<hbm>>
    tpu.wait_indirect_dma semaphore(%arg7 : memref<!tpu.dma_semaphore, #tpu.memory_space<semaphore_mem>>) src(%dma_wait3A_372 : memref<1000x32xf32, #tpu.memory_space<hbm>>) dst(%dma_wait3A_366 : memref<128x32xf32, #tpu.memory_space<vmem>>)
    %dma_wait3A_373 = arith.constant 0 : i32
    %dma_wait3A_374 = arith.constant 1152 : i32
    %dma_wait3A_375 = arith.constant 0 : i32
    %dma_wait3A_376 = tpu.memref_slice %arg6[%dma_wait3A_374, %dma_wait3A_375] : memref<2048x32xf32, #tpu.memory_space<vmem>> -> memref<128x32xf32, #tpu.memory_space<vmem>>
    %dma_wait3A_377 = arith.constant 0 : i32
    %dma_wait3A_378 = tpu.memref_slice %arg5[%dma_wait3A_373, %dma_wait3A_377] : memref<16x128xi32, #tpu.memory_space<vmem>> -> memref<1x128xi32, #tpu.memory_space<vmem>>
    %dma_wait3A_379 = tpu.memref_squeeze %dma_wait3A_378 : memref<1x128xi32, #tpu.memory_space<vmem>> -> memref<128xi32, #tpu.memory_space<vmem>>
    %dma_wait3A_380 = arith.constant 0 : i32
    %dma_wait3A_381 = arith.constant 0 : i32
    %dma_wait3A_382 = tpu.memref_slice %arg2[%dma_wait3A_380, %dma_wait3A_381] : memref<1000x32xf32, #tpu.memory_space<hbm>> -> memref<1000x32xf32, #tpu.memory_space<hbm>>
    tpu.wait_indirect_dma semaphore(%arg7 : memref<!tpu.dma_semaphore, #tpu.memory_space<semaphore_mem>>) src(%dma_wait3A_382 : memref<1000x32xf32, #tpu.memory_space<hbm>>) dst(%dma_wait3A_376 : memref<128x32xf32, #tpu.memory_space<vmem>>)
    %dma_wait3A_383 = arith.constant 0 : i32
    %dma_wait3A_384 = arith.constant 1280 : i32
    %dma_wait3A_385 = arith.constant 0 : i32
    %dma_wait3A_386 = tpu.memref_slice %arg6[%dma_wait3A_384, %dma_wait3A_385] : memref<2048x32xf32, #tpu.memory_space<vmem>> -> memref<128x32xf32, #tpu.memory_space<vmem>>
    %dma_wait3A_387 = arith.constant 0 : i32
    %dma_wait3A_388 = tpu.memref_slice %arg5[%dma_wait3A_383, %dma_wait3A_387] : memref<16x128xi32, #tpu.memory_space<vmem>> -> memref<1x128xi32, #tpu.memory_space<vmem>>
    %dma_wait3A_389 = tpu.memref_squeeze %dma_wait3A_388 : memref<1x128xi32, #tpu.memory_space<vmem>> -> memref<128xi32, #tpu.memory_space<vmem>>
    %dma_wait3A_390 = arith.constant 0 : i32
    %dma_wait3A_391 = arith.constant 0 : i32
    %dma_wait3A_392 = tpu.memref_slice %arg2[%dma_wait3A_390, %dma_wait3A_391] : memref<1000x32xf32, #tpu.memory_space<hbm>> -> memref<1000x32xf32, #tpu.memory_space<hbm>>
    tpu.wait_indirect_dma semaphore(%arg7 : memref<!tpu.dma_semaphore, #tpu.memory_space<semaphore_mem>>) src(%dma_wait3A_392 : memref<1000x32xf32, #tpu.memory_space<hbm>>) dst(%dma_wait3A_386 : memref<128x32xf32, #tpu.memory_space<vmem>>)
    %dma_wait3A_393 = arith.constant 0 : i32
    %dma_wait3A_394 = arith.constant 1408 : i32
    %dma_wait3A_395 = arith.constant 0 : i32
    %dma_wait3A_396 = tpu.memref_slice %arg6[%dma_wait3A_394, %dma_wait3A_395] : memref<2048x32xf32, #tpu.memory_space<vmem>> -> memref<128x32xf32, #tpu.memory_space<vmem>>
    %dma_wait3A_397 = arith.constant 0 : i32
    %dma_wait3A_398 = tpu.memref_slice %arg5[%dma_wait3A_393, %dma_wait3A_397] : memref<16x128xi32, #tpu.memory_space<vmem>> -> memref<1x128xi32, #tpu.memory_space<vmem>>
    %dma_wait3A_399 = tpu.memref_squeeze %dma_wait3A_398 : memref<1x128xi32, #tpu.memory_space<vmem>> -> memref<128xi32, #tpu.memory_space<vmem>>
    %dma_wait3A_400 = arith.constant 0 : i32
    %dma_wait3A_401 = arith.constant 0 : i32
    %dma_wait3A_402 = tpu.memref_slice %arg2[%dma_wait3A_400, %dma_wait3A_401] : memref<1000x32xf32, #tpu.memory_space<hbm>> -> memref<1000x32xf32, #tpu.memory_space<hbm>>
    tpu.wait_indirect_dma semaphore(%arg7 : memref<!tpu.dma_semaphore, #tpu.memory_space<semaphore_mem>>) src(%dma_wait3A_402 : memref<1000x32xf32, #tpu.memory_space<hbm>>) dst(%dma_wait3A_396 : memref<128x32xf32, #tpu.memory_space<vmem>>)
    %dma_wait3A_403 = arith.constant 0 : i32
    %dma_wait3A_404 = arith.constant 1536 : i32
    %dma_wait3A_405 = arith.constant 0 : i32
    %dma_wait3A_406 = tpu.memref_slice %arg6[%dma_wait3A_404, %dma_wait3A_405] : memref<2048x32xf32, #tpu.memory_space<vmem>> -> memref<128x32xf32, #tpu.memory_space<vmem>>
    %dma_wait3A_407 = arith.constant 0 : i32
    %dma_wait3A_408 = tpu.memref_slice %arg5[%dma_wait3A_403, %dma_wait3A_407] : memref<16x128xi32, #tpu.memory_space<vmem>> -> memref<1x128xi32, #tpu.memory_space<vmem>>
    %dma_wait3A_409 = tpu.memref_squeeze %dma_wait3A_408 : memref<1x128xi32, #tpu.memory_space<vmem>> -> memref<128xi32, #tpu.memory_space<vmem>>
    %dma_wait3A_410 = arith.constant 0 : i32
    %dma_wait3A_411 = arith.constant 0 : i32
    %dma_wait3A_412 = tpu.memref_slice %arg2[%dma_wait3A_410, %dma_wait3A_411] : memref<1000x32xf32, #tpu.memory_space<hbm>> -> memref<1000x32xf32, #tpu.memory_space<hbm>>
    tpu.wait_indirect_dma semaphore(%arg7 : memref<!tpu.dma_semaphore, #tpu.memory_space<semaphore_mem>>) src(%dma_wait3A_412 : memref<1000x32xf32, #tpu.memory_space<hbm>>) dst(%dma_wait3A_406 : memref<128x32xf32, #tpu.memory_space<vmem>>)
    %dma_wait3A_413 = arith.constant 0 : i32
    %dma_wait3A_414 = arith.constant 1664 : i32
    %dma_wait3A_415 = arith.constant 0 : i32
    %dma_wait3A_416 = tpu.memref_slice %arg6[%dma_wait3A_414, %dma_wait3A_415] : memref<2048x32xf32, #tpu.memory_space<vmem>> -> memref<128x32xf32, #tpu.memory_space<vmem>>
    %dma_wait3A_417 = arith.constant 0 : i32
    %dma_wait3A_418 = tpu.memref_slice %arg5[%dma_wait3A_413, %dma_wait3A_417] : memref<16x128xi32, #tpu.memory_space<vmem>> -> memref<1x128xi32, #tpu.memory_space<vmem>>
    %dma_wait3A_419 = tpu.memref_squeeze %dma_wait3A_418 : memref<1x128xi32, #tpu.memory_space<vmem>> -> memref<128xi32, #tpu.memory_space<vmem>>
    %dma_wait3A_420 = arith.constant 0 : i32
    %dma_wait3A_421 = arith.constant 0 : i32
    %dma_wait3A_422 = tpu.memref_slice %arg2[%dma_wait3A_420, %dma_wait3A_421] : memref<1000x32xf32, #tpu.memory_space<hbm>> -> memref<1000x32xf32, #tpu.memory_space<hbm>>
    tpu.wait_indirect_dma semaphore(%arg7 : memref<!tpu.dma_semaphore, #tpu.memory_space<semaphore_mem>>) src(%dma_wait3A_422 : memref<1000x32xf32, #tpu.memory_space<hbm>>) dst(%dma_wait3A_416 : memref<128x32xf32, #tpu.memory_space<vmem>>)
    %dma_wait3A_423 = arith.constant 0 : i32
    %dma_wait3A_424 = arith.constant 1792 : i32
    %dma_wait3A_425 = arith.constant 0 : i32
    %dma_wait3A_426 = tpu.memref_slice %arg6[%dma_wait3A_424, %dma_wait3A_425] : memref<2048x32xf32, #tpu.memory_space<vmem>> -> memref<128x32xf32, #tpu.memory_space<vmem>>
    %dma_wait3A_427 = arith.constant 0 : i32
    %dma_wait3A_428 = tpu.memref_slice %arg5[%dma_wait3A_423, %dma_wait3A_427] : memref<16x128xi32, #tpu.memory_space<vmem>> -> memref<1x128xi32, #tpu.memory_space<vmem>>
    %dma_wait3A_429 = tpu.memref_squeeze %dma_wait3A_428 : memref<1x128xi32, #tpu.memory_space<vmem>> -> memref<128xi32, #tpu.memory_space<vmem>>
    %dma_wait3A_430 = arith.constant 0 : i32
    %dma_wait3A_431 = arith.constant 0 : i32
    %dma_wait3A_432 = tpu.memref_slice %arg2[%dma_wait3A_430, %dma_wait3A_431] : memref<1000x32xf32, #tpu.memory_space<hbm>> -> memref<1000x32xf32, #tpu.memory_space<hbm>>
    tpu.wait_indirect_dma semaphore(%arg7 : memref<!tpu.dma_semaphore, #tpu.memory_space<semaphore_mem>>) src(%dma_wait3A_432 : memref<1000x32xf32, #tpu.memory_space<hbm>>) dst(%dma_wait3A_426 : memref<128x32xf32, #tpu.memory_space<vmem>>)
    %dma_wait3A_433 = arith.constant 0 : i32
    %dma_wait3A_434 = arith.constant 1920 : i32
    %dma_wait3A_435 = arith.constant 0 : i32
    %dma_wait3A_436 = tpu.memref_slice %arg6[%dma_wait3A_434, %dma_wait3A_435] : memref<2048x32xf32, #tpu.memory_space<vmem>> -> memref<128x32xf32, #tpu.memory_space<vmem>>
    %dma_wait3A_437 = arith.constant 0 : i32
    %dma_wait3A_438 = tpu.memref_slice %arg5[%dma_wait3A_433, %dma_wait3A_437] : memref<16x128xi32, #tpu.memory_space<vmem>> -> memref<1x128xi32, #tpu.memory_space<vmem>>
    %dma_wait3A_439 = tpu.memref_squeeze %dma_wait3A_438 : memref<1x128xi32, #tpu.memory_space<vmem>> -> memref<128xi32, #tpu.memory_space<vmem>>
    %dma_wait3A_440 = arith.constant 0 : i32
    %dma_wait3A_441 = arith.constant 0 : i32
    %dma_wait3A_442 = tpu.memref_slice %arg2[%dma_wait3A_440, %dma_wait3A_441] : memref<1000x32xf32, #tpu.memory_space<hbm>> -> memref<1000x32xf32, #tpu.memory_space<hbm>>
    tpu.wait_indirect_dma semaphore(%arg7 : memref<!tpu.dma_semaphore, #tpu.memory_space<semaphore_mem>>) src(%dma_wait3A_442 : memref<1000x32xf32, #tpu.memory_space<hbm>>) dst(%dma_wait3A_436 : memref<128x32xf32, #tpu.memory_space<vmem>>)
    %mul3A_443 = arith.constant 16 : i32
    %mul3A_444 = arith.muli %add3A_76, %mul3A_443 : i32
    %mul3A_445 = arith.constant 128 : i32
    %mul3A_446 = arith.muli %mul3A_444, %mul3A_445 : i32
    %add3A_447 = arith.addi %select_n3A_72, %mul3A_446 : i32
    %mul3A_448 = arith.constant 32 : i32
    %mul3A_449 = arith.muli %select_n3A_56, %mul3A_448 : i32
    "tpu.region"() ({
      %run_scoped3A = tpu.sem_alloc : memref<!tpu.dma_semaphore, #tpu.memory_space<semaphore_mem>>
      %dma_start3A_451 = tpu.memref_slice %arg4[%select_n3A, %add3A_447, %mul3A_449] : memref<4x4096x128xf32, #tpu.memory_space<hbm>> -> memref<1x2048x32xf32, #tpu.memory_space<hbm>>
      %dma_start3A_452 = tpu.memref_squeeze %dma_start3A_451 : memref<1x2048x32xf32, #tpu.memory_space<hbm>> -> memref<2048x32xf32, #tpu.memory_space<hbm>>
      %dma_start3A_453 = tpu.memref_slice %arg4[%select_n3A, %add3A_447, %mul3A_449] : memref<4x4096x128xf32, #tpu.memory_space<hbm>> -> memref<1x2048x32xf32, #tpu.memory_space<hbm>>
      %dma_start3A_454 = tpu.memref_squeeze %dma_start3A_453 : memref<1x2048x32xf32, #tpu.memory_space<hbm>> -> memref<2048x32xf32, #tpu.memory_space<hbm>>
      tpu.enqueue_dma source(%arg6 : memref<2048x32xf32, #tpu.memory_space<vmem>>) target(%dma_start3A_454 : memref<2048x32xf32, #tpu.memory_space<hbm>>) target_semaphore(%run_scoped3A : memref<!tpu.dma_semaphore, #tpu.memory_space<semaphore_mem>>)
      %dma_wait3A_455 = tpu.memref_slice %arg4[%select_n3A, %add3A_447, %mul3A_449] : memref<4x4096x128xf32, #tpu.memory_space<hbm>> -> memref<1x2048x32xf32, #tpu.memory_space<hbm>>
      %dma_wait3A_456 = tpu.memref_squeeze %dma_wait3A_455 : memref<1x2048x32xf32, #tpu.memory_space<hbm>> -> memref<2048x32xf32, #tpu.memory_space<hbm>>
      %dma_wait3A_457 = tpu.memref_slice %arg4[%select_n3A, %add3A_447, %mul3A_449] : memref<4x4096x128xf32, #tpu.memory_space<hbm>> -> memref<1x2048x32xf32, #tpu.memory_space<hbm>>
      %dma_wait3A_458 = tpu.memref_squeeze %dma_wait3A_457 : memref<1x2048x32xf32, #tpu.memory_space<hbm>> -> memref<2048x32xf32, #tpu.memory_space<hbm>>
      tpu.wait_dma2 semaphore(%run_scoped3A : memref<!tpu.dma_semaphore, #tpu.memory_space<semaphore_mem>>) src(%arg6 : memref<2048x32xf32, #tpu.memory_space<vmem>>) dst(%dma_wait3A_458 : memref<2048x32xf32, #tpu.memory_space<hbm>>)
      tpu.yield
    }) : () -> ()
    %scan3A_450 = arith.constant 1 : i32
    return
  }
}

module attributes {stable_mosaic.version = 14 : i64} {
  func.func @body(%arg0: i32, %arg1: i32, %arg2: memref<4x512x128xf32, #tpu.memory_space<vmem>>, %arg3: memref<1000x32xf32, #tpu.memory_space<vmem>>, %arg4: memref<4x1000xf32, #tpu.memory_space<vmem>>, %arg5: memref<4x1000x512xf32, #tpu.memory_space<vmem>>) attributes {dimension_semantics = [#tpu.dimension_semantics<arbitrary>, #tpu.dimension_semantics<arbitrary>], iteration_bounds = array<i64: 8, 4>, scalar_prefetch = 0 : i64, scratch_operands = 0 : i64, tpu.core_type = #tpu.core_type<tc>, window_params = [{transform_indices = @transform_0, window_bounds = array<i64: 4, 512, 128>}, {pipeline_mode = #tpu.pipeline_mode<synchronous>, transform_indices = @transform_1, window_bounds = array<i64: 1000, 32>}, {pipeline_mode = #tpu.pipeline_mode<synchronous>, transform_indices = @transform_2, window_bounds = array<i64: 4, 1000>}, {transform_indices = @transform_3, window_bounds = array<i64: 4, 1000, 512>}]} {
    %eq3A = arith.constant 0 : i32
    %eq3A_0 = arith.cmpi eq, %arg1, %eq3A : i32
    %convert_element_type3A = arith.extui %eq3A_0 : i1 to i32
    %cond3A = arith.constant 0 : i32
    %cond3A_1 = arith.cmpi ne, %convert_element_type3A, %cond3A : i32
    scf.if %cond3A_1 {
      %get3A = arith.constant 0 : index
      %get3A_17 = arith.constant 0 : index
      %get3A_18 = arith.constant 0 : index
      %get3A_19 = vector.load %arg2[%get3A, %get3A_17, %get3A_18] : memref<4x512x128xf32, #tpu.memory_space<vmem>>, vector<1x512x128xf32>
      %get3A_20 = vector.shape_cast %get3A_19 : vector<1x512x128xf32> to vector<512x128xf32>
      %slice3A = vector.extract_strided_slice %get3A_20 {offsets = [0, 0], sizes = [512, 32], strides = [1, 1]} : vector<512x128xf32> to vector<512x32xf32>
      %get3A_21 = arith.constant 0 : index
      %get3A_22 = arith.constant 0 : index
      %get3A_23 = vector.load %arg3[%get3A_21, %get3A_22] : memref<1000x32xf32, #tpu.memory_space<vmem>>, vector<1000x32xf32>
      %dot_general3A = arith.constant dense<0.000000e+00> : vector<1000x512xf32>
      %dot_general3A_24 = tpu.matmul %get3A_23, %slice3A, %dot_general3A {dimension_numbers = #tpu.dot_dimension_numbers<[1], [1], [0], [0], [0, 0, 1, 0], [], []>, transpose_lhs_hint = false} : vector<1000x32xf32>, vector<512x32xf32>, vector<1000x512xf32> -> vector<1000x512xf32>
      %get3A_25 = arith.constant 0 : index
      %get3A_26 = arith.constant 0 : index
      %get3A_27 = vector.load %arg4[%get3A_25, %get3A_26] : memref<4x1000xf32, #tpu.memory_space<vmem>>, vector<1x1000xf32>
      %get3A_28 = vector.shape_cast %get3A_27 : vector<1x1000xf32> to vector<1000xf32>
      %broadcast_in_dim3A = vector.shape_cast %get3A_28 : vector<1000xf32> to vector<1000x1xf32>
      %add3A = vector.broadcast %broadcast_in_dim3A : vector<1000x1xf32> to vector<1000x512xf32>
      %add3A_29 = arith.addf %dot_general3A_24, %add3A : vector<1000x512xf32>
      %swap3A = arith.constant 0 : index
      %swap3A_30 = arith.constant 0 : index
      %swap3A_31 = arith.constant 0 : index
      %swap3A_32 = vector.load %arg5[%swap3A, %swap3A_30, %swap3A_31] : memref<4x1000x512xf32, #tpu.memory_space<vmem>>, vector<1x1000x512xf32>
      %swap3A_33 = vector.shape_cast %swap3A_32 : vector<1x1000x512xf32> to vector<1000x512xf32>
      %swap3A_34 = vector.shape_cast %add3A_29 : vector<1000x512xf32> to vector<1x1000x512xf32>
      tpu.vector_store %arg5[%swap3A, %swap3A_30, %swap3A_31], %swap3A_34 {strides = array<i32>} : memref<4x1000x512xf32, #tpu.memory_space<vmem>>, vector<1x1000x512xf32>,
      %get3A_35 = arith.constant 1 : index
      %get3A_36 = arith.constant 0 : index
      %get3A_37 = arith.constant 0 : index
      %get3A_38 = vector.load %arg2[%get3A_35, %get3A_36, %get3A_37] : memref<4x512x128xf32, #tpu.memory_space<vmem>>, vector<1x512x128xf32>
      %get3A_39 = vector.shape_cast %get3A_38 : vector<1x512x128xf32> to vector<512x128xf32>
      %slice3A_40 = vector.extract_strided_slice %get3A_39 {offsets = [0, 0], sizes = [512, 32], strides = [1, 1]} : vector<512x128xf32> to vector<512x32xf32>
      %get3A_41 = arith.constant 0 : index
      %get3A_42 = arith.constant 0 : index
      %get3A_43 = vector.load %arg3[%get3A_41, %get3A_42] : memref<1000x32xf32, #tpu.memory_space<vmem>>, vector<1000x32xf32>
      %dot_general3A_44 = arith.constant dense<0.000000e+00> : vector<1000x512xf32>
      %dot_general3A_45 = tpu.matmul %get3A_43, %slice3A_40, %dot_general3A_44 {dimension_numbers = #tpu.dot_dimension_numbers<[1], [1], [0], [0], [0, 0, 1, 0], [], []>, transpose_lhs_hint = false} : vector<1000x32xf32>, vector<512x32xf32>, vector<1000x512xf32> -> vector<1000x512xf32>
      %get3A_46 = arith.constant 1 : index
      %get3A_47 = arith.constant 0 : index
      %get3A_48 = vector.load %arg4[%get3A_46, %get3A_47] : memref<4x1000xf32, #tpu.memory_space<vmem>>, vector<1x1000xf32>
      %get3A_49 = vector.shape_cast %get3A_48 : vector<1x1000xf32> to vector<1000xf32>
      %broadcast_in_dim3A_50 = vector.shape_cast %get3A_49 : vector<1000xf32> to vector<1000x1xf32>
      %add3A_51 = vector.broadcast %broadcast_in_dim3A_50 : vector<1000x1xf32> to vector<1000x512xf32>
      %add3A_52 = arith.addf %dot_general3A_45, %add3A_51 : vector<1000x512xf32>
      %swap3A_53 = arith.constant 1 : index
      %swap3A_54 = arith.constant 0 : index
      %swap3A_55 = arith.constant 0 : index
      %swap3A_56 = vector.load %arg5[%swap3A_53, %swap3A_54, %swap3A_55] : memref<4x1000x512xf32, #tpu.memory_space<vmem>>, vector<1x1000x512xf32>
      %swap3A_57 = vector.shape_cast %swap3A_56 : vector<1x1000x512xf32> to vector<1000x512xf32>
      %swap3A_58 = vector.shape_cast %add3A_52 : vector<1000x512xf32> to vector<1x1000x512xf32>
      tpu.vector_store %arg5[%swap3A_53, %swap3A_54, %swap3A_55], %swap3A_58 {strides = array<i32>} : memref<4x1000x512xf32, #tpu.memory_space<vmem>>, vector<1x1000x512xf32>,
      %get3A_59 = arith.constant 2 : index
      %get3A_60 = arith.constant 0 : index
      %get3A_61 = arith.constant 0 : index
      %get3A_62 = vector.load %arg2[%get3A_59, %get3A_60, %get3A_61] : memref<4x512x128xf32, #tpu.memory_space<vmem>>, vector<1x512x128xf32>
      %get3A_63 = vector.shape_cast %get3A_62 : vector<1x512x128xf32> to vector<512x128xf32>
      %slice3A_64 = vector.extract_strided_slice %get3A_63 {offsets = [0, 0], sizes = [512, 32], strides = [1, 1]} : vector<512x128xf32> to vector<512x32xf32>
      %get3A_65 = arith.constant 0 : index
      %get3A_66 = arith.constant 0 : index
      %get3A_67 = vector.load %arg3[%get3A_65, %get3A_66] : memref<1000x32xf32, #tpu.memory_space<vmem>>, vector<1000x32xf32>
      %dot_general3A_68 = arith.constant dense<0.000000e+00> : vector<1000x512xf32>
      %dot_general3A_69 = tpu.matmul %get3A_67, %slice3A_64, %dot_general3A_68 {dimension_numbers = #tpu.dot_dimension_numbers<[1], [1], [0], [0], [0, 0, 1, 0], [], []>, transpose_lhs_hint = false} : vector<1000x32xf32>, vector<512x32xf32>, vector<1000x512xf32> -> vector<1000x512xf32>
      %get3A_70 = arith.constant 2 : index
      %get3A_71 = arith.constant 0 : index
      %get3A_72 = vector.load %arg4[%get3A_70, %get3A_71] : memref<4x1000xf32, #tpu.memory_space<vmem>>, vector<1x1000xf32>
      %get3A_73 = vector.shape_cast %get3A_72 : vector<1x1000xf32> to vector<1000xf32>
      %broadcast_in_dim3A_74 = vector.shape_cast %get3A_73 : vector<1000xf32> to vector<1000x1xf32>
      %add3A_75 = vector.broadcast %broadcast_in_dim3A_74 : vector<1000x1xf32> to vector<1000x512xf32>
      %add3A_76 = arith.addf %dot_general3A_69, %add3A_75 : vector<1000x512xf32>
      %swap3A_77 = arith.constant 2 : index
      %swap3A_78 = arith.constant 0 : index
      %swap3A_79 = arith.constant 0 : index
      %swap3A_80 = vector.load %arg5[%swap3A_77, %swap3A_78, %swap3A_79] : memref<4x1000x512xf32, #tpu.memory_space<vmem>>, vector<1x1000x512xf32>
      %swap3A_81 = vector.shape_cast %swap3A_80 : vector<1x1000x512xf32> to vector<1000x512xf32>
      %swap3A_82 = vector.shape_cast %add3A_76 : vector<1000x512xf32> to vector<1x1000x512xf32>
      tpu.vector_store %arg5[%swap3A_77, %swap3A_78, %swap3A_79], %swap3A_82 {strides = array<i32>} : memref<4x1000x512xf32, #tpu.memory_space<vmem>>, vector<1x1000x512xf32>,
      %get3A_83 = arith.constant 3 : index
      %get3A_84 = arith.constant 0 : index
      %get3A_85 = arith.constant 0 : index
      %get3A_86 = vector.load %arg2[%get3A_83, %get3A_84, %get3A_85] : memref<4x512x128xf32, #tpu.memory_space<vmem>>, vector<1x512x128xf32>
      %get3A_87 = vector.shape_cast %get3A_86 : vector<1x512x128xf32> to vector<512x128xf32>
      %slice3A_88 = vector.extract_strided_slice %get3A_87 {offsets = [0, 0], sizes = [512, 32], strides = [1, 1]} : vector<512x128xf32> to vector<512x32xf32>
      %get3A_89 = arith.constant 0 : index
      %get3A_90 = arith.constant 0 : index
      %get3A_91 = vector.load %arg3[%get3A_89, %get3A_90] : memref<1000x32xf32, #tpu.memory_space<vmem>>, vector<1000x32xf32>
      %dot_general3A_92 = arith.constant dense<0.000000e+00> : vector<1000x512xf32>
      %dot_general3A_93 = tpu.matmul %get3A_91, %slice3A_88, %dot_general3A_92 {dimension_numbers = #tpu.dot_dimension_numbers<[1], [1], [0], [0], [0, 0, 1, 0], [], []>, transpose_lhs_hint = false} : vector<1000x32xf32>, vector<512x32xf32>, vector<1000x512xf32> -> vector<1000x512xf32>
      %get3A_94 = arith.constant 3 : index
      %get3A_95 = arith.constant 0 : index
      %get3A_96 = vector.load %arg4[%get3A_94, %get3A_95] : memref<4x1000xf32, #tpu.memory_space<vmem>>, vector<1x1000xf32>
      %get3A_97 = vector.shape_cast %get3A_96 : vector<1x1000xf32> to vector<1000xf32>
      %broadcast_in_dim3A_98 = vector.shape_cast %get3A_97 : vector<1000xf32> to vector<1000x1xf32>
      %add3A_99 = vector.broadcast %broadcast_in_dim3A_98 : vector<1000x1xf32> to vector<1000x512xf32>
      %add3A_100 = arith.addf %dot_general3A_93, %add3A_99 : vector<1000x512xf32>
      %swap3A_101 = arith.constant 3 : index
      %swap3A_102 = arith.constant 0 : index
      %swap3A_103 = arith.constant 0 : index
      %swap3A_104 = vector.load %arg5[%swap3A_101, %swap3A_102, %swap3A_103] : memref<4x1000x512xf32, #tpu.memory_space<vmem>>, vector<1x1000x512xf32>
      %swap3A_105 = vector.shape_cast %swap3A_104 : vector<1x1000x512xf32> to vector<1000x512xf32>
      %swap3A_106 = vector.shape_cast %add3A_100 : vector<1000x512xf32> to vector<1x1000x512xf32>
      tpu.vector_store %arg5[%swap3A_101, %swap3A_102, %swap3A_103], %swap3A_106 {strides = array<i32>} : memref<4x1000x512xf32, #tpu.memory_space<vmem>>, vector<1x1000x512xf32>,
    } else {
    }
    %eq3A_2 = arith.constant 1 : i32
    %eq3A_3 = arith.cmpi eq, %arg1, %eq3A_2 : i32
    %convert_element_type3A_4 = arith.extui %eq3A_3 : i1 to i32
    %cond3A_5 = arith.constant 0 : i32
    %cond3A_6 = arith.cmpi ne, %convert_element_type3A_4, %cond3A_5 : i32
    scf.if %cond3A_6 {
      %get3A = arith.constant 0 : index
      %get3A_17 = arith.constant 0 : index
      %get3A_18 = arith.constant 0 : index
      %get3A_19 = vector.load %arg2[%get3A, %get3A_17, %get3A_18] : memref<4x512x128xf32, #tpu.memory_space<vmem>>, vector<1x512x128xf32>
      %get3A_20 = vector.shape_cast %get3A_19 : vector<1x512x128xf32> to vector<512x128xf32>
      %slice3A = vector.extract_strided_slice %get3A_20 {offsets = [0, 32], sizes = [512, 32], strides = [1, 1]} : vector<512x128xf32> to vector<512x32xf32>
      %get3A_21 = arith.constant 0 : index
      %get3A_22 = arith.constant 0 : index
      %get3A_23 = vector.load %arg3[%get3A_21, %get3A_22] : memref<1000x32xf32, #tpu.memory_space<vmem>>, vector<1000x32xf32>
      %dot_general3A = arith.constant dense<0.000000e+00> : vector<1000x512xf32>
      %dot_general3A_24 = tpu.matmul %get3A_23, %slice3A, %dot_general3A {dimension_numbers = #tpu.dot_dimension_numbers<[1], [1], [0], [0], [0, 0, 1, 0], [], []>, transpose_lhs_hint = false} : vector<1000x32xf32>, vector<512x32xf32>, vector<1000x512xf32> -> vector<1000x512xf32>
      %get3A_25 = arith.constant 0 : index
      %get3A_26 = arith.constant 0 : index
      %get3A_27 = vector.load %arg4[%get3A_25, %get3A_26] : memref<4x1000xf32, #tpu.memory_space<vmem>>, vector<1x1000xf32>
      %get3A_28 = vector.shape_cast %get3A_27 : vector<1x1000xf32> to vector<1000xf32>
      %broadcast_in_dim3A = vector.shape_cast %get3A_28 : vector<1000xf32> to vector<1000x1xf32>
      %add3A = vector.broadcast %broadcast_in_dim3A : vector<1000x1xf32> to vector<1000x512xf32>
      %add3A_29 = arith.addf %dot_general3A_24, %add3A : vector<1000x512xf32>
      %swap3A = arith.constant 0 : index
      %swap3A_30 = arith.constant 0 : index
      %swap3A_31 = arith.constant 0 : index
      %swap3A_32 = vector.load %arg5[%swap3A, %swap3A_30, %swap3A_31] : memref<4x1000x512xf32, #tpu.memory_space<vmem>>, vector<1x1000x512xf32>
      %swap3A_33 = vector.shape_cast %swap3A_32 : vector<1x1000x512xf32> to vector<1000x512xf32>
      %swap3A_34 = vector.shape_cast %add3A_29 : vector<1000x512xf32> to vector<1x1000x512xf32>
      tpu.vector_store %arg5[%swap3A, %swap3A_30, %swap3A_31], %swap3A_34 {strides = array<i32>} : memref<4x1000x512xf32, #tpu.memory_space<vmem>>, vector<1x1000x512xf32>,
      %get3A_35 = arith.constant 1 : index
      %get3A_36 = arith.constant 0 : index
      %get3A_37 = arith.constant 0 : index
      %get3A_38 = vector.load %arg2[%get3A_35, %get3A_36, %get3A_37] : memref<4x512x128xf32, #tpu.memory_space<vmem>>, vector<1x512x128xf32>
      %get3A_39 = vector.shape_cast %get3A_38 : vector<1x512x128xf32> to vector<512x128xf32>
      %slice3A_40 = vector.extract_strided_slice %get3A_39 {offsets = [0, 32], sizes = [512, 32], strides = [1, 1]} : vector<512x128xf32> to vector<512x32xf32>
      %get3A_41 = arith.constant 0 : index
      %get3A_42 = arith.constant 0 : index
      %get3A_43 = vector.load %arg3[%get3A_41, %get3A_42] : memref<1000x32xf32, #tpu.memory_space<vmem>>, vector<1000x32xf32>
      %dot_general3A_44 = arith.constant dense<0.000000e+00> : vector<1000x512xf32>
      %dot_general3A_45 = tpu.matmul %get3A_43, %slice3A_40, %dot_general3A_44 {dimension_numbers = #tpu.dot_dimension_numbers<[1], [1], [0], [0], [0, 0, 1, 0], [], []>, transpose_lhs_hint = false} : vector<1000x32xf32>, vector<512x32xf32>, vector<1000x512xf32> -> vector<1000x512xf32>
      %get3A_46 = arith.constant 1 : index
      %get3A_47 = arith.constant 0 : index
      %get3A_48 = vector.load %arg4[%get3A_46, %get3A_47] : memref<4x1000xf32, #tpu.memory_space<vmem>>, vector<1x1000xf32>
      %get3A_49 = vector.shape_cast %get3A_48 : vector<1x1000xf32> to vector<1000xf32>
      %broadcast_in_dim3A_50 = vector.shape_cast %get3A_49 : vector<1000xf32> to vector<1000x1xf32>
      %add3A_51 = vector.broadcast %broadcast_in_dim3A_50 : vector<1000x1xf32> to vector<1000x512xf32>
      %add3A_52 = arith.addf %dot_general3A_45, %add3A_51 : vector<1000x512xf32>
      %swap3A_53 = arith.constant 1 : index
      %swap3A_54 = arith.constant 0 : index
      %swap3A_55 = arith.constant 0 : index
      %swap3A_56 = vector.load %arg5[%swap3A_53, %swap3A_54, %swap3A_55] : memref<4x1000x512xf32, #tpu.memory_space<vmem>>, vector<1x1000x512xf32>
      %swap3A_57 = vector.shape_cast %swap3A_56 : vector<1x1000x512xf32> to vector<1000x512xf32>
      %swap3A_58 = vector.shape_cast %add3A_52 : vector<1000x512xf32> to vector<1x1000x512xf32>
      tpu.vector_store %arg5[%swap3A_53, %swap3A_54, %swap3A_55], %swap3A_58 {strides = array<i32>} : memref<4x1000x512xf32, #tpu.memory_space<vmem>>, vector<1x1000x512xf32>,
      %get3A_59 = arith.constant 2 : index
      %get3A_60 = arith.constant 0 : index
      %get3A_61 = arith.constant 0 : index
      %get3A_62 = vector.load %arg2[%get3A_59, %get3A_60, %get3A_61] : memref<4x512x128xf32, #tpu.memory_space<vmem>>, vector<1x512x128xf32>
      %get3A_63 = vector.shape_cast %get3A_62 : vector<1x512x128xf32> to vector<512x128xf32>
      %slice3A_64 = vector.extract_strided_slice %get3A_63 {offsets = [0, 32], sizes = [512, 32], strides = [1, 1]} : vector<512x128xf32> to vector<512x32xf32>
      %get3A_65 = arith.constant 0 : index
      %get3A_66 = arith.constant 0 : index
      %get3A_67 = vector.load %arg3[%get3A_65, %get3A_66] : memref<1000x32xf32, #tpu.memory_space<vmem>>, vector<1000x32xf32>
      %dot_general3A_68 = arith.constant dense<0.000000e+00> : vector<1000x512xf32>
      %dot_general3A_69 = tpu.matmul %get3A_67, %slice3A_64, %dot_general3A_68 {dimension_numbers = #tpu.dot_dimension_numbers<[1], [1], [0], [0], [0, 0, 1, 0], [], []>, transpose_lhs_hint = false} : vector<1000x32xf32>, vector<512x32xf32>, vector<1000x512xf32> -> vector<1000x512xf32>
      %get3A_70 = arith.constant 2 : index
      %get3A_71 = arith.constant 0 : index
      %get3A_72 = vector.load %arg4[%get3A_70, %get3A_71] : memref<4x1000xf32, #tpu.memory_space<vmem>>, vector<1x1000xf32>
      %get3A_73 = vector.shape_cast %get3A_72 : vector<1x1000xf32> to vector<1000xf32>
      %broadcast_in_dim3A_74 = vector.shape_cast %get3A_73 : vector<1000xf32> to vector<1000x1xf32>
      %add3A_75 = vector.broadcast %broadcast_in_dim3A_74 : vector<1000x1xf32> to vector<1000x512xf32>
      %add3A_76 = arith.addf %dot_general3A_69, %add3A_75 : vector<1000x512xf32>
      %swap3A_77 = arith.constant 2 : index
      %swap3A_78 = arith.constant 0 : index
      %swap3A_79 = arith.constant 0 : index
      %swap3A_80 = vector.load %arg5[%swap3A_77, %swap3A_78, %swap3A_79] : memref<4x1000x512xf32, #tpu.memory_space<vmem>>, vector<1x1000x512xf32>
      %swap3A_81 = vector.shape_cast %swap3A_80 : vector<1x1000x512xf32> to vector<1000x512xf32>
      %swap3A_82 = vector.shape_cast %add3A_76 : vector<1000x512xf32> to vector<1x1000x512xf32>
      tpu.vector_store %arg5[%swap3A_77, %swap3A_78, %swap3A_79], %swap3A_82 {strides = array<i32>} : memref<4x1000x512xf32, #tpu.memory_space<vmem>>, vector<1x1000x512xf32>,
      %get3A_83 = arith.constant 3 : index
      %get3A_84 = arith.constant 0 : index
      %get3A_85 = arith.constant 0 : index
      %get3A_86 = vector.load %arg2[%get3A_83, %get3A_84, %get3A_85] : memref<4x512x128xf32, #tpu.memory_space<vmem>>, vector<1x512x128xf32>
      %get3A_87 = vector.shape_cast %get3A_86 : vector<1x512x128xf32> to vector<512x128xf32>
      %slice3A_88 = vector.extract_strided_slice %get3A_87 {offsets = [0, 32], sizes = [512, 32], strides = [1, 1]} : vector<512x128xf32> to vector<512x32xf32>
      %get3A_89 = arith.constant 0 : index
      %get3A_90 = arith.constant 0 : index
      %get3A_91 = vector.load %arg3[%get3A_89, %get3A_90] : memref<1000x32xf32, #tpu.memory_space<vmem>>, vector<1000x32xf32>
      %dot_general3A_92 = arith.constant dense<0.000000e+00> : vector<1000x512xf32>
      %dot_general3A_93 = tpu.matmul %get3A_91, %slice3A_88, %dot_general3A_92 {dimension_numbers = #tpu.dot_dimension_numbers<[1], [1], [0], [0], [0, 0, 1, 0], [], []>, transpose_lhs_hint = false} : vector<1000x32xf32>, vector<512x32xf32>, vector<1000x512xf32> -> vector<1000x512xf32>
      %get3A_94 = arith.constant 3 : index
      %get3A_95 = arith.constant 0 : index
      %get3A_96 = vector.load %arg4[%get3A_94, %get3A_95] : memref<4x1000xf32, #tpu.memory_space<vmem>>, vector<1x1000xf32>
      %get3A_97 = vector.shape_cast %get3A_96 : vector<1x1000xf32> to vector<1000xf32>
      %broadcast_in_dim3A_98 = vector.shape_cast %get3A_97 : vector<1000xf32> to vector<1000x1xf32>
      %add3A_99 = vector.broadcast %broadcast_in_dim3A_98 : vector<1000x1xf32> to vector<1000x512xf32>
      %add3A_100 = arith.addf %dot_general3A_93, %add3A_99 : vector<1000x512xf32>
      %swap3A_101 = arith.constant 3 : index
      %swap3A_102 = arith.constant 0 : index
      %swap3A_103 = arith.constant 0 : index
      %swap3A_104 = vector.load %arg5[%swap3A_101, %swap3A_102, %swap3A_103] : memref<4x1000x512xf32, #tpu.memory_space<vmem>>, vector<1x1000x512xf32>
      %swap3A_105 = vector.shape_cast %swap3A_104 : vector<1x1000x512xf32> to vector<1000x512xf32>
      %swap3A_106 = vector.shape_cast %add3A_100 : vector<1000x512xf32> to vector<1x1000x512xf32>
      tpu.vector_store %arg5[%swap3A_101, %swap3A_102, %swap3A_103], %swap3A_106 {strides = array<i32>} : memref<4x1000x512xf32, #tpu.memory_space<vmem>>, vector<1x1000x512xf32>,
    } else {
    }
    %eq3A_7 = arith.constant 2 : i32
    %eq3A_8 = arith.cmpi eq, %arg1, %eq3A_7 : i32
    %convert_element_type3A_9 = arith.extui %eq3A_8 : i1 to i32
    %cond3A_10 = arith.constant 0 : i32
    %cond3A_11 = arith.cmpi ne, %convert_element_type3A_9, %cond3A_10 : i32
    scf.if %cond3A_11 {
      %get3A = arith.constant 0 : index
      %get3A_17 = arith.constant 0 : index
      %get3A_18 = arith.constant 0 : index
      %get3A_19 = vector.load %arg2[%get3A, %get3A_17, %get3A_18] : memref<4x512x128xf32, #tpu.memory_space<vmem>>, vector<1x512x128xf32>
      %get3A_20 = vector.shape_cast %get3A_19 : vector<1x512x128xf32> to vector<512x128xf32>
      %slice3A = vector.extract_strided_slice %get3A_20 {offsets = [0, 64], sizes = [512, 32], strides = [1, 1]} : vector<512x128xf32> to vector<512x32xf32>
      %get3A_21 = arith.constant 0 : index
      %get3A_22 = arith.constant 0 : index
      %get3A_23 = vector.load %arg3[%get3A_21, %get3A_22] : memref<1000x32xf32, #tpu.memory_space<vmem>>, vector<1000x32xf32>
      %dot_general3A = arith.constant dense<0.000000e+00> : vector<1000x512xf32>
      %dot_general3A_24 = tpu.matmul %get3A_23, %slice3A, %dot_general3A {dimension_numbers = #tpu.dot_dimension_numbers<[1], [1], [0], [0], [0, 0, 1, 0], [], []>, transpose_lhs_hint = false} : vector<1000x32xf32>, vector<512x32xf32>, vector<1000x512xf32> -> vector<1000x512xf32>
      %get3A_25 = arith.constant 0 : index
      %get3A_26 = arith.constant 0 : index
      %get3A_27 = vector.load %arg4[%get3A_25, %get3A_26] : memref<4x1000xf32, #tpu.memory_space<vmem>>, vector<1x1000xf32>
      %get3A_28 = vector.shape_cast %get3A_27 : vector<1x1000xf32> to vector<1000xf32>
      %broadcast_in_dim3A = vector.shape_cast %get3A_28 : vector<1000xf32> to vector<1000x1xf32>
      %add3A = vector.broadcast %broadcast_in_dim3A : vector<1000x1xf32> to vector<1000x512xf32>
      %add3A_29 = arith.addf %dot_general3A_24, %add3A : vector<1000x512xf32>
      %swap3A = arith.constant 0 : index
      %swap3A_30 = arith.constant 0 : index
      %swap3A_31 = arith.constant 0 : index
      %swap3A_32 = vector.load %arg5[%swap3A, %swap3A_30, %swap3A_31] : memref<4x1000x512xf32, #tpu.memory_space<vmem>>, vector<1x1000x512xf32>
      %swap3A_33 = vector.shape_cast %swap3A_32 : vector<1x1000x512xf32> to vector<1000x512xf32>
      %swap3A_34 = vector.shape_cast %add3A_29 : vector<1000x512xf32> to vector<1x1000x512xf32>
      tpu.vector_store %arg5[%swap3A, %swap3A_30, %swap3A_31], %swap3A_34 {strides = array<i32>} : memref<4x1000x512xf32, #tpu.memory_space<vmem>>, vector<1x1000x512xf32>,
      %get3A_35 = arith.constant 1 : index
      %get3A_36 = arith.constant 0 : index
      %get3A_37 = arith.constant 0 : index
      %get3A_38 = vector.load %arg2[%get3A_35, %get3A_36, %get3A_37] : memref<4x512x128xf32, #tpu.memory_space<vmem>>, vector<1x512x128xf32>
      %get3A_39 = vector.shape_cast %get3A_38 : vector<1x512x128xf32> to vector<512x128xf32>
      %slice3A_40 = vector.extract_strided_slice %get3A_39 {offsets = [0, 64], sizes = [512, 32], strides = [1, 1]} : vector<512x128xf32> to vector<512x32xf32>
      %get3A_41 = arith.constant 0 : index
      %get3A_42 = arith.constant 0 : index
      %get3A_43 = vector.load %arg3[%get3A_41, %get3A_42] : memref<1000x32xf32, #tpu.memory_space<vmem>>, vector<1000x32xf32>
      %dot_general3A_44 = arith.constant dense<0.000000e+00> : vector<1000x512xf32>
      %dot_general3A_45 = tpu.matmul %get3A_43, %slice3A_40, %dot_general3A_44 {dimension_numbers = #tpu.dot_dimension_numbers<[1], [1], [0], [0], [0, 0, 1, 0], [], []>, transpose_lhs_hint = false} : vector<1000x32xf32>, vector<512x32xf32>, vector<1000x512xf32> -> vector<1000x512xf32>
      %get3A_46 = arith.constant 1 : index
      %get3A_47 = arith.constant 0 : index
      %get3A_48 = vector.load %arg4[%get3A_46, %get3A_47] : memref<4x1000xf32, #tpu.memory_space<vmem>>, vector<1x1000xf32>
      %get3A_49 = vector.shape_cast %get3A_48 : vector<1x1000xf32> to vector<1000xf32>
      %broadcast_in_dim3A_50 = vector.shape_cast %get3A_49 : vector<1000xf32> to vector<1000x1xf32>
      %add3A_51 = vector.broadcast %broadcast_in_dim3A_50 : vector<1000x1xf32> to vector<1000x512xf32>
      %add3A_52 = arith.addf %dot_general3A_45, %add3A_51 : vector<1000x512xf32>
      %swap3A_53 = arith.constant 1 : index
      %swap3A_54 = arith.constant 0 : index
      %swap3A_55 = arith.constant 0 : index
      %swap3A_56 = vector.load %arg5[%swap3A_53, %swap3A_54, %swap3A_55] : memref<4x1000x512xf32, #tpu.memory_space<vmem>>, vector<1x1000x512xf32>
      %swap3A_57 = vector.shape_cast %swap3A_56 : vector<1x1000x512xf32> to vector<1000x512xf32>
      %swap3A_58 = vector.shape_cast %add3A_52 : vector<1000x512xf32> to vector<1x1000x512xf32>
      tpu.vector_store %arg5[%swap3A_53, %swap3A_54, %swap3A_55], %swap3A_58 {strides = array<i32>} : memref<4x1000x512xf32, #tpu.memory_space<vmem>>, vector<1x1000x512xf32>,
      %get3A_59 = arith.constant 2 : index
      %get3A_60 = arith.constant 0 : index
      %get3A_61 = arith.constant 0 : index
      %get3A_62 = vector.load %arg2[%get3A_59, %get3A_60, %get3A_61] : memref<4x512x128xf32, #tpu.memory_space<vmem>>, vector<1x512x128xf32>
      %get3A_63 = vector.shape_cast %get3A_62 : vector<1x512x128xf32> to vector<512x128xf32>
      %slice3A_64 = vector.extract_strided_slice %get3A_63 {offsets = [0, 64], sizes = [512, 32], strides = [1, 1]} : vector<512x128xf32> to vector<512x32xf32>
      %get3A_65 = arith.constant 0 : index
      %get3A_66 = arith.constant 0 : index
      %get3A_67 = vector.load %arg3[%get3A_65, %get3A_66] : memref<1000x32xf32, #tpu.memory_space<vmem>>, vector<1000x32xf32>
      %dot_general3A_68 = arith.constant dense<0.000000e+00> : vector<1000x512xf32>
      %dot_general3A_69 = tpu.matmul %get3A_67, %slice3A_64, %dot_general3A_68 {dimension_numbers = #tpu.dot_dimension_numbers<[1], [1], [0], [0], [0, 0, 1, 0], [], []>, transpose_lhs_hint = false} : vector<1000x32xf32>, vector<512x32xf32>, vector<1000x512xf32> -> vector<1000x512xf32>
      %get3A_70 = arith.constant 2 : index
      %get3A_71 = arith.constant 0 : index
      %get3A_72 = vector.load %arg4[%get3A_70, %get3A_71] : memref<4x1000xf32, #tpu.memory_space<vmem>>, vector<1x1000xf32>
      %get3A_73 = vector.shape_cast %get3A_72 : vector<1x1000xf32> to vector<1000xf32>
      %broadcast_in_dim3A_74 = vector.shape_cast %get3A_73 : vector<1000xf32> to vector<1000x1xf32>
      %add3A_75 = vector.broadcast %broadcast_in_dim3A_74 : vector<1000x1xf32> to vector<1000x512xf32>
      %add3A_76 = arith.addf %dot_general3A_69, %add3A_75 : vector<1000x512xf32>
      %swap3A_77 = arith.constant 2 : index
      %swap3A_78 = arith.constant 0 : index
      %swap3A_79 = arith.constant 0 : index
      %swap3A_80 = vector.load %arg5[%swap3A_77, %swap3A_78, %swap3A_79] : memref<4x1000x512xf32, #tpu.memory_space<vmem>>, vector<1x1000x512xf32>
      %swap3A_81 = vector.shape_cast %swap3A_80 : vector<1x1000x512xf32> to vector<1000x512xf32>
      %swap3A_82 = vector.shape_cast %add3A_76 : vector<1000x512xf32> to vector<1x1000x512xf32>
      tpu.vector_store %arg5[%swap3A_77, %swap3A_78, %swap3A_79], %swap3A_82 {strides = array<i32>} : memref<4x1000x512xf32, #tpu.memory_space<vmem>>, vector<1x1000x512xf32>,
      %get3A_83 = arith.constant 3 : index
      %get3A_84 = arith.constant 0 : index
      %get3A_85 = arith.constant 0 : index
      %get3A_86 = vector.load %arg2[%get3A_83, %get3A_84, %get3A_85] : memref<4x512x128xf32, #tpu.memory_space<vmem>>, vector<1x512x128xf32>
      %get3A_87 = vector.shape_cast %get3A_86 : vector<1x512x128xf32> to vector<512x128xf32>
      %slice3A_88 = vector.extract_strided_slice %get3A_87 {offsets = [0, 64], sizes = [512, 32], strides = [1, 1]} : vector<512x128xf32> to vector<512x32xf32>
      %get3A_89 = arith.constant 0 : index
      %get3A_90 = arith.constant 0 : index
      %get3A_91 = vector.load %arg3[%get3A_89, %get3A_90] : memref<1000x32xf32, #tpu.memory_space<vmem>>, vector<1000x32xf32>
      %dot_general3A_92 = arith.constant dense<0.000000e+00> : vector<1000x512xf32>
      %dot_general3A_93 = tpu.matmul %get3A_91, %slice3A_88, %dot_general3A_92 {dimension_numbers = #tpu.dot_dimension_numbers<[1], [1], [0], [0], [0, 0, 1, 0], [], []>, transpose_lhs_hint = false} : vector<1000x32xf32>, vector<512x32xf32>, vector<1000x512xf32> -> vector<1000x512xf32>
      %get3A_94 = arith.constant 3 : index
      %get3A_95 = arith.constant 0 : index
      %get3A_96 = vector.load %arg4[%get3A_94, %get3A_95] : memref<4x1000xf32, #tpu.memory_space<vmem>>, vector<1x1000xf32>
      %get3A_97 = vector.shape_cast %get3A_96 : vector<1x1000xf32> to vector<1000xf32>
      %broadcast_in_dim3A_98 = vector.shape_cast %get3A_97 : vector<1000xf32> to vector<1000x1xf32>
      %add3A_99 = vector.broadcast %broadcast_in_dim3A_98 : vector<1000x1xf32> to vector<1000x512xf32>
      %add3A_100 = arith.addf %dot_general3A_93, %add3A_99 : vector<1000x512xf32>
      %swap3A_101 = arith.constant 3 : index
      %swap3A_102 = arith.constant 0 : index
      %swap3A_103 = arith.constant 0 : index
      %swap3A_104 = vector.load %arg5[%swap3A_101, %swap3A_102, %swap3A_103] : memref<4x1000x512xf32, #tpu.memory_space<vmem>>, vector<1x1000x512xf32>
      %swap3A_105 = vector.shape_cast %swap3A_104 : vector<1x1000x512xf32> to vector<1000x512xf32>
      %swap3A_106 = vector.shape_cast %add3A_100 : vector<1000x512xf32> to vector<1x1000x512xf32>
      tpu.vector_store %arg5[%swap3A_101, %swap3A_102, %swap3A_103], %swap3A_106 {strides = array<i32>} : memref<4x1000x512xf32, #tpu.memory_space<vmem>>, vector<1x1000x512xf32>,
    } else {
    }
    %eq3A_12 = arith.constant 3 : i32
    %eq3A_13 = arith.cmpi eq, %arg1, %eq3A_12 : i32
    %convert_element_type3A_14 = arith.extui %eq3A_13 : i1 to i32
    %cond3A_15 = arith.constant 0 : i32
    %cond3A_16 = arith.cmpi ne, %convert_element_type3A_14, %cond3A_15 : i32
    scf.if %cond3A_16 {
      %get3A = arith.constant 0 : index
      %get3A_17 = arith.constant 0 : index
      %get3A_18 = arith.constant 0 : index
      %get3A_19 = vector.load %arg2[%get3A, %get3A_17, %get3A_18] : memref<4x512x128xf32, #tpu.memory_space<vmem>>, vector<1x512x128xf32>
      %get3A_20 = vector.shape_cast %get3A_19 : vector<1x512x128xf32> to vector<512x128xf32>
      %slice3A = vector.extract_strided_slice %get3A_20 {offsets = [0, 96], sizes = [512, 32], strides = [1, 1]} : vector<512x128xf32> to vector<512x32xf32>
      %get3A_21 = arith.constant 0 : index
      %get3A_22 = arith.constant 0 : index
      %get3A_23 = vector.load %arg3[%get3A_21, %get3A_22] : memref<1000x32xf32, #tpu.memory_space<vmem>>, vector<1000x32xf32>
      %dot_general3A = arith.constant dense<0.000000e+00> : vector<1000x512xf32>
      %dot_general3A_24 = tpu.matmul %get3A_23, %slice3A, %dot_general3A {dimension_numbers = #tpu.dot_dimension_numbers<[1], [1], [0], [0], [0, 0, 1, 0], [], []>, transpose_lhs_hint = false} : vector<1000x32xf32>, vector<512x32xf32>, vector<1000x512xf32> -> vector<1000x512xf32>
      %get3A_25 = arith.constant 0 : index
      %get3A_26 = arith.constant 0 : index
      %get3A_27 = vector.load %arg4[%get3A_25, %get3A_26] : memref<4x1000xf32, #tpu.memory_space<vmem>>, vector<1x1000xf32>
      %get3A_28 = vector.shape_cast %get3A_27 : vector<1x1000xf32> to vector<1000xf32>
      %broadcast_in_dim3A = vector.shape_cast %get3A_28 : vector<1000xf32> to vector<1000x1xf32>
      %add3A = vector.broadcast %broadcast_in_dim3A : vector<1000x1xf32> to vector<1000x512xf32>
      %add3A_29 = arith.addf %dot_general3A_24, %add3A : vector<1000x512xf32>
      %swap3A = arith.constant 0 : index
      %swap3A_30 = arith.constant 0 : index
      %swap3A_31 = arith.constant 0 : index
      %swap3A_32 = vector.load %arg5[%swap3A, %swap3A_30, %swap3A_31] : memref<4x1000x512xf32, #tpu.memory_space<vmem>>, vector<1x1000x512xf32>
      %swap3A_33 = vector.shape_cast %swap3A_32 : vector<1x1000x512xf32> to vector<1000x512xf32>
      %swap3A_34 = vector.shape_cast %add3A_29 : vector<1000x512xf32> to vector<1x1000x512xf32>
      tpu.vector_store %arg5[%swap3A, %swap3A_30, %swap3A_31], %swap3A_34 {strides = array<i32>} : memref<4x1000x512xf32, #tpu.memory_space<vmem>>, vector<1x1000x512xf32>,
      %get3A_35 = arith.constant 1 : index
      %get3A_36 = arith.constant 0 : index
      %get3A_37 = arith.constant 0 : index
      %get3A_38 = vector.load %arg2[%get3A_35, %get3A_36, %get3A_37] : memref<4x512x128xf32, #tpu.memory_space<vmem>>, vector<1x512x128xf32>
      %get3A_39 = vector.shape_cast %get3A_38 : vector<1x512x128xf32> to vector<512x128xf32>
      %slice3A_40 = vector.extract_strided_slice %get3A_39 {offsets = [0, 96], sizes = [512, 32], strides = [1, 1]} : vector<512x128xf32> to vector<512x32xf32>
      %get3A_41 = arith.constant 0 : index
      %get3A_42 = arith.constant 0 : index
      %get3A_43 = vector.load %arg3[%get3A_41, %get3A_42] : memref<1000x32xf32, #tpu.memory_space<vmem>>, vector<1000x32xf32>
      %dot_general3A_44 = arith.constant dense<0.000000e+00> : vector<1000x512xf32>
      %dot_general3A_45 = tpu.matmul %get3A_43, %slice3A_40, %dot_general3A_44 {dimension_numbers = #tpu.dot_dimension_numbers<[1], [1], [0], [0], [0, 0, 1, 0], [], []>, transpose_lhs_hint = false} : vector<1000x32xf32>, vector<512x32xf32>, vector<1000x512xf32> -> vector<1000x512xf32>
      %get3A_46 = arith.constant 1 : index
      %get3A_47 = arith.constant 0 : index
      %get3A_48 = vector.load %arg4[%get3A_46, %get3A_47] : memref<4x1000xf32, #tpu.memory_space<vmem>>, vector<1x1000xf32>
      %get3A_49 = vector.shape_cast %get3A_48 : vector<1x1000xf32> to vector<1000xf32>
      %broadcast_in_dim3A_50 = vector.shape_cast %get3A_49 : vector<1000xf32> to vector<1000x1xf32>
      %add3A_51 = vector.broadcast %broadcast_in_dim3A_50 : vector<1000x1xf32> to vector<1000x512xf32>
      %add3A_52 = arith.addf %dot_general3A_45, %add3A_51 : vector<1000x512xf32>
      %swap3A_53 = arith.constant 1 : index
      %swap3A_54 = arith.constant 0 : index
      %swap3A_55 = arith.constant 0 : index
      %swap3A_56 = vector.load %arg5[%swap3A_53, %swap3A_54, %swap3A_55] : memref<4x1000x512xf32, #tpu.memory_space<vmem>>, vector<1x1000x512xf32>
      %swap3A_57 = vector.shape_cast %swap3A_56 : vector<1x1000x512xf32> to vector<1000x512xf32>
      %swap3A_58 = vector.shape_cast %add3A_52 : vector<1000x512xf32> to vector<1x1000x512xf32>
      tpu.vector_store %arg5[%swap3A_53, %swap3A_54, %swap3A_55], %swap3A_58 {strides = array<i32>} : memref<4x1000x512xf32, #tpu.memory_space<vmem>>, vector<1x1000x512xf32>,
      %get3A_59 = arith.constant 2 : index
      %get3A_60 = arith.constant 0 : index
      %get3A_61 = arith.constant 0 : index
      %get3A_62 = vector.load %arg2[%get3A_59, %get3A_60, %get3A_61] : memref<4x512x128xf32, #tpu.memory_space<vmem>>, vector<1x512x128xf32>
      %get3A_63 = vector.shape_cast %get3A_62 : vector<1x512x128xf32> to vector<512x128xf32>
      %slice3A_64 = vector.extract_strided_slice %get3A_63 {offsets = [0, 96], sizes = [512, 32], strides = [1, 1]} : vector<512x128xf32> to vector<512x32xf32>
      %get3A_65 = arith.constant 0 : index
      %get3A_66 = arith.constant 0 : index
      %get3A_67 = vector.load %arg3[%get3A_65, %get3A_66] : memref<1000x32xf32, #tpu.memory_space<vmem>>, vector<1000x32xf32>
      %dot_general3A_68 = arith.constant dense<0.000000e+00> : vector<1000x512xf32>
      %dot_general3A_69 = tpu.matmul %get3A_67, %slice3A_64, %dot_general3A_68 {dimension_numbers = #tpu.dot_dimension_numbers<[1], [1], [0], [0], [0, 0, 1, 0], [], []>, transpose_lhs_hint = false} : vector<1000x32xf32>, vector<512x32xf32>, vector<1000x512xf32> -> vector<1000x512xf32>
      %get3A_70 = arith.constant 2 : index
      %get3A_71 = arith.constant 0 : index
      %get3A_72 = vector.load %arg4[%get3A_70, %get3A_71] : memref<4x1000xf32, #tpu.memory_space<vmem>>, vector<1x1000xf32>
      %get3A_73 = vector.shape_cast %get3A_72 : vector<1x1000xf32> to vector<1000xf32>
      %broadcast_in_dim3A_74 = vector.shape_cast %get3A_73 : vector<1000xf32> to vector<1000x1xf32>
      %add3A_75 = vector.broadcast %broadcast_in_dim3A_74 : vector<1000x1xf32> to vector<1000x512xf32>
      %add3A_76 = arith.addf %dot_general3A_69, %add3A_75 : vector<1000x512xf32>
      %swap3A_77 = arith.constant 2 : index
      %swap3A_78 = arith.constant 0 : index
      %swap3A_79 = arith.constant 0 : index
      %swap3A_80 = vector.load %arg5[%swap3A_77, %swap3A_78, %swap3A_79] : memref<4x1000x512xf32, #tpu.memory_space<vmem>>, vector<1x1000x512xf32>
      %swap3A_81 = vector.shape_cast %swap3A_80 : vector<1x1000x512xf32> to vector<1000x512xf32>
      %swap3A_82 = vector.shape_cast %add3A_76 : vector<1000x512xf32> to vector<1x1000x512xf32>
      tpu.vector_store %arg5[%swap3A_77, %swap3A_78, %swap3A_79], %swap3A_82 {strides = array<i32>} : memref<4x1000x512xf32, #tpu.memory_space<vmem>>, vector<1x1000x512xf32>,
      %get3A_83 = arith.constant 3 : index
      %get3A_84 = arith.constant 0 : index
      %get3A_85 = arith.constant 0 : index
      %get3A_86 = vector.load %arg2[%get3A_83, %get3A_84, %get3A_85] : memref<4x512x128xf32, #tpu.memory_space<vmem>>, vector<1x512x128xf32>
      %get3A_87 = vector.shape_cast %get3A_86 : vector<1x512x128xf32> to vector<512x128xf32>
      %slice3A_88 = vector.extract_strided_slice %get3A_87 {offsets = [0, 96], sizes = [512, 32], strides = [1, 1]} : vector<512x128xf32> to vector<512x32xf32>
      %get3A_89 = arith.constant 0 : index
      %get3A_90 = arith.constant 0 : index
      %get3A_91 = vector.load %arg3[%get3A_89, %get3A_90] : memref<1000x32xf32, #tpu.memory_space<vmem>>, vector<1000x32xf32>
      %dot_general3A_92 = arith.constant dense<0.000000e+00> : vector<1000x512xf32>
      %dot_general3A_93 = tpu.matmul %get3A_91, %slice3A_88, %dot_general3A_92 {dimension_numbers = #tpu.dot_dimension_numbers<[1], [1], [0], [0], [0, 0, 1, 0], [], []>, transpose_lhs_hint = false} : vector<1000x32xf32>, vector<512x32xf32>, vector<1000x512xf32> -> vector<1000x512xf32>
      %get3A_94 = arith.constant 3 : index
      %get3A_95 = arith.constant 0 : index
      %get3A_96 = vector.load %arg4[%get3A_94, %get3A_95] : memref<4x1000xf32, #tpu.memory_space<vmem>>, vector<1x1000xf32>
      %get3A_97 = vector.shape_cast %get3A_96 : vector<1x1000xf32> to vector<1000xf32>
      %broadcast_in_dim3A_98 = vector.shape_cast %get3A_97 : vector<1000xf32> to vector<1000x1xf32>
      %add3A_99 = vector.broadcast %broadcast_in_dim3A_98 : vector<1000x1xf32> to vector<1000x512xf32>
      %add3A_100 = arith.addf %dot_general3A_93, %add3A_99 : vector<1000x512xf32>
      %swap3A_101 = arith.constant 3 : index
      %swap3A_102 = arith.constant 0 : index
      %swap3A_103 = arith.constant 0 : index
      %swap3A_104 = vector.load %arg5[%swap3A_101, %swap3A_102, %swap3A_103] : memref<4x1000x512xf32, #tpu.memory_space<vmem>>, vector<1x1000x512xf32>
      %swap3A_105 = vector.shape_cast %swap3A_104 : vector<1x1000x512xf32> to vector<1000x512xf32>
      %swap3A_106 = vector.shape_cast %add3A_100 : vector<1000x512xf32> to vector<1x1000x512xf32>
      tpu.vector_store %arg5[%swap3A_101, %swap3A_102, %swap3A_103], %swap3A_106 {strides = array<i32>} : memref<4x1000x512xf32, #tpu.memory_space<vmem>>, vector<1x1000x512xf32>,
    } else {
    }
    return
  }
  func.func @transform_0(%arg0: i32, %arg1: i32) -> (i32, i32, i32) {
    %c0_i32 = arith.constant 0 : i32
    %c0_i32_0 = arith.constant 0 : i32
    %c0_i32_1 = arith.constant 0 : i32
    return %c0_i32, %arg0, %c0_i32_0 : i32, i32, i32
  }
  func.func @transform_1(%arg0: i32, %arg1: i32) -> (i32, i32) {
    %c0_i32 = arith.constant 0 : i32
    %c0_i32_0 = arith.constant 0 : i32
    %c0_i32_1 = arith.constant 0 : i32
    return %c0_i32, %c0_i32_0 : i32, i32
  }
  func.func @transform_2(%arg0: i32, %arg1: i32) -> (i32, i32) {
    %c0_i32 = arith.constant 0 : i32
    %c0_i32_0 = arith.constant 0 : i32
    %c0_i32_1 = arith.constant 0 : i32
    return %c0_i32, %c0_i32_0 : i32, i32
  }
  func.func @transform_3(%arg0: i32, %arg1: i32) -> (i32, i32, i32) {
    %mul3A = arith.constant 8 : i32
    %mul3A_0 = arith.muli %arg1, %mul3A : i32
    %add3A = arith.addi %mul3A_0, %arg0 : i32
    %c0_i32 = arith.constant 0 : i32
    %c0_i32_1 = arith.constant 0 : i32
    %c0_i32_2 = arith.constant 0 : i32
    return %c0_i32, %c0_i32_1, %add3A : i32, i32, i32
  }
}

module attributes {stable_mosaic.version = 14 : i64} {
  func.func @body(%arg0: i32, %arg1: i32, %arg2: memref<8x1000x16384xf32, #tpu.memory_space<any>>, %arg3: memref<4x512x128xf32, #tpu.memory_space<vmem>>, %arg4: memref<1000x32xf32, #tpu.memory_space<vmem>>, %arg5: memref<4x1000xf32, #tpu.memory_space<vmem>>, %arg6: memref<4x1000x512xf32, #tpu.memory_space<vmem>>) attributes {dimension_semantics = [#tpu.dimension_semantics<arbitrary>, #tpu.dimension_semantics<arbitrary>], iteration_bounds = array<i64: 8, 4>, scalar_prefetch = 0 : i64, scratch_operands = 0 : i64, tpu.core_type = #tpu.core_type<tc>, window_params = [{}, {transform_indices = @transform_1, window_bounds = array<i64: 4, 512, 128>}, {pipeline_mode = #tpu.pipeline_mode<synchronous>, transform_indices = @transform_2, window_bounds = array<i64: 1000, 32>}, {pipeline_mode = #tpu.pipeline_mode<synchronous>, transform_indices = @transform_3, window_bounds = array<i64: 4, 1000>}, {transform_indices = @transform_4, window_bounds = array<i64: 4, 1000, 512>}]} {
    %eq3A = arith.constant 0 : i32
    %eq3A_0 = arith.cmpi eq, %arg1, %eq3A : i32
    %convert_element_type3A = arith.extui %eq3A_0 : i1 to i32
    %cond3A = arith.constant 0 : i32
    %cond3A_1 = arith.cmpi ne, %convert_element_type3A, %cond3A : i32
    scf.if %cond3A_1 {
      %get3A = arith.constant 0 : index
      %get3A_17 = arith.constant 0 : index
      %get3A_18 = arith.constant 0 : index
      %get3A_19 = vector.load %arg3[%get3A, %get3A_17, %get3A_18] : memref<4x512x128xf32, #tpu.memory_space<vmem>>, vector<1x512x128xf32>
      %get3A_20 = vector.shape_cast %get3A_19 : vector<1x512x128xf32> to vector<512x128xf32>
      %slice3A = vector.extract_strided_slice %get3A_20 {offsets = [0, 0], sizes = [512, 32], strides = [1, 1]} : vector<512x128xf32> to vector<512x32xf32>
      %get3A_21 = arith.constant 0 : index
      %get3A_22 = arith.constant 0 : index
      %get3A_23 = vector.load %arg4[%get3A_21, %get3A_22] : memref<1000x32xf32, #tpu.memory_space<vmem>>, vector<1000x32xf32>
      %dot_general3A = arith.constant dense<0.000000e+00> : vector<1000x512xf32>
      %dot_general3A_24 = tpu.matmul %get3A_23, %slice3A, %dot_general3A {dimension_numbers = #tpu.dot_dimension_numbers<[1], [1], [0], [0], [0, 0, 1, 0], [], []>, transpose_lhs_hint = false} : vector<1000x32xf32>, vector<512x32xf32>, vector<1000x512xf32> -> vector<1000x512xf32>
      %get3A_25 = arith.constant 0 : index
      %get3A_26 = arith.constant 0 : index
      %get3A_27 = vector.load %arg5[%get3A_25, %get3A_26] : memref<4x1000xf32, #tpu.memory_space<vmem>>, vector<1x1000xf32>
      %get3A_28 = vector.shape_cast %get3A_27 : vector<1x1000xf32> to vector<1000xf32>
      %broadcast_in_dim3A = vector.shape_cast %get3A_28 : vector<1000xf32> to vector<1000x1xf32>
      %add3A = vector.broadcast %broadcast_in_dim3A : vector<1000x1xf32> to vector<1000x512xf32>
      %add3A_29 = arith.addf %dot_general3A_24, %add3A : vector<1000x512xf32>
      %swap3A = arith.constant 0 : index
      %swap3A_30 = arith.constant 0 : index
      %swap3A_31 = arith.constant 0 : index
      %swap3A_32 = vector.load %arg6[%swap3A, %swap3A_30, %swap3A_31] : memref<4x1000x512xf32, #tpu.memory_space<vmem>>, vector<1x1000x512xf32>
      %swap3A_33 = vector.shape_cast %swap3A_32 : vector<1x1000x512xf32> to vector<1000x512xf32>
      %swap3A_34 = vector.shape_cast %add3A_29 : vector<1000x512xf32> to vector<1x1000x512xf32>
      tpu.vector_store %arg6[%swap3A, %swap3A_30, %swap3A_31], %swap3A_34 {strides = array<i32>} : memref<4x1000x512xf32, #tpu.memory_space<vmem>>, vector<1x1000x512xf32>,
      %get3A_35 = arith.constant 1 : index
      %get3A_36 = arith.constant 0 : index
      %get3A_37 = arith.constant 0 : index
      %get3A_38 = vector.load %arg3[%get3A_35, %get3A_36, %get3A_37] : memref<4x512x128xf32, #tpu.memory_space<vmem>>, vector<1x512x128xf32>
      %get3A_39 = vector.shape_cast %get3A_38 : vector<1x512x128xf32> to vector<512x128xf32>
      %slice3A_40 = vector.extract_strided_slice %get3A_39 {offsets = [0, 0], sizes = [512, 32], strides = [1, 1]} : vector<512x128xf32> to vector<512x32xf32>
      %get3A_41 = arith.constant 0 : index
      %get3A_42 = arith.constant 0 : index
      %get3A_43 = vector.load %arg4[%get3A_41, %get3A_42] : memref<1000x32xf32, #tpu.memory_space<vmem>>, vector<1000x32xf32>
      %dot_general3A_44 = arith.constant dense<0.000000e+00> : vector<1000x512xf32>
      %dot_general3A_45 = tpu.matmul %get3A_43, %slice3A_40, %dot_general3A_44 {dimension_numbers = #tpu.dot_dimension_numbers<[1], [1], [0], [0], [0, 0, 1, 0], [], []>, transpose_lhs_hint = false} : vector<1000x32xf32>, vector<512x32xf32>, vector<1000x512xf32> -> vector<1000x512xf32>
      %get3A_46 = arith.constant 1 : index
      %get3A_47 = arith.constant 0 : index
      %get3A_48 = vector.load %arg5[%get3A_46, %get3A_47] : memref<4x1000xf32, #tpu.memory_space<vmem>>, vector<1x1000xf32>
      %get3A_49 = vector.shape_cast %get3A_48 : vector<1x1000xf32> to vector<1000xf32>
      %broadcast_in_dim3A_50 = vector.shape_cast %get3A_49 : vector<1000xf32> to vector<1000x1xf32>
      %add3A_51 = vector.broadcast %broadcast_in_dim3A_50 : vector<1000x1xf32> to vector<1000x512xf32>
      %add3A_52 = arith.addf %dot_general3A_45, %add3A_51 : vector<1000x512xf32>
      %swap3A_53 = arith.constant 1 : index
      %swap3A_54 = arith.constant 0 : index
      %swap3A_55 = arith.constant 0 : index
      %swap3A_56 = vector.load %arg6[%swap3A_53, %swap3A_54, %swap3A_55] : memref<4x1000x512xf32, #tpu.memory_space<vmem>>, vector<1x1000x512xf32>
      %swap3A_57 = vector.shape_cast %swap3A_56 : vector<1x1000x512xf32> to vector<1000x512xf32>
      %swap3A_58 = vector.shape_cast %add3A_52 : vector<1000x512xf32> to vector<1x1000x512xf32>
      tpu.vector_store %arg6[%swap3A_53, %swap3A_54, %swap3A_55], %swap3A_58 {strides = array<i32>} : memref<4x1000x512xf32, #tpu.memory_space<vmem>>, vector<1x1000x512xf32>,
      %get3A_59 = arith.constant 2 : index
      %get3A_60 = arith.constant 0 : index
      %get3A_61 = arith.constant 0 : index
      %get3A_62 = vector.load %arg3[%get3A_59, %get3A_60, %get3A_61] : memref<4x512x128xf32, #tpu.memory_space<vmem>>, vector<1x512x128xf32>
      %get3A_63 = vector.shape_cast %get3A_62 : vector<1x512x128xf32> to vector<512x128xf32>
      %slice3A_64 = vector.extract_strided_slice %get3A_63 {offsets = [0, 0], sizes = [512, 32], strides = [1, 1]} : vector<512x128xf32> to vector<512x32xf32>
      %get3A_65 = arith.constant 0 : index
      %get3A_66 = arith.constant 0 : index
      %get3A_67 = vector.load %arg4[%get3A_65, %get3A_66] : memref<1000x32xf32, #tpu.memory_space<vmem>>, vector<1000x32xf32>
      %dot_general3A_68 = arith.constant dense<0.000000e+00> : vector<1000x512xf32>
      %dot_general3A_69 = tpu.matmul %get3A_67, %slice3A_64, %dot_general3A_68 {dimension_numbers = #tpu.dot_dimension_numbers<[1], [1], [0], [0], [0, 0, 1, 0], [], []>, transpose_lhs_hint = false} : vector<1000x32xf32>, vector<512x32xf32>, vector<1000x512xf32> -> vector<1000x512xf32>
      %get3A_70 = arith.constant 2 : index
      %get3A_71 = arith.constant 0 : index
      %get3A_72 = vector.load %arg5[%get3A_70, %get3A_71] : memref<4x1000xf32, #tpu.memory_space<vmem>>, vector<1x1000xf32>
      %get3A_73 = vector.shape_cast %get3A_72 : vector<1x1000xf32> to vector<1000xf32>
      %broadcast_in_dim3A_74 = vector.shape_cast %get3A_73 : vector<1000xf32> to vector<1000x1xf32>
      %add3A_75 = vector.broadcast %broadcast_in_dim3A_74 : vector<1000x1xf32> to vector<1000x512xf32>
      %add3A_76 = arith.addf %dot_general3A_69, %add3A_75 : vector<1000x512xf32>
      %swap3A_77 = arith.constant 2 : index
      %swap3A_78 = arith.constant 0 : index
      %swap3A_79 = arith.constant 0 : index
      %swap3A_80 = vector.load %arg6[%swap3A_77, %swap3A_78, %swap3A_79] : memref<4x1000x512xf32, #tpu.memory_space<vmem>>, vector<1x1000x512xf32>
      %swap3A_81 = vector.shape_cast %swap3A_80 : vector<1x1000x512xf32> to vector<1000x512xf32>
      %swap3A_82 = vector.shape_cast %add3A_76 : vector<1000x512xf32> to vector<1x1000x512xf32>
      tpu.vector_store %arg6[%swap3A_77, %swap3A_78, %swap3A_79], %swap3A_82 {strides = array<i32>} : memref<4x1000x512xf32, #tpu.memory_space<vmem>>, vector<1x1000x512xf32>,
      %get3A_83 = arith.constant 3 : index
      %get3A_84 = arith.constant 0 : index
      %get3A_85 = arith.constant 0 : index
      %get3A_86 = vector.load %arg3[%get3A_83, %get3A_84, %get3A_85] : memref<4x512x128xf32, #tpu.memory_space<vmem>>, vector<1x512x128xf32>
      %get3A_87 = vector.shape_cast %get3A_86 : vector<1x512x128xf32> to vector<512x128xf32>
      %slice3A_88 = vector.extract_strided_slice %get3A_87 {offsets = [0, 0], sizes = [512, 32], strides = [1, 1]} : vector<512x128xf32> to vector<512x32xf32>
      %get3A_89 = arith.constant 0 : index
      %get3A_90 = arith.constant 0 : index
      %get3A_91 = vector.load %arg4[%get3A_89, %get3A_90] : memref<1000x32xf32, #tpu.memory_space<vmem>>, vector<1000x32xf32>
      %dot_general3A_92 = arith.constant dense<0.000000e+00> : vector<1000x512xf32>
      %dot_general3A_93 = tpu.matmul %get3A_91, %slice3A_88, %dot_general3A_92 {dimension_numbers = #tpu.dot_dimension_numbers<[1], [1], [0], [0], [0, 0, 1, 0], [], []>, transpose_lhs_hint = false} : vector<1000x32xf32>, vector<512x32xf32>, vector<1000x512xf32> -> vector<1000x512xf32>
      %get3A_94 = arith.constant 3 : index
      %get3A_95 = arith.constant 0 : index
      %get3A_96 = vector.load %arg5[%get3A_94, %get3A_95] : memref<4x1000xf32, #tpu.memory_space<vmem>>, vector<1x1000xf32>
      %get3A_97 = vector.shape_cast %get3A_96 : vector<1x1000xf32> to vector<1000xf32>
      %broadcast_in_dim3A_98 = vector.shape_cast %get3A_97 : vector<1000xf32> to vector<1000x1xf32>
      %add3A_99 = vector.broadcast %broadcast_in_dim3A_98 : vector<1000x1xf32> to vector<1000x512xf32>
      %add3A_100 = arith.addf %dot_general3A_93, %add3A_99 : vector<1000x512xf32>
      %swap3A_101 = arith.constant 3 : index
      %swap3A_102 = arith.constant 0 : index
      %swap3A_103 = arith.constant 0 : index
      %swap3A_104 = vector.load %arg6[%swap3A_101, %swap3A_102, %swap3A_103] : memref<4x1000x512xf32, #tpu.memory_space<vmem>>, vector<1x1000x512xf32>
      %swap3A_105 = vector.shape_cast %swap3A_104 : vector<1x1000x512xf32> to vector<1000x512xf32>
      %swap3A_106 = vector.shape_cast %add3A_100 : vector<1000x512xf32> to vector<1x1000x512xf32>
      tpu.vector_store %arg6[%swap3A_101, %swap3A_102, %swap3A_103], %swap3A_106 {strides = array<i32>} : memref<4x1000x512xf32, #tpu.memory_space<vmem>>, vector<1x1000x512xf32>,
    } else {
    }
    %eq3A_2 = arith.constant 1 : i32
    %eq3A_3 = arith.cmpi eq, %arg1, %eq3A_2 : i32
    %convert_element_type3A_4 = arith.extui %eq3A_3 : i1 to i32
    %cond3A_5 = arith.constant 0 : i32
    %cond3A_6 = arith.cmpi ne, %convert_element_type3A_4, %cond3A_5 : i32
    scf.if %cond3A_6 {
      %get3A = arith.constant 0 : index
      %get3A_17 = arith.constant 0 : index
      %get3A_18 = arith.constant 0 : index
      %get3A_19 = vector.load %arg3[%get3A, %get3A_17, %get3A_18] : memref<4x512x128xf32, #tpu.memory_space<vmem>>, vector<1x512x128xf32>
      %get3A_20 = vector.shape_cast %get3A_19 : vector<1x512x128xf32> to vector<512x128xf32>
      %slice3A = vector.extract_strided_slice %get3A_20 {offsets = [0, 32], sizes = [512, 32], strides = [1, 1]} : vector<512x128xf32> to vector<512x32xf32>
      %get3A_21 = arith.constant 0 : index
      %get3A_22 = arith.constant 0 : index
      %get3A_23 = vector.load %arg4[%get3A_21, %get3A_22] : memref<1000x32xf32, #tpu.memory_space<vmem>>, vector<1000x32xf32>
      %dot_general3A = arith.constant dense<0.000000e+00> : vector<1000x512xf32>
      %dot_general3A_24 = tpu.matmul %get3A_23, %slice3A, %dot_general3A {dimension_numbers = #tpu.dot_dimension_numbers<[1], [1], [0], [0], [0, 0, 1, 0], [], []>, transpose_lhs_hint = false} : vector<1000x32xf32>, vector<512x32xf32>, vector<1000x512xf32> -> vector<1000x512xf32>
      %get3A_25 = arith.constant 0 : index
      %get3A_26 = arith.constant 0 : index
      %get3A_27 = vector.load %arg5[%get3A_25, %get3A_26] : memref<4x1000xf32, #tpu.memory_space<vmem>>, vector<1x1000xf32>
      %get3A_28 = vector.shape_cast %get3A_27 : vector<1x1000xf32> to vector<1000xf32>
      %broadcast_in_dim3A = vector.shape_cast %get3A_28 : vector<1000xf32> to vector<1000x1xf32>
      %add3A = vector.broadcast %broadcast_in_dim3A : vector<1000x1xf32> to vector<1000x512xf32>
      %add3A_29 = arith.addf %dot_general3A_24, %add3A : vector<1000x512xf32>
      %swap3A = arith.constant 0 : index
      %swap3A_30 = arith.constant 0 : index
      %swap3A_31 = arith.constant 0 : index
      %swap3A_32 = vector.load %arg6[%swap3A, %swap3A_30, %swap3A_31] : memref<4x1000x512xf32, #tpu.memory_space<vmem>>, vector<1x1000x512xf32>
      %swap3A_33 = vector.shape_cast %swap3A_32 : vector<1x1000x512xf32> to vector<1000x512xf32>
      %swap3A_34 = vector.shape_cast %add3A_29 : vector<1000x512xf32> to vector<1x1000x512xf32>
      tpu.vector_store %arg6[%swap3A, %swap3A_30, %swap3A_31], %swap3A_34 {strides = array<i32>} : memref<4x1000x512xf32, #tpu.memory_space<vmem>>, vector<1x1000x512xf32>,
      %get3A_35 = arith.constant 1 : index
      %get3A_36 = arith.constant 0 : index
      %get3A_37 = arith.constant 0 : index
      %get3A_38 = vector.load %arg3[%get3A_35, %get3A_36, %get3A_37] : memref<4x512x128xf32, #tpu.memory_space<vmem>>, vector<1x512x128xf32>
      %get3A_39 = vector.shape_cast %get3A_38 : vector<1x512x128xf32> to vector<512x128xf32>
      %slice3A_40 = vector.extract_strided_slice %get3A_39 {offsets = [0, 32], sizes = [512, 32], strides = [1, 1]} : vector<512x128xf32> to vector<512x32xf32>
      %get3A_41 = arith.constant 0 : index
      %get3A_42 = arith.constant 0 : index
      %get3A_43 = vector.load %arg4[%get3A_41, %get3A_42] : memref<1000x32xf32, #tpu.memory_space<vmem>>, vector<1000x32xf32>
      %dot_general3A_44 = arith.constant dense<0.000000e+00> : vector<1000x512xf32>
      %dot_general3A_45 = tpu.matmul %get3A_43, %slice3A_40, %dot_general3A_44 {dimension_numbers = #tpu.dot_dimension_numbers<[1], [1], [0], [0], [0, 0, 1, 0], [], []>, transpose_lhs_hint = false} : vector<1000x32xf32>, vector<512x32xf32>, vector<1000x512xf32> -> vector<1000x512xf32>
      %get3A_46 = arith.constant 1 : index
      %get3A_47 = arith.constant 0 : index
      %get3A_48 = vector.load %arg5[%get3A_46, %get3A_47] : memref<4x1000xf32, #tpu.memory_space<vmem>>, vector<1x1000xf32>
      %get3A_49 = vector.shape_cast %get3A_48 : vector<1x1000xf32> to vector<1000xf32>
      %broadcast_in_dim3A_50 = vector.shape_cast %get3A_49 : vector<1000xf32> to vector<1000x1xf32>
      %add3A_51 = vector.broadcast %broadcast_in_dim3A_50 : vector<1000x1xf32> to vector<1000x512xf32>
      %add3A_52 = arith.addf %dot_general3A_45, %add3A_51 : vector<1000x512xf32>
      %swap3A_53 = arith.constant 1 : index
      %swap3A_54 = arith.constant 0 : index
      %swap3A_55 = arith.constant 0 : index
      %swap3A_56 = vector.load %arg6[%swap3A_53, %swap3A_54, %swap3A_55] : memref<4x1000x512xf32, #tpu.memory_space<vmem>>, vector<1x1000x512xf32>
      %swap3A_57 = vector.shape_cast %swap3A_56 : vector<1x1000x512xf32> to vector<1000x512xf32>
      %swap3A_58 = vector.shape_cast %add3A_52 : vector<1000x512xf32> to vector<1x1000x512xf32>
      tpu.vector_store %arg6[%swap3A_53, %swap3A_54, %swap3A_55], %swap3A_58 {strides = array<i32>} : memref<4x1000x512xf32, #tpu.memory_space<vmem>>, vector<1x1000x512xf32>,
      %get3A_59 = arith.constant 2 : index
      %get3A_60 = arith.constant 0 : index
      %get3A_61 = arith.constant 0 : index
      %get3A_62 = vector.load %arg3[%get3A_59, %get3A_60, %get3A_61] : memref<4x512x128xf32, #tpu.memory_space<vmem>>, vector<1x512x128xf32>
      %get3A_63 = vector.shape_cast %get3A_62 : vector<1x512x128xf32> to vector<512x128xf32>
      %slice3A_64 = vector.extract_strided_slice %get3A_63 {offsets = [0, 32], sizes = [512, 32], strides = [1, 1]} : vector<512x128xf32> to vector<512x32xf32>
      %get3A_65 = arith.constant 0 : index
      %get3A_66 = arith.constant 0 : index
      %get3A_67 = vector.load %arg4[%get3A_65, %get3A_66] : memref<1000x32xf32, #tpu.memory_space<vmem>>, vector<1000x32xf32>
      %dot_general3A_68 = arith.constant dense<0.000000e+00> : vector<1000x512xf32>
      %dot_general3A_69 = tpu.matmul %get3A_67, %slice3A_64, %dot_general3A_68 {dimension_numbers = #tpu.dot_dimension_numbers<[1], [1], [0], [0], [0, 0, 1, 0], [], []>, transpose_lhs_hint = false} : vector<1000x32xf32>, vector<512x32xf32>, vector<1000x512xf32> -> vector<1000x512xf32>
      %get3A_70 = arith.constant 2 : index
      %get3A_71 = arith.constant 0 : index
      %get3A_72 = vector.load %arg5[%get3A_70, %get3A_71] : memref<4x1000xf32, #tpu.memory_space<vmem>>, vector<1x1000xf32>
      %get3A_73 = vector.shape_cast %get3A_72 : vector<1x1000xf32> to vector<1000xf32>
      %broadcast_in_dim3A_74 = vector.shape_cast %get3A_73 : vector<1000xf32> to vector<1000x1xf32>
      %add3A_75 = vector.broadcast %broadcast_in_dim3A_74 : vector<1000x1xf32> to vector<1000x512xf32>
      %add3A_76 = arith.addf %dot_general3A_69, %add3A_75 : vector<1000x512xf32>
      %swap3A_77 = arith.constant 2 : index
      %swap3A_78 = arith.constant 0 : index
      %swap3A_79 = arith.constant 0 : index
      %swap3A_80 = vector.load %arg6[%swap3A_77, %swap3A_78, %swap3A_79] : memref<4x1000x512xf32, #tpu.memory_space<vmem>>, vector<1x1000x512xf32>
      %swap3A_81 = vector.shape_cast %swap3A_80 : vector<1x1000x512xf32> to vector<1000x512xf32>
      %swap3A_82 = vector.shape_cast %add3A_76 : vector<1000x512xf32> to vector<1x1000x512xf32>
      tpu.vector_store %arg6[%swap3A_77, %swap3A_78, %swap3A_79], %swap3A_82 {strides = array<i32>} : memref<4x1000x512xf32, #tpu.memory_space<vmem>>, vector<1x1000x512xf32>,
      %get3A_83 = arith.constant 3 : index
      %get3A_84 = arith.constant 0 : index
      %get3A_85 = arith.constant 0 : index
      %get3A_86 = vector.load %arg3[%get3A_83, %get3A_84, %get3A_85] : memref<4x512x128xf32, #tpu.memory_space<vmem>>, vector<1x512x128xf32>
      %get3A_87 = vector.shape_cast %get3A_86 : vector<1x512x128xf32> to vector<512x128xf32>
      %slice3A_88 = vector.extract_strided_slice %get3A_87 {offsets = [0, 32], sizes = [512, 32], strides = [1, 1]} : vector<512x128xf32> to vector<512x32xf32>
      %get3A_89 = arith.constant 0 : index
      %get3A_90 = arith.constant 0 : index
      %get3A_91 = vector.load %arg4[%get3A_89, %get3A_90] : memref<1000x32xf32, #tpu.memory_space<vmem>>, vector<1000x32xf32>
      %dot_general3A_92 = arith.constant dense<0.000000e+00> : vector<1000x512xf32>
      %dot_general3A_93 = tpu.matmul %get3A_91, %slice3A_88, %dot_general3A_92 {dimension_numbers = #tpu.dot_dimension_numbers<[1], [1], [0], [0], [0, 0, 1, 0], [], []>, transpose_lhs_hint = false} : vector<1000x32xf32>, vector<512x32xf32>, vector<1000x512xf32> -> vector<1000x512xf32>
      %get3A_94 = arith.constant 3 : index
      %get3A_95 = arith.constant 0 : index
      %get3A_96 = vector.load %arg5[%get3A_94, %get3A_95] : memref<4x1000xf32, #tpu.memory_space<vmem>>, vector<1x1000xf32>
      %get3A_97 = vector.shape_cast %get3A_96 : vector<1x1000xf32> to vector<1000xf32>
      %broadcast_in_dim3A_98 = vector.shape_cast %get3A_97 : vector<1000xf32> to vector<1000x1xf32>
      %add3A_99 = vector.broadcast %broadcast_in_dim3A_98 : vector<1000x1xf32> to vector<1000x512xf32>
      %add3A_100 = arith.addf %dot_general3A_93, %add3A_99 : vector<1000x512xf32>
      %swap3A_101 = arith.constant 3 : index
      %swap3A_102 = arith.constant 0 : index
      %swap3A_103 = arith.constant 0 : index
      %swap3A_104 = vector.load %arg6[%swap3A_101, %swap3A_102, %swap3A_103] : memref<4x1000x512xf32, #tpu.memory_space<vmem>>, vector<1x1000x512xf32>
      %swap3A_105 = vector.shape_cast %swap3A_104 : vector<1x1000x512xf32> to vector<1000x512xf32>
      %swap3A_106 = vector.shape_cast %add3A_100 : vector<1000x512xf32> to vector<1x1000x512xf32>
      tpu.vector_store %arg6[%swap3A_101, %swap3A_102, %swap3A_103], %swap3A_106 {strides = array<i32>} : memref<4x1000x512xf32, #tpu.memory_space<vmem>>, vector<1x1000x512xf32>,
    } else {
    }
    %eq3A_7 = arith.constant 2 : i32
    %eq3A_8 = arith.cmpi eq, %arg1, %eq3A_7 : i32
    %convert_element_type3A_9 = arith.extui %eq3A_8 : i1 to i32
    %cond3A_10 = arith.constant 0 : i32
    %cond3A_11 = arith.cmpi ne, %convert_element_type3A_9, %cond3A_10 : i32
    scf.if %cond3A_11 {
      %get3A = arith.constant 0 : index
      %get3A_17 = arith.constant 0 : index
      %get3A_18 = arith.constant 0 : index
      %get3A_19 = vector.load %arg3[%get3A, %get3A_17, %get3A_18] : memref<4x512x128xf32, #tpu.memory_space<vmem>>, vector<1x512x128xf32>
      %get3A_20 = vector.shape_cast %get3A_19 : vector<1x512x128xf32> to vector<512x128xf32>
      %slice3A = vector.extract_strided_slice %get3A_20 {offsets = [0, 64], sizes = [512, 32], strides = [1, 1]} : vector<512x128xf32> to vector<512x32xf32>
      %get3A_21 = arith.constant 0 : index
      %get3A_22 = arith.constant 0 : index
      %get3A_23 = vector.load %arg4[%get3A_21, %get3A_22] : memref<1000x32xf32, #tpu.memory_space<vmem>>, vector<1000x32xf32>
      %dot_general3A = arith.constant dense<0.000000e+00> : vector<1000x512xf32>
      %dot_general3A_24 = tpu.matmul %get3A_23, %slice3A, %dot_general3A {dimension_numbers = #tpu.dot_dimension_numbers<[1], [1], [0], [0], [0, 0, 1, 0], [], []>, transpose_lhs_hint = false} : vector<1000x32xf32>, vector<512x32xf32>, vector<1000x512xf32> -> vector<1000x512xf32>
      %get3A_25 = arith.constant 0 : index
      %get3A_26 = arith.constant 0 : index
      %get3A_27 = vector.load %arg5[%get3A_25, %get3A_26] : memref<4x1000xf32, #tpu.memory_space<vmem>>, vector<1x1000xf32>
      %get3A_28 = vector.shape_cast %get3A_27 : vector<1x1000xf32> to vector<1000xf32>
      %broadcast_in_dim3A = vector.shape_cast %get3A_28 : vector<1000xf32> to vector<1000x1xf32>
      %add3A = vector.broadcast %broadcast_in_dim3A : vector<1000x1xf32> to vector<1000x512xf32>
      %add3A_29 = arith.addf %dot_general3A_24, %add3A : vector<1000x512xf32>
      %swap3A = arith.constant 0 : index
      %swap3A_30 = arith.constant 0 : index
      %swap3A_31 = arith.constant 0 : index
      %swap3A_32 = vector.load %arg6[%swap3A, %swap3A_30, %swap3A_31] : memref<4x1000x512xf32, #tpu.memory_space<vmem>>, vector<1x1000x512xf32>
      %swap3A_33 = vector.shape_cast %swap3A_32 : vector<1x1000x512xf32> to vector<1000x512xf32>
      %swap3A_34 = vector.shape_cast %add3A_29 : vector<1000x512xf32> to vector<1x1000x512xf32>
      tpu.vector_store %arg6[%swap3A, %swap3A_30, %swap3A_31], %swap3A_34 {strides = array<i32>} : memref<4x1000x512xf32, #tpu.memory_space<vmem>>, vector<1x1000x512xf32>,
      %get3A_35 = arith.constant 1 : index
      %get3A_36 = arith.constant 0 : index
      %get3A_37 = arith.constant 0 : index
      %get3A_38 = vector.load %arg3[%get3A_35, %get3A_36, %get3A_37] : memref<4x512x128xf32, #tpu.memory_space<vmem>>, vector<1x512x128xf32>
      %get3A_39 = vector.shape_cast %get3A_38 : vector<1x512x128xf32> to vector<512x128xf32>
      %slice3A_40 = vector.extract_strided_slice %get3A_39 {offsets = [0, 64], sizes = [512, 32], strides = [1, 1]} : vector<512x128xf32> to vector<512x32xf32>
      %get3A_41 = arith.constant 0 : index
      %get3A_42 = arith.constant 0 : index
      %get3A_43 = vector.load %arg4[%get3A_41, %get3A_42] : memref<1000x32xf32, #tpu.memory_space<vmem>>, vector<1000x32xf32>
      %dot_general3A_44 = arith.constant dense<0.000000e+00> : vector<1000x512xf32>
      %dot_general3A_45 = tpu.matmul %get3A_43, %slice3A_40, %dot_general3A_44 {dimension_numbers = #tpu.dot_dimension_numbers<[1], [1], [0], [0], [0, 0, 1, 0], [], []>, transpose_lhs_hint = false} : vector<1000x32xf32>, vector<512x32xf32>, vector<1000x512xf32> -> vector<1000x512xf32>
      %get3A_46 = arith.constant 1 : index
      %get3A_47 = arith.constant 0 : index
      %get3A_48 = vector.load %arg5[%get3A_46, %get3A_47] : memref<4x1000xf32, #tpu.memory_space<vmem>>, vector<1x1000xf32>
      %get3A_49 = vector.shape_cast %get3A_48 : vector<1x1000xf32> to vector<1000xf32>
      %broadcast_in_dim3A_50 = vector.shape_cast %get3A_49 : vector<1000xf32> to vector<1000x1xf32>
      %add3A_51 = vector.broadcast %broadcast_in_dim3A_50 : vector<1000x1xf32> to vector<1000x512xf32>
      %add3A_52 = arith.addf %dot_general3A_45, %add3A_51 : vector<1000x512xf32>
      %swap3A_53 = arith.constant 1 : index
      %swap3A_54 = arith.constant 0 : index
      %swap3A_55 = arith.constant 0 : index
      %swap3A_56 = vector.load %arg6[%swap3A_53, %swap3A_54, %swap3A_55] : memref<4x1000x512xf32, #tpu.memory_space<vmem>>, vector<1x1000x512xf32>
      %swap3A_57 = vector.shape_cast %swap3A_56 : vector<1x1000x512xf32> to vector<1000x512xf32>
      %swap3A_58 = vector.shape_cast %add3A_52 : vector<1000x512xf32> to vector<1x1000x512xf32>
      tpu.vector_store %arg6[%swap3A_53, %swap3A_54, %swap3A_55], %swap3A_58 {strides = array<i32>} : memref<4x1000x512xf32, #tpu.memory_space<vmem>>, vector<1x1000x512xf32>,
      %get3A_59 = arith.constant 2 : index
      %get3A_60 = arith.constant 0 : index
      %get3A_61 = arith.constant 0 : index
      %get3A_62 = vector.load %arg3[%get3A_59, %get3A_60, %get3A_61] : memref<4x512x128xf32, #tpu.memory_space<vmem>>, vector<1x512x128xf32>
      %get3A_63 = vector.shape_cast %get3A_62 : vector<1x512x128xf32> to vector<512x128xf32>
      %slice3A_64 = vector.extract_strided_slice %get3A_63 {offsets = [0, 64], sizes = [512, 32], strides = [1, 1]} : vector<512x128xf32> to vector<512x32xf32>
      %get3A_65 = arith.constant 0 : index
      %get3A_66 = arith.constant 0 : index
      %get3A_67 = vector.load %arg4[%get3A_65, %get3A_66] : memref<1000x32xf32, #tpu.memory_space<vmem>>, vector<1000x32xf32>
      %dot_general3A_68 = arith.constant dense<0.000000e+00> : vector<1000x512xf32>
      %dot_general3A_69 = tpu.matmul %get3A_67, %slice3A_64, %dot_general3A_68 {dimension_numbers = #tpu.dot_dimension_numbers<[1], [1], [0], [0], [0, 0, 1, 0], [], []>, transpose_lhs_hint = false} : vector<1000x32xf32>, vector<512x32xf32>, vector<1000x512xf32> -> vector<1000x512xf32>
      %get3A_70 = arith.constant 2 : index
      %get3A_71 = arith.constant 0 : index
      %get3A_72 = vector.load %arg5[%get3A_70, %get3A_71] : memref<4x1000xf32, #tpu.memory_space<vmem>>, vector<1x1000xf32>
      %get3A_73 = vector.shape_cast %get3A_72 : vector<1x1000xf32> to vector<1000xf32>
      %broadcast_in_dim3A_74 = vector.shape_cast %get3A_73 : vector<1000xf32> to vector<1000x1xf32>
      %add3A_75 = vector.broadcast %broadcast_in_dim3A_74 : vector<1000x1xf32> to vector<1000x512xf32>
      %add3A_76 = arith.addf %dot_general3A_69, %add3A_75 : vector<1000x512xf32>
      %swap3A_77 = arith.constant 2 : index
      %swap3A_78 = arith.constant 0 : index
      %swap3A_79 = arith.constant 0 : index
      %swap3A_80 = vector.load %arg6[%swap3A_77, %swap3A_78, %swap3A_79] : memref<4x1000x512xf32, #tpu.memory_space<vmem>>, vector<1x1000x512xf32>
      %swap3A_81 = vector.shape_cast %swap3A_80 : vector<1x1000x512xf32> to vector<1000x512xf32>
      %swap3A_82 = vector.shape_cast %add3A_76 : vector<1000x512xf32> to vector<1x1000x512xf32>
      tpu.vector_store %arg6[%swap3A_77, %swap3A_78, %swap3A_79], %swap3A_82 {strides = array<i32>} : memref<4x1000x512xf32, #tpu.memory_space<vmem>>, vector<1x1000x512xf32>,
      %get3A_83 = arith.constant 3 : index
      %get3A_84 = arith.constant 0 : index
      %get3A_85 = arith.constant 0 : index
      %get3A_86 = vector.load %arg3[%get3A_83, %get3A_84, %get3A_85] : memref<4x512x128xf32, #tpu.memory_space<vmem>>, vector<1x512x128xf32>
      %get3A_87 = vector.shape_cast %get3A_86 : vector<1x512x128xf32> to vector<512x128xf32>
      %slice3A_88 = vector.extract_strided_slice %get3A_87 {offsets = [0, 64], sizes = [512, 32], strides = [1, 1]} : vector<512x128xf32> to vector<512x32xf32>
      %get3A_89 = arith.constant 0 : index
      %get3A_90 = arith.constant 0 : index
      %get3A_91 = vector.load %arg4[%get3A_89, %get3A_90] : memref<1000x32xf32, #tpu.memory_space<vmem>>, vector<1000x32xf32>
      %dot_general3A_92 = arith.constant dense<0.000000e+00> : vector<1000x512xf32>
      %dot_general3A_93 = tpu.matmul %get3A_91, %slice3A_88, %dot_general3A_92 {dimension_numbers = #tpu.dot_dimension_numbers<[1], [1], [0], [0], [0, 0, 1, 0], [], []>, transpose_lhs_hint = false} : vector<1000x32xf32>, vector<512x32xf32>, vector<1000x512xf32> -> vector<1000x512xf32>
      %get3A_94 = arith.constant 3 : index
      %get3A_95 = arith.constant 0 : index
      %get3A_96 = vector.load %arg5[%get3A_94, %get3A_95] : memref<4x1000xf32, #tpu.memory_space<vmem>>, vector<1x1000xf32>
      %get3A_97 = vector.shape_cast %get3A_96 : vector<1x1000xf32> to vector<1000xf32>
      %broadcast_in_dim3A_98 = vector.shape_cast %get3A_97 : vector<1000xf32> to vector<1000x1xf32>
      %add3A_99 = vector.broadcast %broadcast_in_dim3A_98 : vector<1000x1xf32> to vector<1000x512xf32>
      %add3A_100 = arith.addf %dot_general3A_93, %add3A_99 : vector<1000x512xf32>
      %swap3A_101 = arith.constant 3 : index
      %swap3A_102 = arith.constant 0 : index
      %swap3A_103 = arith.constant 0 : index
      %swap3A_104 = vector.load %arg6[%swap3A_101, %swap3A_102, %swap3A_103] : memref<4x1000x512xf32, #tpu.memory_space<vmem>>, vector<1x1000x512xf32>
      %swap3A_105 = vector.shape_cast %swap3A_104 : vector<1x1000x512xf32> to vector<1000x512xf32>
      %swap3A_106 = vector.shape_cast %add3A_100 : vector<1000x512xf32> to vector<1x1000x512xf32>
      tpu.vector_store %arg6[%swap3A_101, %swap3A_102, %swap3A_103], %swap3A_106 {strides = array<i32>} : memref<4x1000x512xf32, #tpu.memory_space<vmem>>, vector<1x1000x512xf32>,
    } else {
    }
    %eq3A_12 = arith.constant 3 : i32
    %eq3A_13 = arith.cmpi eq, %arg1, %eq3A_12 : i32
    %convert_element_type3A_14 = arith.extui %eq3A_13 : i1 to i32
    %cond3A_15 = arith.constant 0 : i32
    %cond3A_16 = arith.cmpi ne, %convert_element_type3A_14, %cond3A_15 : i32
    scf.if %cond3A_16 {
      %get3A = arith.constant 0 : index
      %get3A_17 = arith.constant 0 : index
      %get3A_18 = arith.constant 0 : index
      %get3A_19 = vector.load %arg3[%get3A, %get3A_17, %get3A_18] : memref<4x512x128xf32, #tpu.memory_space<vmem>>, vector<1x512x128xf32>
      %get3A_20 = vector.shape_cast %get3A_19 : vector<1x512x128xf32> to vector<512x128xf32>
      %slice3A = vector.extract_strided_slice %get3A_20 {offsets = [0, 96], sizes = [512, 32], strides = [1, 1]} : vector<512x128xf32> to vector<512x32xf32>
      %get3A_21 = arith.constant 0 : index
      %get3A_22 = arith.constant 0 : index
      %get3A_23 = vector.load %arg4[%get3A_21, %get3A_22] : memref<1000x32xf32, #tpu.memory_space<vmem>>, vector<1000x32xf32>
      %dot_general3A = arith.constant dense<0.000000e+00> : vector<1000x512xf32>
      %dot_general3A_24 = tpu.matmul %get3A_23, %slice3A, %dot_general3A {dimension_numbers = #tpu.dot_dimension_numbers<[1], [1], [0], [0], [0, 0, 1, 0], [], []>, transpose_lhs_hint = false} : vector<1000x32xf32>, vector<512x32xf32>, vector<1000x512xf32> -> vector<1000x512xf32>
      %get3A_25 = arith.constant 0 : index
      %get3A_26 = arith.constant 0 : index
      %get3A_27 = vector.load %arg5[%get3A_25, %get3A_26] : memref<4x1000xf32, #tpu.memory_space<vmem>>, vector<1x1000xf32>
      %get3A_28 = vector.shape_cast %get3A_27 : vector<1x1000xf32> to vector<1000xf32>
      %broadcast_in_dim3A = vector.shape_cast %get3A_28 : vector<1000xf32> to vector<1000x1xf32>
      %add3A = vector.broadcast %broadcast_in_dim3A : vector<1000x1xf32> to vector<1000x512xf32>
      %add3A_29 = arith.addf %dot_general3A_24, %add3A : vector<1000x512xf32>
      %swap3A = arith.constant 0 : index
      %swap3A_30 = arith.constant 0 : index
      %swap3A_31 = arith.constant 0 : index
      %swap3A_32 = vector.load %arg6[%swap3A, %swap3A_30, %swap3A_31] : memref<4x1000x512xf32, #tpu.memory_space<vmem>>, vector<1x1000x512xf32>
      %swap3A_33 = vector.shape_cast %swap3A_32 : vector<1x1000x512xf32> to vector<1000x512xf32>
      %swap3A_34 = vector.shape_cast %add3A_29 : vector<1000x512xf32> to vector<1x1000x512xf32>
      tpu.vector_store %arg6[%swap3A, %swap3A_30, %swap3A_31], %swap3A_34 {strides = array<i32>} : memref<4x1000x512xf32, #tpu.memory_space<vmem>>, vector<1x1000x512xf32>,
      %get3A_35 = arith.constant 1 : index
      %get3A_36 = arith.constant 0 : index
      %get3A_37 = arith.constant 0 : index
      %get3A_38 = vector.load %arg3[%get3A_35, %get3A_36, %get3A_37] : memref<4x512x128xf32, #tpu.memory_space<vmem>>, vector<1x512x128xf32>
      %get3A_39 = vector.shape_cast %get3A_38 : vector<1x512x128xf32> to vector<512x128xf32>
      %slice3A_40 = vector.extract_strided_slice %get3A_39 {offsets = [0, 96], sizes = [512, 32], strides = [1, 1]} : vector<512x128xf32> to vector<512x32xf32>
      %get3A_41 = arith.constant 0 : index
      %get3A_42 = arith.constant 0 : index
      %get3A_43 = vector.load %arg4[%get3A_41, %get3A_42] : memref<1000x32xf32, #tpu.memory_space<vmem>>, vector<1000x32xf32>
      %dot_general3A_44 = arith.constant dense<0.000000e+00> : vector<1000x512xf32>
      %dot_general3A_45 = tpu.matmul %get3A_43, %slice3A_40, %dot_general3A_44 {dimension_numbers = #tpu.dot_dimension_numbers<[1], [1], [0], [0], [0, 0, 1, 0], [], []>, transpose_lhs_hint = false} : vector<1000x32xf32>, vector<512x32xf32>, vector<1000x512xf32> -> vector<1000x512xf32>
      %get3A_46 = arith.constant 1 : index
      %get3A_47 = arith.constant 0 : index
      %get3A_48 = vector.load %arg5[%get3A_46, %get3A_47] : memref<4x1000xf32, #tpu.memory_space<vmem>>, vector<1x1000xf32>
      %get3A_49 = vector.shape_cast %get3A_48 : vector<1x1000xf32> to vector<1000xf32>
      %broadcast_in_dim3A_50 = vector.shape_cast %get3A_49 : vector<1000xf32> to vector<1000x1xf32>
      %add3A_51 = vector.broadcast %broadcast_in_dim3A_50 : vector<1000x1xf32> to vector<1000x512xf32>
      %add3A_52 = arith.addf %dot_general3A_45, %add3A_51 : vector<1000x512xf32>
      %swap3A_53 = arith.constant 1 : index
      %swap3A_54 = arith.constant 0 : index
      %swap3A_55 = arith.constant 0 : index
      %swap3A_56 = vector.load %arg6[%swap3A_53, %swap3A_54, %swap3A_55] : memref<4x1000x512xf32, #tpu.memory_space<vmem>>, vector<1x1000x512xf32>
      %swap3A_57 = vector.shape_cast %swap3A_56 : vector<1x1000x512xf32> to vector<1000x512xf32>
      %swap3A_58 = vector.shape_cast %add3A_52 : vector<1000x512xf32> to vector<1x1000x512xf32>
      tpu.vector_store %arg6[%swap3A_53, %swap3A_54, %swap3A_55], %swap3A_58 {strides = array<i32>} : memref<4x1000x512xf32, #tpu.memory_space<vmem>>, vector<1x1000x512xf32>,
      %get3A_59 = arith.constant 2 : index
      %get3A_60 = arith.constant 0 : index
      %get3A_61 = arith.constant 0 : index
      %get3A_62 = vector.load %arg3[%get3A_59, %get3A_60, %get3A_61] : memref<4x512x128xf32, #tpu.memory_space<vmem>>, vector<1x512x128xf32>
      %get3A_63 = vector.shape_cast %get3A_62 : vector<1x512x128xf32> to vector<512x128xf32>
      %slice3A_64 = vector.extract_strided_slice %get3A_63 {offsets = [0, 96], sizes = [512, 32], strides = [1, 1]} : vector<512x128xf32> to vector<512x32xf32>
      %get3A_65 = arith.constant 0 : index
      %get3A_66 = arith.constant 0 : index
      %get3A_67 = vector.load %arg4[%get3A_65, %get3A_66] : memref<1000x32xf32, #tpu.memory_space<vmem>>, vector<1000x32xf32>
      %dot_general3A_68 = arith.constant dense<0.000000e+00> : vector<1000x512xf32>
      %dot_general3A_69 = tpu.matmul %get3A_67, %slice3A_64, %dot_general3A_68 {dimension_numbers = #tpu.dot_dimension_numbers<[1], [1], [0], [0], [0, 0, 1, 0], [], []>, transpose_lhs_hint = false} : vector<1000x32xf32>, vector<512x32xf32>, vector<1000x512xf32> -> vector<1000x512xf32>
      %get3A_70 = arith.constant 2 : index
      %get3A_71 = arith.constant 0 : index
      %get3A_72 = vector.load %arg5[%get3A_70, %get3A_71] : memref<4x1000xf32, #tpu.memory_space<vmem>>, vector<1x1000xf32>
      %get3A_73 = vector.shape_cast %get3A_72 : vector<1x1000xf32> to vector<1000xf32>
      %broadcast_in_dim3A_74 = vector.shape_cast %get3A_73 : vector<1000xf32> to vector<1000x1xf32>
      %add3A_75 = vector.broadcast %broadcast_in_dim3A_74 : vector<1000x1xf32> to vector<1000x512xf32>
      %add3A_76 = arith.addf %dot_general3A_69, %add3A_75 : vector<1000x512xf32>
      %swap3A_77 = arith.constant 2 : index
      %swap3A_78 = arith.constant 0 : index
      %swap3A_79 = arith.constant 0 : index
      %swap3A_80 = vector.load %arg6[%swap3A_77, %swap3A_78, %swap3A_79] : memref<4x1000x512xf32, #tpu.memory_space<vmem>>, vector<1x1000x512xf32>
      %swap3A_81 = vector.shape_cast %swap3A_80 : vector<1x1000x512xf32> to vector<1000x512xf32>
      %swap3A_82 = vector.shape_cast %add3A_76 : vector<1000x512xf32> to vector<1x1000x512xf32>
      tpu.vector_store %arg6[%swap3A_77, %swap3A_78, %swap3A_79], %swap3A_82 {strides = array<i32>} : memref<4x1000x512xf32, #tpu.memory_space<vmem>>, vector<1x1000x512xf32>,
      %get3A_83 = arith.constant 3 : index
      %get3A_84 = arith.constant 0 : index
      %get3A_85 = arith.constant 0 : index
      %get3A_86 = vector.load %arg3[%get3A_83, %get3A_84, %get3A_85] : memref<4x512x128xf32, #tpu.memory_space<vmem>>, vector<1x512x128xf32>
      %get3A_87 = vector.shape_cast %get3A_86 : vector<1x512x128xf32> to vector<512x128xf32>
      %slice3A_88 = vector.extract_strided_slice %get3A_87 {offsets = [0, 96], sizes = [512, 32], strides = [1, 1]} : vector<512x128xf32> to vector<512x32xf32>
      %get3A_89 = arith.constant 0 : index
      %get3A_90 = arith.constant 0 : index
      %get3A_91 = vector.load %arg4[%get3A_89, %get3A_90] : memref<1000x32xf32, #tpu.memory_space<vmem>>, vector<1000x32xf32>
      %dot_general3A_92 = arith.constant dense<0.000000e+00> : vector<1000x512xf32>
      %dot_general3A_93 = tpu.matmul %get3A_91, %slice3A_88, %dot_general3A_92 {dimension_numbers = #tpu.dot_dimension_numbers<[1], [1], [0], [0], [0, 0, 1, 0], [], []>, transpose_lhs_hint = false} : vector<1000x32xf32>, vector<512x32xf32>, vector<1000x512xf32> -> vector<1000x512xf32>
      %get3A_94 = arith.constant 3 : index
      %get3A_95 = arith.constant 0 : index
      %get3A_96 = vector.load %arg5[%get3A_94, %get3A_95] : memref<4x1000xf32, #tpu.memory_space<vmem>>, vector<1x1000xf32>
      %get3A_97 = vector.shape_cast %get3A_96 : vector<1x1000xf32> to vector<1000xf32>
      %broadcast_in_dim3A_98 = vector.shape_cast %get3A_97 : vector<1000xf32> to vector<1000x1xf32>
      %add3A_99 = vector.broadcast %broadcast_in_dim3A_98 : vector<1000x1xf32> to vector<1000x512xf32>
      %add3A_100 = arith.addf %dot_general3A_93, %add3A_99 : vector<1000x512xf32>
      %swap3A_101 = arith.constant 3 : index
      %swap3A_102 = arith.constant 0 : index
      %swap3A_103 = arith.constant 0 : index
      %swap3A_104 = vector.load %arg6[%swap3A_101, %swap3A_102, %swap3A_103] : memref<4x1000x512xf32, #tpu.memory_space<vmem>>, vector<1x1000x512xf32>
      %swap3A_105 = vector.shape_cast %swap3A_104 : vector<1x1000x512xf32> to vector<1000x512xf32>
      %swap3A_106 = vector.shape_cast %add3A_100 : vector<1000x512xf32> to vector<1x1000x512xf32>
      tpu.vector_store %arg6[%swap3A_101, %swap3A_102, %swap3A_103], %swap3A_106 {strides = array<i32>} : memref<4x1000x512xf32, #tpu.memory_space<vmem>>, vector<1x1000x512xf32>,
    } else {
    }
    return
  }
  func.func @transform_1(%arg0: i32, %arg1: i32) -> (i32, i32, i32) {
    %c0_i32 = arith.constant 0 : i32
    %c0_i32_0 = arith.constant 0 : i32
    %c0_i32_1 = arith.constant 0 : i32
    return %c0_i32, %arg0, %c0_i32_0 : i32, i32, i32
  }
  func.func @transform_2(%arg0: i32, %arg1: i32) -> (i32, i32) {
    %c0_i32 = arith.constant 0 : i32
    %c0_i32_0 = arith.constant 0 : i32
    %c0_i32_1 = arith.constant 0 : i32
    return %c0_i32, %c0_i32_0 : i32, i32
  }
  func.func @transform_3(%arg0: i32, %arg1: i32) -> (i32, i32) {
    %c0_i32 = arith.constant 0 : i32
    %c0_i32_0 = arith.constant 0 : i32
    %c0_i32_1 = arith.constant 0 : i32
    return %c0_i32, %c0_i32_0 : i32, i32
  }
  func.func @transform_4(%arg0: i32, %arg1: i32) -> (i32, i32, i32) {
    %mul3A = arith.constant 8 : i32
    %mul3A_0 = arith.muli %arg1, %mul3A : i32
    %add3A = arith.addi %mul3A_0, %arg0 : i32
    %c1_i32 = arith.constant 1 : i32
    %c0_i32 = arith.constant 0 : i32
    %c0_i32_1 = arith.constant 0 : i32
    return %c1_i32, %c0_i32, %add3A : i32, i32, i32
  }
}

</mosaic_0001>

<sc_bundles>
// kernel: kernel.6.cloned.1.call-start
scs
__scs_entry_jumppad:
0x0: {  	(pc) =	sbr.rel $0x88, $3  }
0x1: {  	(tag) =	ssettag $0x0;
	lr =	simm.s32 $0x1  }
0x2: {  	[smem:$0x3F9C] =	sst lr;
	_ =	strace $0xD0000000  }
0x3: {  	_ = 	snop  }
0x4: {  	_ = 	snop  }
0x5: {  	_ = 	snop  }
0x6: {  	_ = 	snop  }
0x7: {  	_ = 	snop  }
__scs_overlays_trampoline_lowered:
0x8: {  	[smem:$0x3FAB] =	sst s0  }
0x9: {  	[smem:$0x3FAC] =	sst s1  }
0xa: {  	[smem:$0x3FAD] =	sst s2  }
0xb: {  	[smem:$0x3FAE] =	sst s3  }
0xc: {  	[smem:$0x3FAF] =	sst s4  }
0xd: {  	[smem:$0x3FB0] =	sst s5  }
0xe: {  	[smem:$0x3FB1] =	sst s6  }
0xf: {  	[smem:$0x3FB2] =	sst s7  }
0x10: {  	[smem:$0x3FB3] =	sst s8  }
0x11: {  	[smem:$0x3FB4] =	sst s9;
	s0 =	simm.s32 @!p0 $0x0  }
0x12: {  	s1 =	sld [smem:$0x3F9A];
	s0 =	simm.s32 @p0 $0x1  }
0x13: {  	[smem:$0x3FB5] =	sst s0;
	s0 =	simm.s32 @!p1 $0x0  }
0x14: {  	s2 =	sld [smem:$0x3F99];
	s0 =	simm.s32 @p1 $0x1  }
0x15: {  	[smem:$0x3FB6] =	sst s0;
	s0 =	simm.s32 @!p2 $0x0  }
0x16: {  	s3 =	sld [smem:$0x3FDB];
	s0 =	simm.s32 @p2 $0x1  }
0x17: {  	s4 =	simm.s32 $0x1BF5;
	[smem:$0x3FB8] =	sst s0  }
0x18: {  	s0 =	sld [smem:$0x3F9B];
	_ =	swait.ge [sflag:s4], $0x0  }
0x19: {  	s7 =	sld [smem:$0x3F9C]  }
0x1a: {  	s8 =	sadd.s32 $0xFFFFE003, lr  }
0x1b: {  	s9 =	sadd.s32 $0xFFFFFEF7, lr;
	s5 =	simm.s32 $0xFFFFFFFF;
	p2 =	slt.u32 s8, $0xFFFFF086  }
0x1c: {  	p1 =	slt.u32 s9, $0xF7A;
	s5 =	simm.s32 @!p2 $0x0  }
0x1d: {  	s5 =	simm.s32 @p1 $0x1;
	p0 =	seq.s32 s7, s2  }
0x1e: {  	s7 =	smul.u32 @!p0 $0xF7A, s2;
	p2 =	seq.s32 @!p0 s5, $0x0  }
0x1f: {  	s9 =	smul.u32 $0xF7A, s1;
	s8 =	simm.s32 @!p0 $0x1BF5;
	p2 =	por !p2, p0  }
0x20: {  	[sflag:s8] =	ssyncset.s32 @!p0 $0xFFFFF086;
	s6 =	sadd.s32 @!p0 s3, s7;
	s7 =	simm.s32 @!p0 $0x108  }
0x21: {  	s3 =	sadd.s32 s3, s9;
	s6 =	sadd.s32 @!p0 $0x88, s6;
	s7 =	simm.s32 @p2 $0x1082  }
0x22: {  	[simem:s7], [sflag:s8] =	dma.local @!p0 [hbm:s6], $0xF7A  }
0x23: {  	s9 =	sor.u32 $0xD0000000, s2;
	s6 =	simm.s32 $0x108;
	_ =	swait.ge @!p0 [sflag:s8], $0x0  }
0x24: {  	s3 =	sadd.s32 $0x88, s3;
	s6 =	simm.s32 @!p1 $0x1082;
	[sflag:s4] =	ssyncset.s32 $0xFFFFF086  }
0x25: {  	[simem:s6], [sflag:s4] =	dma.local [hbm:s3], $0xF7A  }
0x26: {  	[smem:$0x3F9C] =	sst s1;
	(tag) =	ssettag s2;
	_ =	strace s9  }
0x27: {  	s1 =	sld [smem:$0x3FAC]  }
0x28: {  	s2 =	sld [smem:$0x3FAD]  }
0x29: {  	s4 =	sld [smem:$0x3FAF]  }
0x2a: {  	p0 =	seq.s32 s5, $0x0;
	s5 =	sld [smem:$0x3FB0]  }
0x2b: {  	s6 =	sld [smem:$0x3FB1]  }
0x2c: {  	s7 =	sld [smem:$0x3FB2]  }
0x2d: {  	s3 =	simm.s32 $0x108;
	s8 =	sld [smem:$0x3FB3]  }
0x2e: {  	s3 =	simm.s32 @!p0 $0x1082;
	s9 =	sld [smem:$0x3FB4]  }
0x2f: {  	lr =	sadd.s32 s0, s3;
	s0 =	sld [smem:$0x3FAB]  }
0x30: {  	s3 =	sld [smem:$0x3FAE]  }
0x31: {  	[smem:$0x3FB7] =	sst s10  }
0x32: {  	s10 =	sld [smem:$0x3FB5];
	_ =	sdelay $0x3  }
0x33: {  	p0 =	seq.s32 s10, $0x1;
	s10 =	sld [smem:$0x3FB7];
	_ =	sdelay $0x3  }
0x34: {  	[smem:$0x3FB7] =	sst s10  }
0x35: {  	s10 =	sld [smem:$0x3FB6];
	_ =	sdelay $0x3  }
0x36: {  	p1 =	seq.s32 s10, $0x1;
	s10 =	sld [smem:$0x3FB7];
	_ =	sdelay $0x3  }
0x37: {  	[smem:$0x3FB7] =	sst s10  }
0x38: {  	s10 =	sld [smem:$0x3FB8]  }
0x39: {  	_ = 	snop;
	(pc) =	sbr.ind lr, $3  }
0x3a: {  	_ = 	snop  }
0x3b: {  	_ = 	snop  }
0x3c: {  	p2 =	seq.s32 s10, $0x1;
	s10 =	sld [smem:$0x3FB7]  }
0x3d: {  	_ =	shalt  }
0x3e: {  	_ =	shalt  }
0x3f: {  	_ =	shalt  }
0x40: {  	_ =	shalt  }
0x41: {  	_ =	shalt  }
0x42: {  	_ =	shalt  }
0x43: {  	_ =	shalt  }
0x44: {  	_ =	shalt  }
0x45: {  	_ =	shalt  }
0x46: {  	_ =	shalt  }
0x47: {  	_ =	shalt  }
0x48: {  	_ =	shalt  }
0x49: {  	_ =	shalt  }
0x4a: {  	_ =	shalt  }
0x4b: {  	_ =	shalt  }
0x4c: {  	_ =	shalt  }
0x4d: {  	_ =	shalt  }
0x4e: {  	_ =	shalt  }
0x4f: {  	_ =	shalt  }
0x50: {  	_ =	shalt  }
0x51: {  	_ =	shalt  }
0x52: {  	_ =	shalt  }
0x53: {  	_ =	shalt  }
0x54: {  	_ =	shalt  }
0x55: {  	_ =	shalt  }
0x56: {  	_ =	shalt  }
0x57: {  	_ =	shalt  }
0x58: {  	_ =	shalt  }
0x59: {  	_ =	shalt  }
0x5a: {  	_ =	shalt  }
0x5b: {  	_ =	shalt  }
0x5c: {  	_ =	shalt  }
0x5d: {  	_ =	shalt  }
0x5e: {  	_ =	shalt  }
0x5f: {  	_ =	shalt  }
0x60: {  	_ =	shalt  }
0x61: {  	_ =	shalt  }
0x62: {  	_ =	shalt  }
0x63: {  	_ =	shalt  }
0x64: {  	_ =	shalt  }
0x65: {  	_ =	shalt  }
0x66: {  	_ =	shalt  }
0x67: {  	_ =	shalt  }
0x68: {  	_ =	shalt  }
0x69: {  	_ =	shalt  }
0x6a: {  	_ =	shalt  }
0x6b: {  	_ =	shalt  }
0x6c: {  	_ =	shalt  }
0x6d: {  	_ =	shalt  }
0x6e: {  	_ =	shalt  }
0x6f: {  	_ =	shalt  }
0x70: {  	_ =	shalt  }
0x71: {  	_ =	shalt  }
0x72: {  	_ =	shalt  }
0x73: {  	_ =	shalt  }
0x74: {  	_ =	shalt  }
0x75: {  	_ =	shalt  }
0x76: {  	_ =	shalt  }
0x77: {  	_ =	shalt  }
0x78: {  	_ =	shalt  }
0x79: {  	_ =	shalt  }
0x7a: {  	_ =	shalt  }
0x7b: {  	_ =	shalt  }
0x7c: {  	_ =	shalt  }
0x7d: {  	_ =	shalt  }
0x7e: {  	_ =	shalt  }
0x7f: {  	_ =	shalt  }
0x80: {  	_ =	shalt  }
0x81: {  	_ =	shalt  }
0x82: {  	_ =	shalt  }
0x83: {  	_ =	shalt  }
0x84: {  	_ =	shalt  }
0x85: {  	_ =	shalt  }
0x86: {  	_ =	shalt  }
0x87: {  	_ =	shalt  }
.Lfunc_end0:
.L_simem_size_0:
called_computation_lowered:
.L_overlay_start_0:
0x88: {  	s2 =	sld [smem:$0x3FD9]  }
0x89: {  	s3 =	sld [smem:$0x3FFE];
	_ =	sdelay $0x1  }
0x8a: {  	s1 =	srdreg.scid  }
0x8b: {  	s0 =	sand.u32 $0x1, s1  }
0x8c: {  	s17 =	sshll.u32 s0, $0xA;
	s2 =	sadd.s32 s3, s2  }
0x8d: {  	s2 =	sadd.s32 s2, s17  }
0x8e: {  	[smem:$0x3FC3] =	sst s2  }
0x8f: {  	_ = 	snop  }
0x90: {  	s2 =	sld [smem:$0x3FD0];
	(tm) =	ssettm $0x1  }
0x91: {  	s18 =	sld [smem:$0x3FFB];
	_ =	sdelay $0x3  }
0x92: {  	_ =	strace s18  }
0x93: {  	s3 =	sld [smem:$0x3FFC];
	_ =	sdelay $0x3  }
0x94: {  	_ =	strace s3  }
0x95: {  	s3 =	sld [smem:$0x3FFD];
	_ =	sdelay $0x3  }
0x96: {  	_ =	strace s3  }
0x97: {  	_ =	strace $0x8FFFFFFF  }
0x98: {  	s19 =	sld [smem:$0x3FDB];
	_ =	sdelay $0x1  }
0x99: {  	s4 =	simm.s32 $_scs_section_size  }
0x9a: {  	s5 =	simm.s32 $_size__tile_overlayer_lowered;
	s6 =	simm.s32 $_tile_overlayer_lowered  }
0x9b: {  	s22 =	simm.s32 $0x1BFF;
	s21 =	sshll.u32 s6, $0x1;
	s3 =	sadd.s32 s4, s19  }
0x9c: {  	s7 =	simm.s32 $0x0;
	s20 =	sshll.u32 s5, $0x1;
	s5 =	sadd.s32 s21, s3  }
0x9d: {  	[timem:s7], [sflag:s22] =	dma.local [hbm:s5], s20  }
0x9e: {  	_ =	swait.ge [sflag:s22], s20  }
0x9f: {  	s4 =	ssub.s32 $0x0, s20;
	[sflag:s22] =	ssyncset.done $0x0  }
0xa0: {  	[sflag:s22] =	ssyncadd.s32 s4;
	_ =	sdelay $0x1  }
0xa1: {  	s23 =	simm.s32 $0x1B8B  }
0xa2: {  	_ =	swait.ge [sflag:s23], $0x1  }
0xa3: {  	[sflag:s23] =	ssyncset.done $0x0  }
0xa4: {  	s25 =	simm.s32 $0x1B8E;
	s24 =	sld [smem:$0x3FFE];
	[sflag:s23] =	ssyncadd.s32 $0xFFFFFFFF  }
0xa5: {  	s26 =	simm.s32 $execute0_lowered;
	[smem:$0x3FD2] =	sst s25  }
0xa6: {  	s5 =	sshll.u32 s26, $0x1;
	_ =	strace $0x80000046;
	[dreg:$0x1] =	wrdreg $0xFFFFFFFF  }
0xa7: {  	s28 =	simm.s32 $_size_execute0_lowered;
	s3 =	sadd.s32 s3, s5;
	[dreg:$0x0] =	wrdreg $0x0  }
0xa8: {  	s5 =	sshll.u32 s28, $0x1;
	[dreg:$0x2] =	wrdreg s3  }
0xa9: {  	[dreg:$0x3] =	wrdreg s5  }
0xaa: {  	[dreg:$0x4] =	wrdreg $0xC0  }
0xab: {  	_ =	task [dreg:s7], $0x5FFFF  }
0xac: {  	[dreg:$0x1] =	wrdreg $0xFFFFFFFF  }
0xad: {  	[dreg:$0x0] =	wrdreg $0x60  }
0xae: {  	[dreg:$0x2] =	wrdreg s24  }
0xaf: {  	[dreg:$0x3] =	wrdreg s2  }
0xb0: {  	[dreg:$0x4] =	wrdreg $0x9  }
0xb1: {  	_ =	task.clear_ibuf [dreg:s7], $0x5FFFF;
	_ =	strace $0x90000046  }
0xb2: {  	s29 =	simm.s32 $0x9;
	_ =	strace $0x80000048  }
0xb3: {  	_ =	swait.ge [sflag:s29], $0x1  }
0xb4: {  	[sflag:s29] =	ssyncadd.s32 $0xFFFFFFFF  }
0xb5: {  	_ =	strace $0x90000048  }
0xb6: {  	_ =	sfence  }
0xb7: {  	s30 =	sld [smem:$0x0];
	_ =	sdelay $0x2  }
0xb8: {  	s31 =	sshll.u32 s1, $0xD;
	s1 =	sshrl.u32 s1, $0x2  }
0xb9: {  	s3 =	sand.u32 $0x4000, s31;
	s1 =	sadd.s32 s1, s30  }
0xba: {  	s0 =	sor.u32 s3, s0;
	s1 =	sshll.u32 s1, $0x11  }
0xbb: {  	s0 =	sor.u32 s1, s0  }
0xbc: {  	s0 =	sadd.s32 $0x8F2B, s0  }
0xbd: {  	[sflag:s0] =	ssyncadd.remote.s32 $0x1  }
0xbe: {  	_ =	sfence.sel $0xFFFF  }
0xbf: {  	[dreg:$0x0] =	wrdreg $0xFFFFFFFF;
	(pc) =	sbr.abs _section_cstart, $3  }
0xc0: {  	[dreg:$0x1] =	wrdreg $0xFFFFFFFF  }
0xc1: {  	_ =	task.clear_ibuf [dreg:s7], $0x2FFFF;
	_ =	strace $0x9FFFFFFF  }
0xc2: {  	(tm) =	ssettm $0x7FFFFFFF  }
0xc3: {  	_ =	shalt  }
tec
execute0_lowered:
.L_overlay_start_1:
0x0: {  	(tag) =	ssettag $0x1  }
0x1: {  	s4 =	rddreg [dreg:$0x0]  }
0x2: {  	s3 =	rddreg [dreg:$0x1];
	s0 =	srdreg.scid;
	s2 =	simm.s32 $0x0  }
0x3: {  	s1 =	stileid.u32;
	s14 =	simm.s32 $0x1800;
	s15 =	simm.s32 $0x100  }
0x4: {  	s16 =	simm.s32 $0x2800;
	s17 =	simm.s32 $0x180;
	[smem:$0x7FF] =	sst s2  }
0x5: {  	s18 =	simm.s32 $0x3800;
	_ =	strace $0x80000047;
	[dreg:$0x5] =	wrdreg s14  }
0x6: {  	s19 =	simm.s32 $0x200;
	s20 =	simm.s32 $0x4800;
	[dreg:$0x6] =	wrdreg s15  }
0x7: {  	s0 =	sand.u32 $0x1, s0;
	s5 =	sshll.u32 s1, $0x9;
	[dreg:$0x7] =	wrdreg s16  }
0x8: {  	s12 =	sshll.u32 s1, $0xE;
	s8 =	sshll.u32 s1, $0x2;
	[dreg:$0x8] =	wrdreg s17  }
0x9: {  	s6 =	sshll.u32 s0, $0x8;
	s7 =	sshll.u32 s0, $0xF;
	[dreg:$0x9] =	wrdreg s18  }
0xa: {  	s13 =	sand.u32 $0xC, s8;
	[dreg:$0xa] =	wrdreg s19;
	s5 =	sor.u32 s6, s5  }
0xb: {  	s6 =	sand.u32 $0x30000, s12;
	s3 =	sadd.s32 s3, s7;
	s5 =	sadd.s32 s5, s4  }
0xc: {  	[dreg:$0xb] =	wrdreg s20;
	s3 =	sadd.s32 s6, s3;
	s5 =	sadd.s32 $0x2200, s5  }
0xd: {  	s3 =	sadd.s32 s13, s3;
	[dreg:$0x3] =	wrdreg s5  }
0xe: {  	[dreg:$0x4] =	wrdreg s3  }
0xf: {  	s3 =	simm.s32 $0x2;
	s5 =	rddreg [dreg:$0x3]  }
0x10: {  	[tilespmem:s2], [sflag:$0x2] =	stream.linear.gather [hbm4b:s5+s2], $0x800, $0x38;
	[tilespmem:$0x10800] =	vst v63  }
0x11: {  	_ =	swait.ge [sflag:s3], $0x800  }
0x12: {  	s4 =	sadd.s32 $0x1200, s4;
	s21 =	rddreg [dreg:$0xb]  }
0x13: {  	s6 =	simm.s32 $0x800;
	s22 =	rddreg [dreg:$0x6];
	[sflag:s3] =	ssyncset.done $0x0  }
0x14: {  	s5 =	simm.s32 $0x80;
	s9 =	rddreg [dreg:$0x5];
	[sflag:s3] =	ssyncadd.s32 $0xFFFFF800  }
0x15: {  	[tilespmem:s6], [sflag:$0x1] =	stream.indirect.gather [hbm4b:s4+s5], $0x20, s2, s5, $0xb8;
	[tilespmem:$0x10800] =	vst v63  }
0x16: {  	s10 =	rddreg [dreg:$0x7]  }
0x17: {  	[tilespmem:s9], [sflag:$0x1] =	stream.indirect.gather [hbm4b:s4+s5], $0x20, s5, s5, $0xb8;
	[tilespmem:$0x10800] =	vst v63  }
0x18: {  	s11 =	rddreg [dreg:$0x9]  }
0x19: {  	[tilespmem:s10], [sflag:$0x1] =	stream.indirect.gather [hbm4b:s4+s5], $0x20, s22, s5, $0xb8;
	[tilespmem:$0x10800] =	vst v63  }
0x1a: {  	s23 =	rddreg [dreg:$0x8]  }
0x1b: {  	[tilespmem:s11], [sflag:$0x1] =	stream.indirect.gather [hbm4b:s4+s5], $0x20, s23, s5, $0xb8;
	[tilespmem:$0x10800] =	vst v63  }
0x1c: {  	s24 =	rddreg [dreg:$0xa]  }
0x1d: {  	[tilespmem:s21], [sflag:$0x1] =	stream.indirect.gather [hbm4b:s4+s5], $0x20, s24, s5, $0xb8;
	[tilespmem:$0x10800] =	vst v63  }
0x1e: {  	s25 =	simm.s32 $0x280;
	s26 =	simm.s32 $0x5800  }
0x1f: {  	[tilespmem:s26], [sflag:$0x1] =	stream.indirect.gather [hbm4b:s4+s5], $0x20, s25, s5, $0xb8;
	[tilespmem:$0x10800] =	vst v63  }
0x20: {  	s8 =	simm.s32 $0x300;
	s9 =	simm.s32 $0x6800  }
0x21: {  	[tilespmem:s9], [sflag:$0x1] =	stream.indirect.gather [hbm4b:s4+s5], $0x20, s8, s5, $0xb8;
	[tilespmem:$0x10800] =	vst v63  }
0x22: {  	s12 =	simm.s32 $0x7800;
	s11 =	simm.s32 $0x380  }
0x23: {  	[tilespmem:s12], [sflag:$0x1] =	stream.indirect.gather [hbm4b:s4+s5], $0x20, s11, s5, $0xb8;
	[tilespmem:$0x10800] =	vst v63  }
0x24: {  	s14 =	simm.s32 $0x8800;
	s13 =	simm.s32 $0x400  }
0x25: {  	[tilespmem:s14], [sflag:$0x1] =	stream.indirect.gather [hbm4b:s4+s5], $0x20, s13, s5, $0xb8;
	[tilespmem:$0x10800] =	vst v63  }
0x26: {  	s15 =	simm.s32 $0x480;
	s16 =	simm.s32 $0x9800  }
0x27: {  	[tilespmem:s16], [sflag:$0x1] =	stream.indirect.gather [hbm4b:s4+s5], $0x20, s15, s5, $0xb8;
	[tilespmem:$0x10800] =	vst v63  }
0x28: {  	s17 =	simm.s32 $0x500;
	s18 =	simm.s32 $0xA800  }
0x29: {  	[tilespmem:s18], [sflag:$0x1] =	stream.indirect.gather [hbm4b:s4+s5], $0x20, s17, s5, $0xb8;
	[tilespmem:$0x10800] =	vst v63  }
0x2a: {  	s19 =	simm.s32 $0x580;
	s20 =	simm.s32 $0xB800  }
0x2b: {  	[tilespmem:s20], [sflag:$0x1] =	stream.indirect.gather [hbm4b:s4+s5], $0x20, s19, s5, $0xb8;
	[tilespmem:$0x10800] =	vst v63  }
0x2c: {  	s22 =	simm.s32 $0xC800;
	s21 =	simm.s32 $0x600  }
0x2d: {  	[tilespmem:s22], [sflag:$0x1] =	stream.indirect.gather [hbm4b:s4+s5], $0x20, s21, s5, $0xb8;
	[tilespmem:$0x10800] =	vst v63  }
0x2e: {  	s23 =	simm.s32 $0x680;
	s24 =	simm.s32 $0xD800  }
0x2f: {  	[tilespmem:s24], [sflag:$0x1] =	stream.indirect.gather [hbm4b:s4+s5], $0x20, s23, s5, $0xb8;
	[tilespmem:$0x10800] =	vst v63  }
0x30: {  	s25 =	simm.s32 $0x700;
	s26 =	simm.s32 $0xE800  }
0x31: {  	[tilespmem:s26], [sflag:$0x1] =	stream.indirect.gather [hbm4b:s4+s5], $0x20, s25, s5, $0xb8;
	[tilespmem:$0x10800] =	vst v63  }
0x32: {  	s28 =	simm.s32 $0x780;
	s29 =	simm.s32 $0xF800;
	s30 =	simm.s32 $0x1  }
0x33: {  	[tilespmem:s29], [sflag:$0x1] =	stream.indirect.gather [hbm4b:s4+s5], $0x20, s28, s5, $0xb8;
	[tilespmem:$0x10800] =	vst v63  }
0x34: {  	_ =	swait.ge [sflag:s30], $0x1000  }
0x35: {  	[sflag:s30] =	ssyncset.done $0x0  }
0x36: {  	[sflag:s30] =	ssyncadd.s32 $0xFFFFF000  }
0x37: {  	_ =	swait.ge [sflag:s30], $0x1000  }
0x38: {  	[sflag:s30] =	ssyncset.done $0x0  }
0x39: {  	[sflag:s30] =	ssyncadd.s32 $0xFFFFF000  }
0x3a: {  	_ =	swait.ge [sflag:s30], $0x1000  }
0x3b: {  	[sflag:s30] =	ssyncset.done $0x0  }
0x3c: {  	[sflag:s30] =	ssyncadd.s32 $0xFFFFF000  }
0x3d: {  	_ =	swait.ge [sflag:s30], $0x1000  }
0x3e: {  	[sflag:s30] =	ssyncset.done $0x0  }
0x3f: {  	[sflag:s30] =	ssyncadd.s32 $0xFFFFF000  }
0x40: {  	_ =	swait.ge [sflag:s30], $0x1000  }
0x41: {  	[sflag:s30] =	ssyncset.done $0x0  }
0x42: {  	[sflag:s30] =	ssyncadd.s32 $0xFFFFF000  }
0x43: {  	_ =	swait.ge [sflag:s30], $0x1000  }
0x44: {  	[sflag:s30] =	ssyncset.done $0x0  }
0x45: {  	[sflag:s30] =	ssyncadd.s32 $0xFFFFF000  }
0x46: {  	_ =	swait.ge [sflag:s30], $0x1000  }
0x47: {  	[sflag:s30] =	ssyncset.done $0x0  }
0x48: {  	[sflag:s30] =	ssyncadd.s32 $0xFFFFF000  }
0x49: {  	_ =	swait.ge [sflag:s30], $0x1000  }
0x4a: {  	[sflag:s30] =	ssyncset.done $0x0  }
0x4b: {  	[sflag:s30] =	ssyncadd.s32 $0xFFFFF000  }
0x4c: {  	_ =	swait.ge [sflag:s30], $0x1000  }
0x4d: {  	[sflag:s30] =	ssyncset.done $0x0  }
0x4e: {  	[sflag:s30] =	ssyncadd.s32 $0xFFFFF000  }
0x4f: {  	_ =	swait.ge [sflag:s30], $0x1000  }
0x50: {  	[sflag:s30] =	ssyncset.done $0x0  }
0x51: {  	[sflag:s30] =	ssyncadd.s32 $0xFFFFF000  }
0x52: {  	_ =	swait.ge [sflag:s30], $0x1000  }
0x53: {  	[sflag:s30] =	ssyncset.done $0x0  }
0x54: {  	[sflag:s30] =	ssyncadd.s32 $0xFFFFF000  }
0x55: {  	_ =	swait.ge [sflag:s30], $0x1000  }
0x56: {  	[sflag:s30] =	ssyncset.done $0x0  }
0x57: {  	[sflag:s30] =	ssyncadd.s32 $0xFFFFF000  }
0x58: {  	_ =	swait.ge [sflag:s30], $0x1000  }
0x59: {  	[sflag:s30] =	ssyncset.done $0x0  }
0x5a: {  	[sflag:s30] =	ssyncadd.s32 $0xFFFFF000  }
0x5b: {  	s0 =	ssub.s32 $0x2, s0;
	_ =	swait.ge [sflag:s30], $0x1000  }
0x5c: {  	s31 =	sshrl.u32 s0, $0x1;
	[sflag:s30] =	ssyncset.done $0x0  }
0x5d: {  	s0 =	ssub.s32 s0, s31;
	[sflag:s30] =	ssyncadd.s32 $0xFFFFF000  }
0x5e: {  	s0 =	smax.u32 s0, $0x1;
	_ =	swait.ge [sflag:s30], $0x1000  }
0x5f: {  	p0 =	sne.s32 s0, $0x1;
	[sflag:s30] =	ssyncset.done $0x0  }
.Ltmp0:
0x60: {  	[sflag:s30] =	ssyncadd.s32 $0xFFFFF000;
	(pc) =	sbr.rel @!p0 .LBB2_2-.Ltmp0, $4  }
0x61: {  	_ =	swait.ge [sflag:s30], $0x1000  }
0x62: {  	s31 =	simm.s32 $0x20;
	[sflag:s30] =	ssyncset.done $0x0  }
0x63: {  	s0 =	sadd.s32 $0xFFFFFFFF, s0;
	s10 =	rddreg [dreg:$0x4];
	[sflag:s30] =	ssyncadd.s32 $0xFFFFF000  }
0x64: {  	[hbm4b:s10+s31] =	stream.strided.scatter [tilespmem:s6], [sflag:$0x2], $0x10000, s5, s31, $0x38;
	[tilespmem:$0x10800] =	vst v63  }
.LBB2_1:
0x65: {  	_ =	swait.ge [sflag:s3], $0x10000  }
0x66: {  	[sflag:s3] =	ssyncset.done $0x0  }
0x67: {  	s1 =	rddreg [dreg:$0x3];
	[sflag:s3] =	ssyncadd.s32 $0xFFFF0000  }
0x68: {  	[tilespmem:s2], [sflag:$0x2] =	stream.linear.gather [hbm4b:s1+s2], $0x800, $0x38;
	[tilespmem:$0x10800] =	vst v63  }
0x69: {  	_ =	swait.ge [sflag:s3], $0x800  }
0x6a: {  	s1 =	rddreg [dreg:$0xb]  }
0x6b: {  	[sflag:s3] =	ssyncset.done $0x0;
	s7 =	rddreg [dreg:$0x6]  }
0x6c: {  	s8 =	rddreg [dreg:$0x5];
	[sflag:s3] =	ssyncadd.s32 $0xFFFFF800  }
0x6d: {  	[tilespmem:s6], [sflag:$0x1] =	stream.indirect.gather [hbm4b:s4+s5], $0x20, s2, s5, $0xb8;
	[tilespmem:$0x10800] =	vst v63  }
0x6e: {  	s9 =	rddreg [dreg:$0x7]  }
0x6f: {  	[tilespmem:s8], [sflag:$0x1] =	stream.indirect.gather [hbm4b:s4+s5], $0x20, s5, s5, $0xb8;
	[tilespmem:$0x10800] =	vst v63  }
0x70: {  	s10 =	rddreg [dreg:$0x9]  }
0x71: {  	[tilespmem:s9], [sflag:$0x1] =	stream.indirect.gather [hbm4b:s4+s5], $0x20, s7, s5, $0xb8;
	[tilespmem:$0x10800] =	vst v63  }
0x72: {  	s8 =	rddreg [dreg:$0x8]  }
0x73: {  	[tilespmem:s10], [sflag:$0x1] =	stream.indirect.gather [hbm4b:s4+s5], $0x20, s8, s5, $0xb8;
	[tilespmem:$0x10800] =	vst v63  }
0x74: {  	s9 =	rddreg [dreg:$0xa]  }
0x75: {  	[tilespmem:s1], [sflag:$0x1] =	stream.indirect.gather [hbm4b:s4+s5], $0x20, s9, s5, $0xb8;
	[tilespmem:$0x10800] =	vst v63  }
0x76: {  	s10 =	simm.s32 $0x5800;
	s9 =	simm.s32 $0x280  }
0x77: {  	[tilespmem:s10], [sflag:$0x1] =	stream.indirect.gather [hbm4b:s4+s5], $0x20, s9, s5, $0xb8;
	[tilespmem:$0x10800] =	vst v63  }
0x78: {  	s8 =	simm.s32 $0x300;
	s9 =	simm.s32 $0x6800  }
0x79: {  	[tilespmem:s9], [sflag:$0x1] =	stream.indirect.gather [hbm4b:s4+s5], $0x20, s8, s5, $0xb8;
	[tilespmem:$0x10800] =	vst v63  }
0x7a: {  	_ = 	snop  }
0x7b: {  	[tilespmem:s12], [sflag:$0x1] =	stream.indirect.gather [hbm4b:s4+s5], $0x20, s11, s5, $0xb8;
	[tilespmem:$0x10800] =	vst v63  }
0x7c: {  	_ = 	snop  }
0x7d: {  	[tilespmem:s14], [sflag:$0x1] =	stream.indirect.gather [hbm4b:s4+s5], $0x20, s13, s5, $0xb8;
	[tilespmem:$0x10800] =	vst v63  }
0x7e: {  	_ = 	snop  }
0x7f: {  	[tilespmem:s16], [sflag:$0x1] =	stream.indirect.gather [hbm4b:s4+s5], $0x20, s15, s5, $0xb8;
	[tilespmem:$0x10800] =	vst v63  }
0x80: {  	_ = 	snop  }
0x81: {  	[tilespmem:s18], [sflag:$0x1] =	stream.indirect.gather [hbm4b:s4+s5], $0x20, s17, s5, $0xb8;
	[tilespmem:$0x10800] =	vst v63  }
0x82: {  	_ = 	snop  }
0x83: {  	[tilespmem:s20], [sflag:$0x1] =	stream.indirect.gather [hbm4b:s4+s5], $0x20, s19, s5, $0xb8;
	[tilespmem:$0x10800] =	vst v63  }
0x84: {  	_ = 	snop  }
0x85: {  	[tilespmem:s22], [sflag:$0x1] =	stream.indirect.gather [hbm4b:s4+s5], $0x20, s21, s5, $0xb8;
	[tilespmem:$0x10800] =	vst v63  }
0x86: {  	_ = 	snop  }
0x87: {  	[tilespmem:s24], [sflag:$0x1] =	stream.indirect.gather [hbm4b:s4+s5], $0x20, s23, s5, $0xb8;
	[tilespmem:$0x10800] =	vst v63  }
0x88: {  	_ = 	snop  }
0x89: {  	[tilespmem:s26], [sflag:$0x1] =	stream.indirect.gather [hbm4b:s4+s5], $0x20, s25, s5, $0xb8;
	[tilespmem:$0x10800] =	vst v63  }
0x8a: {  	_ = 	snop  }
0x8b: {  	[tilespmem:s29], [sflag:$0x1] =	stream.indirect.gather [hbm4b:s4+s5], $0x20, s28, s5, $0xb8;
	[tilespmem:$0x10800] =	vst v63  }
0x8c: {  	_ =	swait.ge [sflag:s30], $0x1000  }
0x8d: {  	[sflag:s30] =	ssyncset.done $0x0  }
0x8e: {  	[sflag:s30] =	ssyncadd.s32 $0xFFFFF000  }
0x8f: {  	_ =	swait.ge [sflag:s30], $0x1000  }
0x90: {  	[sflag:s30] =	ssyncset.done $0x0  }
0x91: {  	[sflag:s30] =	ssyncadd.s32 $0xFFFFF000  }
0x92: {  	_ =	swait.ge [sflag:s30], $0x1000  }
0x93: {  	[sflag:s30] =	ssyncset.done $0x0  }
0x94: {  	[sflag:s30] =	ssyncadd.s32 $0xFFFFF000  }
0x95: {  	_ =	swait.ge [sflag:s30], $0x1000  }
0x96: {  	[sflag:s30] =	ssyncset.done $0x0  }
0x97: {  	[sflag:s30] =	ssyncadd.s32 $0xFFFFF000  }
0x98: {  	_ =	swait.ge [sflag:s30], $0x1000  }
0x99: {  	[sflag:s30] =	ssyncset.done $0x0  }
0x9a: {  	[sflag:s30] =	ssyncadd.s32 $0xFFFFF000  }
0x9b: {  	_ =	swait.ge [sflag:s30], $0x1000  }
0x9c: {  	[sflag:s30] =	ssyncset.done $0x0  }
0x9d: {  	[sflag:s30] =	ssyncadd.s32 $0xFFFFF000  }
0x9e: {  	_ =	swait.ge [sflag:s30], $0x1000  }
0x9f: {  	[sflag:s30] =	ssyncset.done $0x0  }
0xa0: {  	[sflag:s30] =	ssyncadd.s32 $0xFFFFF000  }
0xa1: {  	_ =	swait.ge [sflag:s30], $0x1000  }
0xa2: {  	[sflag:s30] =	ssyncset.done $0x0  }
0xa3: {  	[sflag:s30] =	ssyncadd.s32 $0xFFFFF000  }
0xa4: {  	_ =	swait.ge [sflag:s30], $0x1000  }
0xa5: {  	[sflag:s30] =	ssyncset.done $0x0  }
0xa6: {  	[sflag:s30] =	ssyncadd.s32 $0xFFFFF000  }
0xa7: {  	_ =	swait.ge [sflag:s30], $0x1000  }
0xa8: {  	[sflag:s30] =	ssyncset.done $0x0  }
0xa9: {  	[sflag:s30] =	ssyncadd.s32 $0xFFFFF000  }
0xaa: {  	_ =	swait.ge [sflag:s30], $0x1000  }
0xab: {  	[sflag:s30] =	ssyncset.done $0x0  }
0xac: {  	[sflag:s30] =	ssyncadd.s32 $0xFFFFF000  }
0xad: {  	_ =	swait.ge [sflag:s30], $0x1000  }
0xae: {  	[sflag:s30] =	ssyncset.done $0x0  }
0xaf: {  	[sflag:s30] =	ssyncadd.s32 $0xFFFFF000  }
0xb0: {  	_ =	swait.ge [sflag:s30], $0x1000  }
0xb1: {  	[sflag:s30] =	ssyncset.done $0x0  }
0xb2: {  	[sflag:s30] =	ssyncadd.s32 $0xFFFFF000  }
0xb3: {  	_ =	swait.ge [sflag:s30], $0x1000  }
0xb4: {  	[sflag:s30] =	ssyncset.done $0x0  }
0xb5: {  	[sflag:s30] =	ssyncadd.s32 $0xFFFFF000  }
0xb6: {  	_ =	swait.ge [sflag:s30], $0x1000  }
0xb7: {  	p0 =	sne.s32 s0, $0x1;
	[sflag:s30] =	ssyncset.done $0x0  }
.Ltmp1:
0xb8: {  	[sflag:s30] =	ssyncadd.s32 $0xFFFFF000;
	(pc) =	sbr.rel @p0 .LBB2_1-.Ltmp1, $4  }
0xb9: {  	_ =	swait.ge [sflag:s30], $0x1000  }
0xba: {  	[sflag:s30] =	ssyncset.done $0x0  }
0xbb: {  	s0 =	sadd.s32 $0xFFFFFFFF, s0;
	s10 =	rddreg [dreg:$0x4];
	[sflag:s30] =	ssyncadd.s32 $0xFFFFF000  }
0xbc: {  	[hbm4b:s10+s31] =	stream.strided.scatter [tilespmem:s6], [sflag:$0x2], $0x10000, s5, s31, $0x38;
	[tilespmem:$0x10800] =	vst v63  }
.LBB2_2:
0xbd: {  	_ =	swait.ge [sflag:s3], $0x10000  }
0xbe: {  	[sflag:s3] =	ssyncset.done $0x0  }
0xbf: {  	[sflag:s3] =	ssyncadd.s32 $0xFFFF0000  }
0xc0: {  	_ =	sfence.sel $0x180000  }
0xc1: {  	[bflag:$0x0] =	sbarrier.arrive $0xFFFF  }
0xc2: {  	_ =	strace $0x90000047  }
0xc3: {  	s0 =	stileid.u32;
	[bflag:$0x2] =	sbarrier.arrive $0xFFFF  }
0xc4: {  	p0 =	sne.s32 s0, $0x0;
	s0 =	rddreg [dreg:$0x2]  }
0xc5: {  	s0 =	sadd.s32 @!p0 $0x100000, s0  }
0xc6: {  	[sflag:s0] =	ssyncadd.tile.s32 @!p0 $0x1;
	_ =	shalt  }
.Lfunc_end2:
_tile_overlayer_lowered:
.L_overlay_start_2:
0xc7: {  	(tag) =	ssettag $0x2  }
0xc8: {  	s0 =	rddreg [dreg:$0x0];
	s2 =	stileid.u32  }
0xc9: {  	s1 =	rddreg [dreg:$0x1];
	p0 =	sne.s32 s2, $0x0  }
0xca: {  	s3 =	rddreg [dreg:$0x2];
	[bflag:$0x3] =	sbarrier.arrive $0xFFFF;
	s2 =	simm.s32 @!p0 $0x1C02  }
0xcb: {  	[timem:s3], [sflag:s2] =	dma.local @!p0 [hbm:s0], s1  }
0xcc: {  	s0 =	simm.s32 @!p0 $0x2  }
0xcd: {  	_ =	swait.ge @!p0 [sflag:s0], s1  }
0xce: {  	s1 =	ssub.s32 @!p0 $0x0, s1;
	[sflag:s0] =	ssyncset.done @!p0 $0x0  }
0xcf: {  	[sflag:s0] =	ssyncadd.s32 @!p0 s1  }
0xd0: {  	[bflag:$0x3] =	sbarrier.arrive $0xFFFF  }
0xd1: {  	_ =	shalt  }

// kernel: kernel.9.cloned.1.call-start
scs
__scs_entry_jumppad:
0x0: {  	(pc) =	sbr.rel $0x88, $3  }
0x1: {  	(tag) =	ssettag $0x0;
	lr =	simm.s32 $0x1  }
0x2: {  	[smem:$0x3F9C] =	sst lr;
	_ =	strace $0xD0000000  }
0x3: {  	_ = 	snop  }
0x4: {  	_ = 	snop  }
0x5: {  	_ = 	snop  }
0x6: {  	_ = 	snop  }
0x7: {  	_ = 	snop  }
__scs_overlays_trampoline_lowered:
0x8: {  	[smem:$0x3FAB] =	sst s0  }
0x9: {  	[smem:$0x3FAC] =	sst s1  }
0xa: {  	[smem:$0x3FAD] =	sst s2  }
0xb: {  	[smem:$0x3FAE] =	sst s3  }
0xc: {  	[smem:$0x3FAF] =	sst s4  }
0xd: {  	[smem:$0x3FB0] =	sst s5  }
0xe: {  	[smem:$0x3FB1] =	sst s6  }
0xf: {  	[smem:$0x3FB2] =	sst s7  }
0x10: {  	[smem:$0x3FB3] =	sst s8  }
0x11: {  	[smem:$0x3FB4] =	sst s9;
	s0 =	simm.s32 @!p0 $0x0  }
0x12: {  	s1 =	sld [smem:$0x3F9A];
	s0 =	simm.s32 @p0 $0x1  }
0x13: {  	[smem:$0x3FB5] =	sst s0;
	s0 =	simm.s32 @!p1 $0x0  }
0x14: {  	s2 =	sld [smem:$0x3F99];
	s0 =	simm.s32 @p1 $0x1  }
0x15: {  	[smem:$0x3FB6] =	sst s0;
	s0 =	simm.s32 @!p2 $0x0  }
0x16: {  	s3 =	sld [smem:$0x3FDB];
	s0 =	simm.s32 @p2 $0x1  }
0x17: {  	s4 =	simm.s32 $0x1BF5;
	[smem:$0x3FB8] =	sst s0  }
0x18: {  	s0 =	sld [smem:$0x3F9B];
	_ =	swait.ge [sflag:s4], $0x0  }
0x19: {  	s7 =	sld [smem:$0x3F9C]  }
0x1a: {  	s8 =	sadd.s32 $0xFFFFE003, lr  }
0x1b: {  	s9 =	sadd.s32 $0xFFFFFEF7, lr;
	s5 =	simm.s32 $0xFFFFFFFF;
	p2 =	slt.u32 s8, $0xFFFFF086  }
0x1c: {  	p1 =	slt.u32 s9, $0xF7A;
	s5 =	simm.s32 @!p2 $0x0  }
0x1d: {  	s5 =	simm.s32 @p1 $0x1;
	p0 =	seq.s32 s7, s2  }
0x1e: {  	s7 =	smul.u32 @!p0 $0xF7A, s2;
	p2 =	seq.s32 @!p0 s5, $0x0  }
0x1f: {  	s9 =	smul.u32 $0xF7A, s1;
	s8 =	simm.s32 @!p0 $0x1BF5;
	p2 =	por !p2, p0  }
0x20: {  	[sflag:s8] =	ssyncset.s32 @!p0 $0xFFFFF086;
	s6 =	sadd.s32 @!p0 s3, s7;
	s7 =	simm.s32 @!p0 $0x108  }
0x21: {  	s3 =	sadd.s32 s3, s9;
	s6 =	sadd.s32 @!p0 $0x88, s6;
	s7 =	simm.s32 @p2 $0x1082  }
0x22: {  	[simem:s7], [sflag:s8] =	dma.local @!p0 [hbm:s6], $0xF7A  }
0x23: {  	s9 =	sor.u32 $0xD0000000, s2;
	s6 =	simm.s32 $0x108;
	_ =	swait.ge @!p0 [sflag:s8], $0x0  }
0x24: {  	s3 =	sadd.s32 $0x88, s3;
	s6 =	simm.s32 @!p1 $0x1082;
	[sflag:s4] =	ssyncset.s32 $0xFFFFF086  }
0x25: {  	[simem:s6], [sflag:s4] =	dma.local [hbm:s3], $0xF7A  }
0x26: {  	[smem:$0x3F9C] =	sst s1;
	(tag) =	ssettag s2;
	_ =	strace s9  }
0x27: {  	s1 =	sld [smem:$0x3FAC]  }
0x28: {  	s2 =	sld [smem:$0x3FAD]  }
0x29: {  	s4 =	sld [smem:$0x3FAF]  }
0x2a: {  	p0 =	seq.s32 s5, $0x0;
	s5 =	sld [smem:$0x3FB0]  }
0x2b: {  	s6 =	sld [smem:$0x3FB1]  }
0x2c: {  	s7 =	sld [smem:$0x3FB2]  }
0x2d: {  	s3 =	simm.s32 $0x108;
	s8 =	sld [smem:$0x3FB3]  }
0x2e: {  	s3 =	simm.s32 @!p0 $0x1082;
	s9 =	sld [smem:$0x3FB4]  }
0x2f: {  	lr =	sadd.s32 s0, s3;
	s0 =	sld [smem:$0x3FAB]  }
0x30: {  	s3 =	sld [smem:$0x3FAE]  }
0x31: {  	[smem:$0x3FB7] =	sst s10  }
0x32: {  	s10 =	sld [smem:$0x3FB5];
	_ =	sdelay $0x3  }
0x33: {  	p0 =	seq.s32 s10, $0x1;
	s10 =	sld [smem:$0x3FB7];
	_ =	sdelay $0x3  }
0x34: {  	[smem:$0x3FB7] =	sst s10  }
0x35: {  	s10 =	sld [smem:$0x3FB6];
	_ =	sdelay $0x3  }
0x36: {  	p1 =	seq.s32 s10, $0x1;
	s10 =	sld [smem:$0x3FB7];
	_ =	sdelay $0x3  }
0x37: {  	[smem:$0x3FB7] =	sst s10  }
0x38: {  	s10 =	sld [smem:$0x3FB8]  }
0x39: {  	_ = 	snop;
	(pc) =	sbr.ind lr, $3  }
0x3a: {  	_ = 	snop  }
0x3b: {  	_ = 	snop  }
0x3c: {  	p2 =	seq.s32 s10, $0x1;
	s10 =	sld [smem:$0x3FB7]  }
0x3d: {  	_ =	shalt  }
0x3e: {  	_ =	shalt  }
0x3f: {  	_ =	shalt  }
0x40: {  	_ =	shalt  }
0x41: {  	_ =	shalt  }
0x42: {  	_ =	shalt  }
0x43: {  	_ =	shalt  }
0x44: {  	_ =	shalt  }
0x45: {  	_ =	shalt  }
0x46: {  	_ =	shalt  }
0x47: {  	_ =	shalt  }
0x48: {  	_ =	shalt  }
0x49: {  	_ =	shalt  }
0x4a: {  	_ =	shalt  }
0x4b: {  	_ =	shalt  }
0x4c: {  	_ =	shalt  }
0x4d: {  	_ =	shalt  }
0x4e: {  	_ =	shalt  }
0x4f: {  	_ =	shalt  }
0x50: {  	_ =	shalt  }
0x51: {  	_ =	shalt  }
0x52: {  	_ =	shalt  }
0x53: {  	_ =	shalt  }
0x54: {  	_ =	shalt  }
0x55: {  	_ =	shalt  }
0x56: {  	_ =	shalt  }
0x57: {  	_ =	shalt  }
0x58: {  	_ =	shalt  }
0x59: {  	_ =	shalt  }
0x5a: {  	_ =	shalt  }
0x5b: {  	_ =	shalt  }
0x5c: {  	_ =	shalt  }
0x5d: {  	_ =	shalt  }
0x5e: {  	_ =	shalt  }
0x5f: {  	_ =	shalt  }
0x60: {  	_ =	shalt  }
0x61: {  	_ =	shalt  }
0x62: {  	_ =	shalt  }
0x63: {  	_ =	shalt  }
0x64: {  	_ =	shalt  }
0x65: {  	_ =	shalt  }
0x66: {  	_ =	shalt  }
0x67: {  	_ =	shalt  }
0x68: {  	_ =	shalt  }
0x69: {  	_ =	shalt  }
0x6a: {  	_ =	shalt  }
0x6b: {  	_ =	shalt  }
0x6c: {  	_ =	shalt  }
0x6d: {  	_ =	shalt  }
0x6e: {  	_ =	shalt  }
0x6f: {  	_ =	shalt  }
0x70: {  	_ =	shalt  }
0x71: {  	_ =	shalt  }
0x72: {  	_ =	shalt  }
0x73: {  	_ =	shalt  }
0x74: {  	_ =	shalt  }
0x75: {  	_ =	shalt  }
0x76: {  	_ =	shalt  }
0x77: {  	_ =	shalt  }
0x78: {  	_ =	shalt  }
0x79: {  	_ =	shalt  }
0x7a: {  	_ =	shalt  }
0x7b: {  	_ =	shalt  }
0x7c: {  	_ =	shalt  }
0x7d: {  	_ =	shalt  }
0x7e: {  	_ =	shalt  }
0x7f: {  	_ =	shalt  }
0x80: {  	_ =	shalt  }
0x81: {  	_ =	shalt  }
0x82: {  	_ =	shalt  }
0x83: {  	_ =	shalt  }
0x84: {  	_ =	shalt  }
0x85: {  	_ =	shalt  }
0x86: {  	_ =	shalt  }
0x87: {  	_ =	shalt  }
.Lfunc_end0:
.L_simem_size_0:
called_computation.1_lowered:
.L_overlay_start_0:
0x88: {  	s2 =	sld [smem:$0x3FD9]  }
0x89: {  	s3 =	sld [smem:$0x3FFE];
	_ =	sdelay $0x1  }
0x8a: {  	s1 =	srdreg.scid  }
0x8b: {  	s0 =	sand.u32 $0x1, s1  }
0x8c: {  	s17 =	sshll.u32 s0, $0xA;
	s2 =	sadd.s32 s3, s2  }
0x8d: {  	s2 =	sadd.s32 s2, s17  }
0x8e: {  	[smem:$0x3FC3] =	sst s2  }
0x8f: {  	_ = 	snop  }
0x90: {  	(tm) =	ssettm $0x1  }
0x91: {  	s18 =	sld [smem:$0x3FFB];
	_ =	sdelay $0x3  }
0x92: {  	_ =	strace s18  }
0x93: {  	s2 =	sld [smem:$0x3FFC];
	_ =	sdelay $0x3  }
0x94: {  	_ =	strace s2  }
0x95: {  	s2 =	sld [smem:$0x3FFD];
	_ =	sdelay $0x3  }
0x96: {  	_ =	strace s2  }
0x97: {  	_ =	strace $0x8FFFFFFF  }
0x98: {  	s19 =	sld [smem:$0x3FDB];
	_ =	sdelay $0x1  }
0x99: {  	s20 =	simm.s32 $_scs_section_size  }
0x9a: {  	s4 =	simm.s32 $_size__tile_overlayer_lowered;
	s5 =	simm.s32 $_tile_overlayer_lowered  }
0x9b: {  	s6 =	simm.s32 $0x1BFF;
	s21 =	sshll.u32 s5, $0x1;
	s3 =	sadd.s32 s20, s19  }
0x9c: {  	s22 =	simm.s32 $0x0;
	s4 =	sshll.u32 s4, $0x1;
	s5 =	sadd.s32 s21, s3  }
0x9d: {  	[timem:s22], [sflag:s6] =	dma.local [hbm:s5], s4  }
0x9e: {  	_ =	swait.ge [sflag:s6], s4  }
0x9f: {  	s4 =	ssub.s32 $0x0, s4;
	[sflag:s6] =	ssyncset.done $0x0  }
0xa0: {  	[sflag:s6] =	ssyncadd.s32 s4;
	_ =	sdelay $0x1  }
0xa1: {  	s23 =	simm.s32 $0x1B8B  }
0xa2: {  	_ =	swait.ge [sflag:s23], $0x1  }
0xa3: {  	[sflag:s23] =	ssyncset.done $0x0  }
0xa4: {  	[sflag:s23] =	ssyncadd.s32 $0xFFFFFFFF  }
0xa5: {  	s4 =	sld [smem:$0x0]  }
0xa6: {  	s5 =	sand.u32 $0xFFFFFFFE, s1  }
0xa7: {  	p0 =	sne.s32 s1, s5  }
0xa8: {  	s5 =	sshll.u32 @p0 s5, $0xE  }
0xa9: {  	s5 =	sadd.s32 @p0 $0x11B8D, s5;
	s6 =	sshll.u32 @p0 s4, $0x11  }
0xaa: {  	s5 =	sor.u32 @p0 s6, s5  }
0xab: {  	[sflag:s5] =	ssyncadd.remote.s32 @p0 $0x1;
	_ =	sdelay $0x1  }
0xac: {  	s5 =	simm.s32 @p0 $0x1B8D  }
0xad: {  	_ =	swait.eq @p0 [sflag:s5], $0x1  }
0xae: {  	[sflag:s5] =	ssyncadd.s32 @p0 $0xFFFFFFFF  }
0xaf: {  	s6 =	sshll.u32 @!p0 s1, $0xE  }
0xb0: {  	s6 =	sor.u32 @!p0 $0x4000, s6;
	s5 =	simm.s32 @!p0 $0x1B8D  }
0xb1: {  	s4 =	sshll.u32 @!p0 s4, $0x11;
	s6 =	sadd.s32 @!p0 $0x11B8D, s6;
	_ =	swait.eq @!p0 [sflag:s5], $0x1  }
0xb2: {  	s4 =	sor.u32 @!p0 s4, s6;
	[sflag:s5] =	ssyncadd.s32 @!p0 $0xFFFFFFFF  }
0xb3: {  	s25 =	simm.s32 $0x1B8E;
	s24 =	sld [smem:$0x3FFE];
	[sflag:s4] =	ssyncadd.remote.s32 @!p0 $0x1  }
0xb4: {  	s26 =	simm.s32 $execute0_lowered;
	[smem:$0x3FD2] =	sst s25  }
0xb5: {  	s5 =	sshll.u32 s26, $0x1;
	_ =	strace $0x80000049;
	[dreg:$0x1] =	wrdreg $0xFFFFFFFF  }
0xb6: {  	s28 =	simm.s32 $_size_execute0_lowered;
	s3 =	sadd.s32 s3, s5;
	[dreg:$0x0] =	wrdreg $0x0  }
0xb7: {  	s5 =	sshll.u32 s28, $0x1;
	[dreg:$0x2] =	wrdreg s3  }
0xb8: {  	[dreg:$0x3] =	wrdreg s5  }
0xb9: {  	[dreg:$0x4] =	wrdreg $0xC0  }
0xba: {  	_ =	task [dreg:s22], $0x5FFFF  }
0xbb: {  	[dreg:$0x1] =	wrdreg $0xFFFFFFFF  }
0xbc: {  	[dreg:$0x0] =	wrdreg $0x60  }
0xbd: {  	[dreg:$0x2] =	wrdreg s24  }
0xbe: {  	[dreg:$0x3] =	wrdreg $0xA  }
0xbf: {  	_ =	task.clear_ibuf [dreg:s22], $0x4FFFF;
	_ =	strace $0x90000049  }
0xc0: {  	s29 =	simm.s32 $0xA;
	_ =	strace $0x8000004B  }
0xc1: {  	_ =	swait.ge [sflag:s29], $0x1  }
0xc2: {  	[sflag:s29] =	ssyncadd.s32 $0xFFFFFFFF  }
0xc3: {  	_ =	strace $0x9000004B  }
0xc4: {  	_ =	sfence  }
0xc5: {  	s30 =	sld [smem:$0x0];
	_ =	sdelay $0x2  }
0xc6: {  	s31 =	sshll.u32 s1, $0xD;
	s1 =	sshrl.u32 s1, $0x2  }
0xc7: {  	s4 =	sand.u32 $0x4000, s31;
	s1 =	sadd.s32 s1, s30  }
0xc8: {  	s0 =	sor.u32 s4, s0;
	s1 =	sshll.u32 s1, $0x11  }
0xc9: {  	s0 =	sor.u32 s1, s0  }
0xca: {  	s0 =	sadd.s32 $0x8F2B, s0  }
0xcb: {  	[sflag:s0] =	ssyncadd.remote.s32 $0x1  }
0xcc: {  	_ =	sfence.sel $0xFFFF  }
0xcd: {  	[dreg:$0x0] =	wrdreg $0xFFFFFFFF;
	(pc) =	sbr.abs _section_cstart, $3  }
0xce: {  	[dreg:$0x1] =	wrdreg $0xFFFFFFFF  }
0xcf: {  	_ =	task.clear_ibuf [dreg:s22], $0x2FFFF;
	_ =	strace $0x9FFFFFFF  }
0xd0: {  	(tm) =	ssettm $0x7FFFFFFF  }
0xd1: {  	_ =	shalt  }
tec
execute0_lowered:
.L_overlay_start_1:
0x0: {  	(tag) =	ssettag $0x1  }
0x1: {  	s4 =	rddreg [dreg:$0x0]  }
0x2: {  	s0 =	srdreg.scid;
	s2 =	simm.s32 $0x0;
	s1 =	stileid.u32  }
0x3: {  	s14 =	simm.s32 $0x1800;
	s15 =	simm.s32 $0x100;
	s16 =	simm.s32 $0x2800  }
0x4: {  	s17 =	simm.s32 $0x180;
	s18 =	simm.s32 $0x3800;
	s19 =	simm.s32 $0x200  }
0x5: {  	s21 =	simm.s32 $0x4800;
	s0 =	sand.u32 $0x1, s0;
	[smem:$0x7FF] =	sst s2  }
0x6: {  	s3 =	sshll.u32 s1, $0x9;
	_ =	strace $0x8000004A;
	[dreg:$0x4] =	wrdreg s14  }
0x7: {  	s6 =	sshll.u32 s1, $0xE;
	s7 =	sshll.u32 s1, $0x2;
	[dreg:$0x5] =	wrdreg s15  }
0x8: {  	s5 =	sshll.u32 s0, $0x8;
	s12 =	sshll.u32 s0, $0xF;
	[dreg:$0x6] =	wrdreg s16  }
0x9: {  	s6 =	sand.u32 $0x30000, s6;
	s7 =	sand.u32 $0xC, s7;
	[dreg:$0x7] =	wrdreg s17  }
0xa: {  	[dreg:$0x8] =	wrdreg s18;
	s3 =	sor.u32 s5, s3;
	s5 =	sadd.s32 s12, s4  }
0xb: {  	[dreg:$0x9] =	wrdreg s19;
	s3 =	sadd.s32 s3, s4;
	s5 =	sadd.s32 s6, s5  }
0xc: {  	[dreg:$0xa] =	wrdreg s21;
	s3 =	sadd.s32 $0x4200, s3;
	s5 =	sadd.s32 s7, s5  }
0xd: {  	[dreg:$0x2] =	wrdreg s3;
	s13 =	sadd.s32 $0x6200, s5  }
0xe: {  	[dreg:$0x3] =	wrdreg s13  }
0xf: {  	s3 =	simm.s32 $0x2;
	s20 =	rddreg [dreg:$0x2]  }
0x10: {  	[tilespmem:s2], [sflag:$0x2] =	stream.linear.gather [hbm4b:s20+s2], $0x800, $0x38;
	[tilespmem:$0x10800] =	vst v63  }
0x11: {  	_ =	swait.ge [sflag:s3], $0x800  }
0x12: {  	s4 =	sadd.s32 $0x1200, s4;
	s22 =	rddreg [dreg:$0xa]  }
0x13: {  	s6 =	simm.s32 $0x800;
	s8 =	rddreg [dreg:$0x5];
	[sflag:s3] =	ssyncset.done $0x0  }
0x14: {  	s5 =	simm.s32 $0x80;
	s9 =	rddreg [dreg:$0x4];
	[sflag:s3] =	ssyncadd.s32 $0xFFFFF800  }
0x15: {  	[tilespmem:s6], [sflag:$0x1] =	stream.indirect.gather [hbm4b:s4+s5], $0x20, s2, s5, $0xb8;
	[tilespmem:$0x10800] =	vst v63  }
0x16: {  	s10 =	rddreg [dreg:$0x6]  }
0x17: {  	[tilespmem:s9], [sflag:$0x1] =	stream.indirect.gather [hbm4b:s4+s5], $0x20, s5, s5, $0xb8;
	[tilespmem:$0x10800] =	vst v63  }
0x18: {  	s11 =	rddreg [dreg:$0x8]  }
0x19: {  	[tilespmem:s10], [sflag:$0x1] =	stream.indirect.gather [hbm4b:s4+s5], $0x20, s8, s5, $0xb8;
	[tilespmem:$0x10800] =	vst v63  }
0x1a: {  	s23 =	rddreg [dreg:$0x7]  }
0x1b: {  	[tilespmem:s11], [sflag:$0x1] =	stream.indirect.gather [hbm4b:s4+s5], $0x20, s23, s5, $0xb8;
	[tilespmem:$0x10800] =	vst v63  }
0x1c: {  	s24 =	rddreg [dreg:$0x9]  }
0x1d: {  	[tilespmem:s22], [sflag:$0x1] =	stream.indirect.gather [hbm4b:s4+s5], $0x20, s24, s5, $0xb8;
	[tilespmem:$0x10800] =	vst v63  }
0x1e: {  	s25 =	simm.s32 $0x280;
	s26 =	simm.s32 $0x5800  }
0x1f: {  	[tilespmem:s26], [sflag:$0x1] =	stream.indirect.gather [hbm4b:s4+s5], $0x20, s25, s5, $0xb8;
	[tilespmem:$0x10800] =	vst v63  }
0x20: {  	s9 =	simm.s32 $0x6800;
	s8 =	simm.s32 $0x300  }
0x21: {  	[tilespmem:s9], [sflag:$0x1] =	stream.indirect.gather [hbm4b:s4+s5], $0x20, s8, s5, $0xb8;
	[tilespmem:$0x10800] =	vst v63  }
0x22: {  	s12 =	simm.s32 $0x7800;
	s11 =	simm.s32 $0x380  }
0x23: {  	[tilespmem:s12], [sflag:$0x1] =	stream.indirect.gather [hbm4b:s4+s5], $0x20, s11, s5, $0xb8;
	[tilespmem:$0x10800] =	vst v63  }
0x24: {  	s14 =	simm.s32 $0x8800;
	s13 =	simm.s32 $0x400  }
0x25: {  	[tilespmem:s14], [sflag:$0x1] =	stream.indirect.gather [hbm4b:s4+s5], $0x20, s13, s5, $0xb8;
	[tilespmem:$0x10800] =	vst v63  }
0x26: {  	s15 =	simm.s32 $0x480;
	s16 =	simm.s32 $0x9800  }
0x27: {  	[tilespmem:s16], [sflag:$0x1] =	stream.indirect.gather [hbm4b:s4+s5], $0x20, s15, s5, $0xb8;
	[tilespmem:$0x10800] =	vst v63  }
0x28: {  	s17 =	simm.s32 $0x500;
	s18 =	simm.s32 $0xA800  }
0x29: {  	[tilespmem:s18], [sflag:$0x1] =	stream.indirect.gather [hbm4b:s4+s5], $0x20, s17, s5, $0xb8;
	[tilespmem:$0x10800] =	vst v63  }
0x2a: {  	s19 =	simm.s32 $0x580;
	s20 =	simm.s32 $0xB800  }
0x2b: {  	[tilespmem:s20], [sflag:$0x1] =	stream.indirect.gather [hbm4b:s4+s5], $0x20, s19, s5, $0xb8;
	[tilespmem:$0x10800] =	vst v63  }
0x2c: {  	s21 =	simm.s32 $0x600;
	s22 =	simm.s32 $0xC800  }
0x2d: {  	[tilespmem:s22], [sflag:$0x1] =	stream.indirect.gather [hbm4b:s4+s5], $0x20, s21, s5, $0xb8;
	[tilespmem:$0x10800] =	vst v63  }
0x2e: {  	s23 =	simm.s32 $0x680;
	s24 =	simm.s32 $0xD800  }
0x2f: {  	[tilespmem:s24], [sflag:$0x1] =	stream.indirect.gather [hbm4b:s4+s5], $0x20, s23, s5, $0xb8;
	[tilespmem:$0x10800] =	vst v63  }
0x30: {  	s25 =	simm.s32 $0x700;
	s26 =	simm.s32 $0xE800  }
0x31: {  	[tilespmem:s26], [sflag:$0x1] =	stream.indirect.gather [hbm4b:s4+s5], $0x20, s25, s5, $0xb8;
	[tilespmem:$0x10800] =	vst v63  }
0x32: {  	s28 =	simm.s32 $0x780;
	s29 =	simm.s32 $0xF800;
	s30 =	simm.s32 $0x1  }
0x33: {  	[tilespmem:s29], [sflag:$0x1] =	stream.indirect.gather [hbm4b:s4+s5], $0x20, s28, s5, $0xb8;
	[tilespmem:$0x10800] =	vst v63  }
0x34: {  	_ =	swait.ge [sflag:s30], $0x1000  }
0x35: {  	[sflag:s30] =	ssyncset.done $0x0  }
0x36: {  	[sflag:s30] =	ssyncadd.s32 $0xFFFFF000  }
0x37: {  	_ =	swait.ge [sflag:s30], $0x1000  }
0x38: {  	[sflag:s30] =	ssyncset.done $0x0  }
0x39: {  	[sflag:s30] =	ssyncadd.s32 $0xFFFFF000  }
0x3a: {  	_ =	swait.ge [sflag:s30], $0x1000  }
0x3b: {  	[sflag:s30] =	ssyncset.done $0x0  }
0x3c: {  	[sflag:s30] =	ssyncadd.s32 $0xFFFFF000  }
0x3d: {  	_ =	swait.ge [sflag:s30], $0x1000  }
0x3e: {  	[sflag:s30] =	ssyncset.done $0x0  }
0x3f: {  	[sflag:s30] =	ssyncadd.s32 $0xFFFFF000  }
0x40: {  	_ =	swait.ge [sflag:s30], $0x1000  }
0x41: {  	[sflag:s30] =	ssyncset.done $0x0  }
0x42: {  	[sflag:s30] =	ssyncadd.s32 $0xFFFFF000  }
0x43: {  	_ =	swait.ge [sflag:s30], $0x1000  }
0x44: {  	[sflag:s30] =	ssyncset.done $0x0  }
0x45: {  	[sflag:s30] =	ssyncadd.s32 $0xFFFFF000  }
0x46: {  	_ =	swait.ge [sflag:s30], $0x1000  }
0x47: {  	[sflag:s30] =	ssyncset.done $0x0  }
0x48: {  	[sflag:s30] =	ssyncadd.s32 $0xFFFFF000  }
0x49: {  	_ =	swait.ge [sflag:s30], $0x1000  }
0x4a: {  	[sflag:s30] =	ssyncset.done $0x0  }
0x4b: {  	[sflag:s30] =	ssyncadd.s32 $0xFFFFF000  }
0x4c: {  	_ =	swait.ge [sflag:s30], $0x1000  }
0x4d: {  	[sflag:s30] =	ssyncset.done $0x0  }
0x4e: {  	[sflag:s30] =	ssyncadd.s32 $0xFFFFF000  }
0x4f: {  	_ =	swait.ge [sflag:s30], $0x1000  }
0x50: {  	[sflag:s30] =	ssyncset.done $0x0  }
0x51: {  	[sflag:s30] =	ssyncadd.s32 $0xFFFFF000  }
0x52: {  	_ =	swait.ge [sflag:s30], $0x1000  }
0x53: {  	[sflag:s30] =	ssyncset.done $0x0  }
0x54: {  	[sflag:s30] =	ssyncadd.s32 $0xFFFFF000  }
0x55: {  	_ =	swait.ge [sflag:s30], $0x1000  }
0x56: {  	[sflag:s30] =	ssyncset.done $0x0  }
0x57: {  	[sflag:s30] =	ssyncadd.s32 $0xFFFFF000  }
0x58: {  	_ =	swait.ge [sflag:s30], $0x1000  }
0x59: {  	[sflag:s30] =	ssyncset.done $0x0  }
0x5a: {  	[sflag:s30] =	ssyncadd.s32 $0xFFFFF000  }
0x5b: {  	s0 =	ssub.s32 $0x2, s0;
	_ =	swait.ge [sflag:s30], $0x1000  }
0x5c: {  	s31 =	sshrl.u32 s0, $0x1;
	[sflag:s30] =	ssyncset.done $0x0  }
0x5d: {  	s0 =	ssub.s32 s0, s31;
	[sflag:s30] =	ssyncadd.s32 $0xFFFFF000  }
0x5e: {  	s0 =	smax.u32 s0, $0x1;
	_ =	swait.ge [sflag:s30], $0x1000  }
0x5f: {  	p0 =	sne.s32 s0, $0x1;
	[sflag:s30] =	ssyncset.done $0x0  }
.Ltmp0:
0x60: {  	[sflag:s30] =	ssyncadd.s32 $0xFFFFF000;
	(pc) =	sbr.rel @!p0 .LBB2_2-.Ltmp0, $4  }
0x61: {  	_ =	swait.ge [sflag:s30], $0x1000  }
0x62: {  	s31 =	simm.s32 $0x20;
	[sflag:s30] =	ssyncset.done $0x0  }
0x63: {  	s0 =	sadd.s32 $0xFFFFFFFF, s0;
	s10 =	rddreg [dreg:$0x3];
	[sflag:s30] =	ssyncadd.s32 $0xFFFFF000  }
0x64: {  	[hbm4b:s10+s31] =	stream.strided.scatter [tilespmem:s6], [sflag:$0x2], $0x10000, s5, s31, $0x38;
	[tilespmem:$0x10800] =	vst v63  }
.LBB2_1:
0x65: {  	_ =	swait.ge [sflag:s3], $0x10000  }
0x66: {  	[sflag:s3] =	ssyncset.done $0x0  }
0x67: {  	s1 =	rddreg [dreg:$0x2];
	[sflag:s3] =	ssyncadd.s32 $0xFFFF0000  }
0x68: {  	[tilespmem:s2], [sflag:$0x2] =	stream.linear.gather [hbm4b:s1+s2], $0x800, $0x38;
	[tilespmem:$0x10800] =	vst v63  }
0x69: {  	_ =	swait.ge [sflag:s3], $0x800  }
0x6a: {  	s1 =	rddreg [dreg:$0xa]  }
0x6b: {  	[sflag:s3] =	ssyncset.done $0x0;
	s7 =	rddreg [dreg:$0x5]  }
0x6c: {  	s8 =	rddreg [dreg:$0x4];
	[sflag:s3] =	ssyncadd.s32 $0xFFFFF800  }
0x6d: {  	[tilespmem:s6], [sflag:$0x1] =	stream.indirect.gather [hbm4b:s4+s5], $0x20, s2, s5, $0xb8;
	[tilespmem:$0x10800] =	vst v63  }
0x6e: {  	s9 =	rddreg [dreg:$0x6]  }
0x6f: {  	[tilespmem:s8], [sflag:$0x1] =	stream.indirect.gather [hbm4b:s4+s5], $0x20, s5, s5, $0xb8;
	[tilespmem:$0x10800] =	vst v63  }
0x70: {  	s10 =	rddreg [dreg:$0x8]  }
0x71: {  	[tilespmem:s9], [sflag:$0x1] =	stream.indirect.gather [hbm4b:s4+s5], $0x20, s7, s5, $0xb8;
	[tilespmem:$0x10800] =	vst v63  }
0x72: {  	s8 =	rddreg [dreg:$0x7]  }
0x73: {  	[tilespmem:s10], [sflag:$0x1] =	stream.indirect.gather [hbm4b:s4+s5], $0x20, s8, s5, $0xb8;
	[tilespmem:$0x10800] =	vst v63  }
0x74: {  	s9 =	rddreg [dreg:$0x9]  }
0x75: {  	[tilespmem:s1], [sflag:$0x1] =	stream.indirect.gather [hbm4b:s4+s5], $0x20, s9, s5, $0xb8;
	[tilespmem:$0x10800] =	vst v63  }
0x76: {  	s10 =	simm.s32 $0x5800;
	s9 =	simm.s32 $0x280  }
0x77: {  	[tilespmem:s10], [sflag:$0x1] =	stream.indirect.gather [hbm4b:s4+s5], $0x20, s9, s5, $0xb8;
	[tilespmem:$0x10800] =	vst v63  }
0x78: {  	s8 =	simm.s32 $0x300;
	s9 =	simm.s32 $0x6800  }
0x79: {  	[tilespmem:s9], [sflag:$0x1] =	stream.indirect.gather [hbm4b:s4+s5], $0x20, s8, s5, $0xb8;
	[tilespmem:$0x10800] =	vst v63  }
0x7a: {  	_ = 	snop  }
0x7b: {  	[tilespmem:s12], [sflag:$0x1] =	stream.indirect.gather [hbm4b:s4+s5], $0x20, s11, s5, $0xb8;
	[tilespmem:$0x10800] =	vst v63  }
0x7c: {  	_ = 	snop  }
0x7d: {  	[tilespmem:s14], [sflag:$0x1] =	stream.indirect.gather [hbm4b:s4+s5], $0x20, s13, s5, $0xb8;
	[tilespmem:$0x10800] =	vst v63  }
0x7e: {  	_ = 	snop  }
0x7f: {  	[tilespmem:s16], [sflag:$0x1] =	stream.indirect.gather [hbm4b:s4+s5], $0x20, s15, s5, $0xb8;
	[tilespmem:$0x10800] =	vst v63  }
0x80: {  	_ = 	snop  }
0x81: {  	[tilespmem:s18], [sflag:$0x1] =	stream.indirect.gather [hbm4b:s4+s5], $0x20, s17, s5, $0xb8;
	[tilespmem:$0x10800] =	vst v63  }
0x82: {  	_ = 	snop  }
0x83: {  	[tilespmem:s20], [sflag:$0x1] =	stream.indirect.gather [hbm4b:s4+s5], $0x20, s19, s5, $0xb8;
	[tilespmem:$0x10800] =	vst v63  }
0x84: {  	_ = 	snop  }
0x85: {  	[tilespmem:s22], [sflag:$0x1] =	stream.indirect.gather [hbm4b:s4+s5], $0x20, s21, s5, $0xb8;
	[tilespmem:$0x10800] =	vst v63  }
0x86: {  	_ = 	snop  }
0x87: {  	[tilespmem:s24], [sflag:$0x1] =	stream.indirect.gather [hbm4b:s4+s5], $0x20, s23, s5, $0xb8;
	[tilespmem:$0x10800] =	vst v63  }
0x88: {  	_ = 	snop  }
0x89: {  	[tilespmem:s26], [sflag:$0x1] =	stream.indirect.gather [hbm4b:s4+s5], $0x20, s25, s5, $0xb8;
	[tilespmem:$0x10800] =	vst v63  }
0x8a: {  	_ = 	snop  }
0x8b: {  	[tilespmem:s29], [sflag:$0x1] =	stream.indirect.gather [hbm4b:s4+s5], $0x20, s28, s5, $0xb8;
	[tilespmem:$0x10800] =	vst v63  }
0x8c: {  	_ =	swait.ge [sflag:s30], $0x1000  }
0x8d: {  	[sflag:s30] =	ssyncset.done $0x0  }
0x8e: {  	[sflag:s30] =	ssyncadd.s32 $0xFFFFF000  }
0x8f: {  	_ =	swait.ge [sflag:s30], $0x1000  }
0x90: {  	[sflag:s30] =	ssyncset.done $0x0  }
0x91: {  	[sflag:s30] =	ssyncadd.s32 $0xFFFFF000  }
0x92: {  	_ =	swait.ge [sflag:s30], $0x1000  }
0x93: {  	[sflag:s30] =	ssyncset.done $0x0  }
0x94: {  	[sflag:s30] =	ssyncadd.s32 $0xFFFFF000  }
0x95: {  	_ =	swait.ge [sflag:s30], $0x1000  }
0x96: {  	[sflag:s30] =	ssyncset.done $0x0  }
0x97: {  	[sflag:s30] =	ssyncadd.s32 $0xFFFFF000  }
0x98: {  	_ =	swait.ge [sflag:s30], $0x1000  }
0x99: {  	[sflag:s30] =	ssyncset.done $0x0  }
0x9a: {  	[sflag:s30] =	ssyncadd.s32 $0xFFFFF000  }
0x9b: {  	_ =	swait.ge [sflag:s30], $0x1000  }
0x9c: {  	[sflag:s30] =	ssyncset.done $0x0  }
0x9d: {  	[sflag:s30] =	ssyncadd.s32 $0xFFFFF000  }
0x9e: {  	_ =	swait.ge [sflag:s30], $0x1000  }
0x9f: {  	[sflag:s30] =	ssyncset.done $0x0  }
0xa0: {  	[sflag:s30] =	ssyncadd.s32 $0xFFFFF000  }
0xa1: {  	_ =	swait.ge [sflag:s30], $0x1000  }
0xa2: {  	[sflag:s30] =	ssyncset.done $0x0  }
0xa3: {  	[sflag:s30] =	ssyncadd.s32 $0xFFFFF000  }
0xa4: {  	_ =	swait.ge [sflag:s30], $0x1000  }
0xa5: {  	[sflag:s30] =	ssyncset.done $0x0  }
0xa6: {  	[sflag:s30] =	ssyncadd.s32 $0xFFFFF000  }
0xa7: {  	_ =	swait.ge [sflag:s30], $0x1000  }
0xa8: {  	[sflag:s30] =	ssyncset.done $0x0  }
0xa9: {  	[sflag:s30] =	ssyncadd.s32 $0xFFFFF000  }
0xaa: {  	_ =	swait.ge [sflag:s30], $0x1000  }
0xab: {  	[sflag:s30] =	ssyncset.done $0x0  }
0xac: {  	[sflag:s30] =	ssyncadd.s32 $0xFFFFF000  }
0xad: {  	_ =	swait.ge [sflag:s30], $0x1000  }
0xae: {  	[sflag:s30] =	ssyncset.done $0x0  }
0xaf: {  	[sflag:s30] =	ssyncadd.s32 $0xFFFFF000  }
0xb0: {  	_ =	swait.ge [sflag:s30], $0x1000  }
0xb1: {  	[sflag:s30] =	ssyncset.done $0x0  }
0xb2: {  	[sflag:s30] =	ssyncadd.s32 $0xFFFFF000  }
0xb3: {  	_ =	swait.ge [sflag:s30], $0x1000  }
0xb4: {  	[sflag:s30] =	ssyncset.done $0x0  }
0xb5: {  	[sflag:s30] =	ssyncadd.s32 $0xFFFFF000  }
0xb6: {  	_ =	swait.ge [sflag:s30], $0x1000  }
0xb7: {  	p0 =	sne.s32 s0, $0x1;
	[sflag:s30] =	ssyncset.done $0x0  }
.Ltmp1:
0xb8: {  	[sflag:s30] =	ssyncadd.s32 $0xFFFFF000;
	(pc) =	sbr.rel @p0 .LBB2_1-.Ltmp1, $4  }
0xb9: {  	_ =	swait.ge [sflag:s30], $0x1000  }
0xba: {  	[sflag:s30] =	ssyncset.done $0x0  }
0xbb: {  	s0 =	sadd.s32 $0xFFFFFFFF, s0;
	s10 =	rddreg [dreg:$0x3];
	[sflag:s30] =	ssyncadd.s32 $0xFFFFF000  }
0xbc: {  	[hbm4b:s10+s31] =	stream.strided.scatter [tilespmem:s6], [sflag:$0x2], $0x10000, s5, s31, $0x38;
	[tilespmem:$0x10800] =	vst v63  }
.LBB2_2:
0xbd: {  	_ =	swait.ge [sflag:s3], $0x10000  }
0xbe: {  	[sflag:s3] =	ssyncset.done $0x0  }
0xbf: {  	[sflag:s3] =	ssyncadd.s32 $0xFFFF0000  }
0xc0: {  	_ =	sfence.sel $0x180000  }
0xc1: {  	[bflag:$0x0] =	sbarrier.arrive $0xFFFF  }
0xc2: {  	_ =	strace $0x9000004A  }
0xc3: {  	s0 =	stileid.u32;
	[bflag:$0x2] =	sbarrier.arrive $0xFFFF  }
0xc4: {  	p0 =	sne.s32 s0, $0x0;
	s0 =	rddreg [dreg:$0x1]  }
0xc5: {  	s0 =	sadd.s32 @!p0 $0x100000, s0  }
0xc6: {  	[sflag:s0] =	ssyncadd.tile.s32 @!p0 $0x1;
	_ =	shalt  }
.Lfunc_end2:
_tile_overlayer_lowered:
.L_overlay_start_2:
0xc7: {  	(tag) =	ssettag $0x2  }
0xc8: {  	s0 =	rddreg [dreg:$0x0];
	s2 =	stileid.u32  }
0xc9: {  	s1 =	rddreg [dreg:$0x1];
	p0 =	sne.s32 s2, $0x0  }
0xca: {  	s3 =	rddreg [dreg:$0x2];
	[bflag:$0x3] =	sbarrier.arrive $0xFFFF;
	s2 =	simm.s32 @!p0 $0x1C02  }
0xcb: {  	[timem:s3], [sflag:s2] =	dma.local @!p0 [hbm:s0], s1  }
0xcc: {  	s0 =	simm.s32 @!p0 $0x2  }
0xcd: {  	_ =	swait.ge @!p0 [sflag:s0], s1  }
0xce: {  	s1 =	ssub.s32 @!p0 $0x0, s1;
	[sflag:s0] =	ssyncset.done @!p0 $0x0  }
0xcf: {  	[sflag:s0] =	ssyncadd.s32 @!p0 s1  }
0xd0: {  	[bflag:$0x3] =	sbarrier.arrive $0xFFFF  }
0xd1: {  	_ =	shalt  }

</sc_bundles>
